<compile_context>
chip_gen: v7x
topology: tpu7x:2x2x1
jax: 0.10.2.dev20260603
libtpu: 0.0.44.dev20260713+nightly
codegen_flags: <defaults>
</compile_context>

<pallas_src>
import functools

import jax
import jax.numpy as jnp
from jax import lax
from jax.experimental import pallas as pl
from jax.experimental.pallas import tpu as pltpu
from jax.experimental.pallas import tpu_sc as plsc

N = 4096
D = 512
C = 128
BLK = 256
NBLK = N // BLK
TW = 640
ALPHA = 0.2
_NT = (((1,), (1,)), ((), ()))

_NC = 2
_NS = 16
_NW = _NC * _NS
_RPW = N // _NW
_CH = 32
_NCHUNK = _RPW // _CH


def _bf16(x):
    return x.astype(jnp.bfloat16)



def _proj_body(x_ref, enc_ref, watt_ref, a8_ref, xproj_ref, wh_ref, e_ref):
    xp = jnp.dot(x_ref[...], enc_ref[...], preferred_element_type=jnp.float32)
    wh = jnp.dot(_bf16(xp), watt_ref[...], preferred_element_type=jnp.float32)
    e_ref[...] = lax.dot_general(wh, a8_ref[...], _NT,
                                 precision=lax.Precision.HIGHEST,
                                 preferred_element_type=jnp.float32)
    xproj_ref[...] = _bf16(xp)
    wh_ref[...] = _bf16(wh)


def _rank_body(e2row_ref, e_ref, idx_ref):
    i = pl.program_id(0)
    row = e2row_ref[...]
    e1b = e_ref[:, 0:1]
    e2b = e_ref[:, 1:2]
    jglob = (lax.broadcasted_iota(jnp.int32, (BLK, 1), 0) + i * BLK)
    lane = lax.broadcasted_iota(jnp.int32, (BLK, N), 1)
    less = (row < e2b).astype(jnp.int32)
    tie = jnp.logical_and(row == e2b, lane < jglob).astype(jnp.int32)
    rank = jnp.sum(less + tie, axis=1, keepdims=True)
    k = jnp.sum((row <= -e1b).astype(jnp.int32), axis=1, keepdims=True)
    kg = jnp.clip(k - 1, 0, N - 1)
    kh = jnp.clip(k, 0, N - 1)
    zero = jnp.zeros((BLK, 4), jnp.int32)
    idx_ref[...] = jnp.concatenate([rank, k, kg, kh, zero], axis=1)


def _table_body(e2row_ref, e_ref, wh_ref, tu_ref, tv_ref):
    m2 = jnp.max(e2row_ref[...])
    e2b = e_ref[:, 1:2]
    u = jnp.exp(e2b - m2)
    v = jnp.exp(ALPHA * (e2b - m2))
    whf = wh_ref[...].astype(jnp.float32)
    pad = jnp.zeros((BLK, TW - D - 1), jnp.float32)
    tu_ref[...] = jnp.concatenate([u * whf, u, pad], axis=1)
    tv_ref[...] = jnp.concatenate([v * whf, v, pad], axis=1)


def _cumsum_body(su_ref, sv_ref, cu_ref, cv_ref, ucar, vcar):
    i = pl.program_id(0)

    @pl.when(i == 0)
    def _():
        ucar[...] = jnp.zeros((1, TW), jnp.float32)
        vcar[...] = jnp.zeros((1, TW), jnp.float32)

    r = lax.broadcasted_iota(jnp.int32, (BLK, BLK), 0)
    c = lax.broadcasted_iota(jnp.int32, (BLK, BLK), 1)
    lv = (r >= c).astype(jnp.float32)
    lu = (r <= c).astype(jnp.float32)
    cv = jnp.dot(lv, sv_ref[...], precision=lax.Precision.HIGHEST,
                 preferred_element_type=jnp.float32) + vcar[...]
    cu = jnp.dot(lu, su_ref[...], precision=lax.Precision.HIGHEST,
                 preferred_element_type=jnp.float32) + ucar[...]
    cv_ref[...] = cv
    cu_ref[...] = cu
    vcar[...] = cv[BLK - 1:BLK, :]
    ucar[...] = cu[0:1, :]


def _combine_body(e2row_ref, e_ref, idx_ref, gg_ref, hg_ref, xproj_ref,
                  w1_ref, z1_ref):
    m2 = jnp.max(e2row_ref[...])
    e1b = e_ref[:, 0:1]
    k = idx_ref[:, 1:2]
    t = e1b + m2
    m = jnp.where(t >= 0, t, ALPHA * t)
    p = jnp.exp(t - m)
    q = jnp.exp(ALPHA * t - m)
    mg = (k > 0).astype(jnp.float32)
    mh = (k < N).astype(jnp.float32)
    g = gg_ref[:, 0:D] * mg
    gs = gg_ref[:, D:D + 1] * mg
    h = hg_ref[:, 0:D] * mh
    hs = hg_ref[:, D:D + 1] * mh
    num = p * h + q * g
    z = p * hs + q * gs
    x_att = num / z
    x_ent = xproj_ref[...].astype(jnp.float32) * x_att
    z1_ref[...] = _bf16(
        jnp.dot(_bf16(x_ent), w1_ref[...], preferred_element_type=jnp.float32))


def _gcn1_body(adj_ref, z1_ref, b1_ref, w2_ref, z2_ref):
    y1 = jnp.dot(adj_ref[...], z1_ref[...], preferred_element_type=jnp.float32)
    y1 = jnp.maximum(y1 + b1_ref[...], 0.0)
    z2_ref[...] = _bf16(
        jnp.dot(_bf16(y1), w2_ref[...], preferred_element_type=jnp.float32))


def _gcn2_body(adj_ref, z2_ref, b2_ref, w3_ref, z3_ref):
    y2 = jnp.dot(adj_ref[...], z2_ref[...], preferred_element_type=jnp.float32)
    y2 = y2 + b2_ref[...]
    z3_ref[...] = _bf16(
        jnp.dot(_bf16(y2), w3_ref[...], preferred_element_type=jnp.float32))


def _gcn3_body(adj_ref, z3_ref, b3_ref, out_ref):
    y3 = jnp.dot(adj_ref[...], z3_ref[...], preferred_element_type=jnp.float32)
    y3 = y3 + b3_ref[...]
    m = jnp.max(y3, axis=1, keepdims=True)
    s = y3 - m
    lse = jnp.log(jnp.sum(jnp.exp(s), axis=1, keepdims=True))
    out_ref[...] = s - lse


def _row_blocked(d):
    return pl.BlockSpec((BLK, d), lambda i: (i, 0))


def _whole(r, c_):
    return pl.BlockSpec((r, c_), lambda i: (0, 0))



def _sc_scatter_body(tu, tv, rank1d, su, sv, idx_v, buf_u, buf_v, sem_u,
                     sem_v):
    wid = lax.axis_index("s") * _NC + lax.axis_index("c")
    base = wid * _RPW
    for ci in range(_NCHUNK):
        off = base + ci * _CH
        pltpu.sync_copy(rank1d.at[pl.ds(off, _CH)], idx_v)
        pltpu.sync_copy(tu.at[pl.ds(off, _CH)], buf_u)
        pltpu.sync_copy(tv.at[pl.ds(off, _CH)], buf_v)
        pltpu.async_copy(buf_u, su.at[idx_v], sem_u).wait()
        pltpu.async_copy(buf_v, sv.at[idx_v], sem_v).wait()


def _sc_gather_body(cu, cv, kg1d, kh1d, hg, gg, idx_v, buf_u, buf_v, sem_u,
                    sem_v):
    wid = lax.axis_index("s") * _NC + lax.axis_index("c")
    base = wid * _RPW
    for ci in range(_NCHUNK):
        off = base + ci * _CH
        pltpu.sync_copy(kh1d.at[pl.ds(off, _CH)], idx_v)
        pltpu.async_copy(cu.at[idx_v], buf_u, sem_u).wait()
        pltpu.sync_copy(buf_u, hg.at[pl.ds(off, _CH)])
        pltpu.sync_copy(kg1d.at[pl.ds(off, _CH)], idx_v)
        pltpu.async_copy(cv.at[idx_v], buf_v, sem_v).wait()
        pltpu.sync_copy(buf_v, gg.at[pl.ds(off, _CH)])


def _sc_mesh():
    return plsc.VectorSubcoreMesh(core_axis_name="c", subcore_axis_name="s")


def _sc_scatter(tu, tv, rank1d):
    f = pl.kernel(
        _sc_scatter_body,
        mesh=_sc_mesh(),
        out_type=[jax.ShapeDtypeStruct((N, TW), jnp.float32)] * 2,
        scratch_types=[
            pltpu.VMEM((_CH,), jnp.int32),
            pltpu.VMEM((_CH, TW), jnp.float32),
            pltpu.VMEM((_CH, TW), jnp.float32),
            pltpu.SemaphoreType.DMA,
            pltpu.SemaphoreType.DMA,
        ],
    )
    return f(tu, tv, rank1d)


def _sc_gather(cu, cv, kg1d, kh1d):
    f = pl.kernel(
        _sc_gather_body,
        mesh=_sc_mesh(),
        out_type=[jax.ShapeDtypeStruct((N, TW), jnp.float32)] * 2,
        scratch_types=[
            pltpu.VMEM((_CH,), jnp.int32),
            pltpu.VMEM((_CH, TW), jnp.float32),
            pltpu.VMEM((_CH, TW), jnp.float32),
            pltpu.SemaphoreType.DMA,
            pltpu.SemaphoreType.DMA,
        ],
    )
    return f(cu, cv, kg1d, kh1d)



def kernel(x_org, adj, encoder1, W_att, a_att, gc1_W, gc1_b, gc2_W, gc2_b,
           gc3_W, gc3_b):
    grid = (NBLK,)
    adjb = _bf16(adj)
    a8 = jnp.zeros((8, D), jnp.float32).at[0:2].set(a_att.reshape(2, D))

    xproj, wh, e = pl.pallas_call(
        _proj_body,
        grid=grid,
        in_specs=[_row_blocked(D), _whole(D, D), _whole(D, D), _whole(8, D)],
        out_specs=[_row_blocked(D), _row_blocked(D), _row_blocked(8)],
        out_shape=[
            jax.ShapeDtypeStruct((N, D), jnp.bfloat16),
            jax.ShapeDtypeStruct((N, D), jnp.bfloat16),
            jax.ShapeDtypeStruct((N, 8), jnp.float32),
        ],
    )(_bf16(x_org), _bf16(encoder1), _bf16(W_att), a8)

    e2row = e[:, 1:2].reshape(1, N)

    idx = pl.pallas_call(
        _rank_body,
        grid=grid,
        in_specs=[_whole(1, N), _row_blocked(8)],
        out_specs=_row_blocked(8),
        out_shape=jax.ShapeDtypeStruct((N, 8), jnp.int32),
    )(e2row, e)

    tu, tv = pl.pallas_call(
        _table_body,
        grid=grid,
        in_specs=[_whole(1, N), _row_blocked(8), _row_blocked(D)],
        out_specs=[_row_blocked(TW), _row_blocked(TW)],
        out_shape=[jax.ShapeDtypeStruct((N, TW), jnp.float32)] * 2,
    )(e2row, e, wh)

    rank1d = idx[:, 0].reshape(N)
    kg1d = idx[:, 2].reshape(N)
    kh1d = idx[:, 3].reshape(N)

    su, sv = _sc_scatter(tu, tv, rank1d)

    cu, cv = pl.pallas_call(
        _cumsum_body,
        grid=grid,
        in_specs=[
            pl.BlockSpec((BLK, TW), lambda i: (NBLK - 1 - i, 0)),
            pl.BlockSpec((BLK, TW), lambda i: (i, 0)),
        ],
        out_specs=[
            pl.BlockSpec((BLK, TW), lambda i: (NBLK - 1 - i, 0)),
            pl.BlockSpec((BLK, TW), lambda i: (i, 0)),
        ],
        out_shape=[jax.ShapeDtypeStruct((N, TW), jnp.float32)] * 2,
        scratch_shapes=[
            pltpu.VMEM((1, TW), jnp.float32),
            pltpu.VMEM((1, TW), jnp.float32),
        ],
    )(su, sv)

    hg, gg = _sc_gather(cu, cv, kg1d, kh1d)

    z1 = pl.pallas_call(
        _combine_body,
        grid=grid,
        in_specs=[_whole(1, N), _row_blocked(8), _row_blocked(8),
                  _row_blocked(TW), _row_blocked(TW), _row_blocked(D),
                  _whole(D, D)],
        out_specs=_row_blocked(D),
        out_shape=jax.ShapeDtypeStruct((N, D), jnp.bfloat16),
    )(e2row, e, idx, gg, hg, xproj, _bf16(gc1_W))

    z2 = pl.pallas_call(
        _gcn1_body,
        grid=grid,
        in_specs=[_row_blocked(N), _whole(N, D), _whole(1, D), _whole(D, D)],
        out_specs=_row_blocked(D),
        out_shape=jax.ShapeDtypeStruct((N, D), jnp.bfloat16),
    )(adjb, z1, gc1_b.reshape(1, D), _bf16(gc2_W))

    z3 = pl.pallas_call(
        _gcn2_body,
        grid=grid,
        in_specs=[_row_blocked(N), _whole(N, D), _whole(1, D), _whole(D, C)],
        out_specs=_row_blocked(C),
        out_shape=jax.ShapeDtypeStruct((N, C), jnp.bfloat16),
    )(adjb, z2, gc2_b.reshape(1, D), _bf16(gc3_W))

    out = pl.pallas_call(
        _gcn3_body,
        grid=grid,
        in_specs=[_row_blocked(N), _whole(N, C), _whole(1, C)],
        out_specs=_row_blocked(C),
        out_shape=jax.ShapeDtypeStruct((N, C), jnp.float32),
    )(adjb, z3, gc3_b.reshape(1, C))

    return out

# --- scband reference (transcript-rebuilt; emitter-appended) ---
"""Pipeline reference for scband-gcn-84413287235667 (READ-ONLY COPY).

The authoritative reference and input builder live on the scoring server;
editing this copy changes nothing except your own understanding.
"""

import jax, jax.numpy as jnp
import numpy as np

N = 4096
NFEAT = 512
NHID = 512
NCLASS = 128
ALPHA = 0.2


def setup_inputs(seed: int = 0) -> dict:
    key = jax.random.key(seed)
    ks = jax.random.split(key, 12)
    inp = {
        "x_org": jax.random.normal(ks[0], (N, NFEAT), dtype=jnp.float32),
        "adj": jax.random.uniform(ks[1], (N, N), dtype=jnp.float32),
        # learned parameters (random init instead of torch.zeros so outputs are non-degenerate)
        "encoder1": jax.random.normal(ks[2], (NFEAT, NHID), dtype=jnp.float32) * 0.05,
        "W_att": jax.random.normal(ks[3], (NHID, NHID), dtype=jnp.float32) * 0.05,
        "a_att": jax.random.normal(ks[4], (2 * NHID, 1), dtype=jnp.float32) * 0.05,
        "gc1_W": jax.random.normal(ks[5], (NHID, NHID), dtype=jnp.float32) * 0.05,
        "gc1_b": jnp.zeros((NHID,), dtype=jnp.float32),
        "gc2_W": jax.random.normal(ks[6], (NHID, NHID), dtype=jnp.float32) * 0.05,
        "gc2_b": jnp.zeros((NHID,), dtype=jnp.float32),
        "gc3_W": jax.random.normal(ks[7], (NHID, NCLASS), dtype=jnp.float32) * 0.05,
        "gc3_b": jnp.zeros((NCLASS,), dtype=jnp.float32),
    }
    return inp


def reference(x_org, adj, encoder1, W_att, a_att, gc1_W, gc1_b, gc2_W, gc2_b, gc3_W, gc3_b):
    # x_proj = encoder1 applied as a linear projection (nn.Parameter used as a weight matrix)
    x_proj = x_org @ encoder1
    # GraphAttentionLayer(nfeat, nhid, alpha=0.2, concat=False), called with features only
    # (no adjacency mask in the call), pyGAT-style dense attention:
    Wh = x_proj @ W_att                                   # [N, NHID]
    e1 = Wh @ a_att[:NHID]                                # [N, 1]
    e2 = Wh @ a_att[NHID:]                                # [N, 1]
    e = jax.nn.leaky_relu(e1 + e2.T, negative_slope=ALPHA)  # [N, N]
    attention = jax.nn.softmax(e, axis=1)                 # dropout is identity in eval mode
    x_entire = attention @ Wh                             # concat=False -> no ELU
    # elementwise combine
    x_entire = x_proj * x_entire
    # GCN stack: GraphConvolution = adj @ (x @ W) + b   (dropout identity in eval mode)
    x = jax.nn.relu(adj @ (x_entire @ gc1_W) + gc1_b)
    x = adj @ (x @ gc2_W) + gc2_b
    x = adj @ (x @ gc3_W) + gc3_b
    return jax.nn.log_softmax(x, axis=1)

if __name__ == "__main__":
    import jax
    _d = setup_inputs()
    print(jax.jit(kernel)(*tuple(_d.values())))

</pallas_src>

<mosaic_0001>
#map = affine_map<(d0, d1) -> (0, 0)>
#map1 = affine_map<(d0, d1) -> (0)>
module attributes {stable_mosaic.version = 14 : i64} {
  func.func @_sc_gather_body(%arg0: i32, %arg1: i32, %arg2: memref<4096x640xf32, #tpu.memory_space<hbm>>, %arg3: memref<4096x640xf32, #tpu.memory_space<hbm>>, %arg4: memref<4096xi32, #tpu.memory_space<hbm>>, %arg5: memref<4096xi32, #tpu.memory_space<hbm>>, %arg6: memref<4096x640xf32, #tpu.memory_space<hbm>>, %arg7: memref<4096x640xf32, #tpu.memory_space<hbm>>, %arg8: memref<32xi32, #tpu.memory_space<vmem>>, %arg9: memref<32x640xf32, #tpu.memory_space<vmem>>, %arg10: memref<32x640xf32, #tpu.memory_space<vmem>>, %arg11: memref<!tpu.dma_semaphore, #tpu.memory_space<semaphore_mem>>, %arg12: memref<!tpu.dma_semaphore, #tpu.memory_space<semaphore_mem>>) attributes {dimension_semantics = [#tpu.dimension_semantics<core_parallel>, #tpu.dimension_semantics<subcore_parallel>], iteration_bounds = array<i64: 2, 16>, scalar_prefetch = 0 : i64, scratch_operands = 5 : i64, tpu.core_type = #tpu.core_type<sc_vector_subcore>, window_params = [{transform_indices = #map}, {transform_indices = #map}, {transform_indices = #map1}, {transform_indices = #map1}, {transform_indices = #map}, {transform_indices = #map}]} {
    %mul3A = arith.constant 2 : i32
    %mul3A_0 = arith.muli %arg1, %mul3A : i32
    %add3A = arith.addi %mul3A_0, %arg0 : i32
    %mul3A_1 = arith.constant 128 : i32
    %mul3A_2 = arith.muli %add3A, %mul3A_1 : i32
    %add3A_3 = arith.constant 0 : i32
    %add3A_4 = arith.addi %mul3A_2, %add3A_3 : i32
    "tpu.region"() ({
      %run_scoped3A = tpu.sem_alloc : memref<!tpu.dma_semaphore, #tpu.memory_space<semaphore_mem>>
      %dma_start3A_57 = tpu.memref_slice %arg5[%add3A_4] : memref<4096xi32, #tpu.memory_space<hbm>> -> memref<32xi32, #tpu.memory_space<hbm>>
      %dma_start3A_58 = tpu.memref_slice %arg5[%add3A_4] : memref<4096xi32, #tpu.memory_space<hbm>> -> memref<32xi32, #tpu.memory_space<hbm>>
      tpu.enqueue_dma source(%dma_start3A_58 : memref<32xi32, #tpu.memory_space<hbm>>) target(%arg8 : memref<32xi32, #tpu.memory_space<vmem>>) target_semaphore(%run_scoped3A : memref<!tpu.dma_semaphore, #tpu.memory_space<semaphore_mem>>)
      %dma_wait3A_59 = tpu.memref_slice %arg5[%add3A_4] : memref<4096xi32, #tpu.memory_space<hbm>> -> memref<32xi32, #tpu.memory_space<hbm>>
      %dma_wait3A_60 = tpu.memref_slice %arg5[%add3A_4] : memref<4096xi32, #tpu.memory_space<hbm>> -> memref<32xi32, #tpu.memory_space<hbm>>
      tpu.wait_dma2 semaphore(%run_scoped3A : memref<!tpu.dma_semaphore, #tpu.memory_space<semaphore_mem>>) src(%dma_wait3A_60 : memref<32xi32, #tpu.memory_space<hbm>>) dst(%arg8 : memref<32xi32, #tpu.memory_space<vmem>>)
      tpu.yield
    }) : () -> ()
    %dma_start3A = arith.constant 0 : i32
    %dma_start3A_5 = arith.constant 0 : i32
    %dma_start3A_6 = tpu.memref_slice %arg2[%dma_start3A, %dma_start3A_5] : memref<4096x640xf32, #tpu.memory_space<hbm>> -> memref<4096x640xf32, #tpu.memory_space<hbm>>
    tpu.enqueue_indirect_dma source(%dma_start3A_6 : memref<4096x640xf32, #tpu.memory_space<hbm>>) target(%arg9 : memref<32x640xf32, #tpu.memory_space<vmem>>) offsets(%arg8 : memref<32xi32, #tpu.memory_space<vmem>>) semaphore(%arg11 : memref<!tpu.dma_semaphore, #tpu.memory_space<semaphore_mem>>)
    %dma_wait3A = arith.constant 0 : i32
    %dma_wait3A_7 = arith.constant 0 : i32
    %dma_wait3A_8 = tpu.memref_slice %arg2[%dma_wait3A, %dma_wait3A_7] : memref<4096x640xf32, #tpu.memory_space<hbm>> -> memref<4096x640xf32, #tpu.memory_space<hbm>>
    tpu.wait_indirect_dma semaphore(%arg11 : memref<!tpu.dma_semaphore, #tpu.memory_space<semaphore_mem>>) src(%dma_wait3A_8 : memref<4096x640xf32, #tpu.memory_space<hbm>>) dst(%arg9 : memref<32x640xf32, #tpu.memory_space<vmem>>)
    "tpu.region"() ({
      %run_scoped3A = tpu.sem_alloc : memref<!tpu.dma_semaphore, #tpu.memory_space<semaphore_mem>>
      %dma_start3A_57 = arith.constant 0 : i32
      %dma_start3A_58 = tpu.memref_slice %arg6[%add3A_4, %dma_start3A_57] : memref<4096x640xf32, #tpu.memory_space<hbm>> -> memref<32x640xf32, #tpu.memory_space<hbm>>
      %dma_start3A_59 = arith.constant 0 : i32
      %dma_start3A_60 = tpu.memref_slice %arg6[%add3A_4, %dma_start3A_59] : memref<4096x640xf32, #tpu.memory_space<hbm>> -> memref<32x640xf32, #tpu.memory_space<hbm>>
      tpu.enqueue_dma source(%arg9 : memref<32x640xf32, #tpu.memory_space<vmem>>) target(%dma_start3A_60 : memref<32x640xf32, #tpu.memory_space<hbm>>) target_semaphore(%run_scoped3A : memref<!tpu.dma_semaphore, #tpu.memory_space<semaphore_mem>>)
      %dma_wait3A_61 = arith.constant 0 : i32
      %dma_wait3A_62 = tpu.memref_slice %arg6[%add3A_4, %dma_wait3A_61] : memref<4096x640xf32, #tpu.memory_space<hbm>> -> memref<32x640xf32, #tpu.memory_space<hbm>>
      %dma_wait3A_63 = arith.constant 0 : i32
      %dma_wait3A_64 = tpu.memref_slice %arg6[%add3A_4, %dma_wait3A_63] : memref<4096x640xf32, #tpu.memory_space<hbm>> -> memref<32x640xf32, #tpu.memory_space<hbm>>
      tpu.wait_dma2 semaphore(%run_scoped3A : memref<!tpu.dma_semaphore, #tpu.memory_space<semaphore_mem>>) src(%arg9 : memref<32x640xf32, #tpu.memory_space<vmem>>) dst(%dma_wait3A_64 : memref<32x640xf32, #tpu.memory_space<hbm>>)
      tpu.yield
    }) : () -> ()
    "tpu.region"() ({
      %run_scoped3A = tpu.sem_alloc : memref<!tpu.dma_semaphore, #tpu.memory_space<semaphore_mem>>
      %dma_start3A_57 = tpu.memref_slice %arg4[%add3A_4] : memref<4096xi32, #tpu.memory_space<hbm>> -> memref<32xi32, #tpu.memory_space<hbm>>
      %dma_start3A_58 = tpu.memref_slice %arg4[%add3A_4] : memref<4096xi32, #tpu.memory_space<hbm>> -> memref<32xi32, #tpu.memory_space<hbm>>
      tpu.enqueue_dma source(%dma_start3A_58 : memref<32xi32, #tpu.memory_space<hbm>>) target(%arg8 : memref<32xi32, #tpu.memory_space<vmem>>) target_semaphore(%run_scoped3A : memref<!tpu.dma_semaphore, #tpu.memory_space<semaphore_mem>>)
      %dma_wait3A_59 = tpu.memref_slice %arg4[%add3A_4] : memref<4096xi32, #tpu.memory_space<hbm>> -> memref<32xi32, #tpu.memory_space<hbm>>
      %dma_wait3A_60 = tpu.memref_slice %arg4[%add3A_4] : memref<4096xi32, #tpu.memory_space<hbm>> -> memref<32xi32, #tpu.memory_space<hbm>>
      tpu.wait_dma2 semaphore(%run_scoped3A : memref<!tpu.dma_semaphore, #tpu.memory_space<semaphore_mem>>) src(%dma_wait3A_60 : memref<32xi32, #tpu.memory_space<hbm>>) dst(%arg8 : memref<32xi32, #tpu.memory_space<vmem>>)
      tpu.yield
    }) : () -> ()
    %dma_start3A_9 = arith.constant 0 : i32
    %dma_start3A_10 = arith.constant 0 : i32
    %dma_start3A_11 = tpu.memref_slice %arg3[%dma_start3A_9, %dma_start3A_10] : memref<4096x640xf32, #tpu.memory_space<hbm>> -> memref<4096x640xf32, #tpu.memory_space<hbm>>
    tpu.enqueue_indirect_dma source(%dma_start3A_11 : memref<4096x640xf32, #tpu.memory_space<hbm>>) target(%arg10 : memref<32x640xf32, #tpu.memory_space<vmem>>) offsets(%arg8 : memref<32xi32, #tpu.memory_space<vmem>>) semaphore(%arg12 : memref<!tpu.dma_semaphore, #tpu.memory_space<semaphore_mem>>)
    %dma_wait3A_12 = arith.constant 0 : i32
    %dma_wait3A_13 = arith.constant 0 : i32
    %dma_wait3A_14 = tpu.memref_slice %arg3[%dma_wait3A_12, %dma_wait3A_13] : memref<4096x640xf32, #tpu.memory_space<hbm>> -> memref<4096x640xf32, #tpu.memory_space<hbm>>
    tpu.wait_indirect_dma semaphore(%arg12 : memref<!tpu.dma_semaphore, #tpu.memory_space<semaphore_mem>>) src(%dma_wait3A_14 : memref<4096x640xf32, #tpu.memory_space<hbm>>) dst(%arg10 : memref<32x640xf32, #tpu.memory_space<vmem>>)
    "tpu.region"() ({
      %run_scoped3A = tpu.sem_alloc : memref<!tpu.dma_semaphore, #tpu.memory_space<semaphore_mem>>
      %dma_start3A_57 = arith.constant 0 : i32
      %dma_start3A_58 = tpu.memref_slice %arg7[%add3A_4, %dma_start3A_57] : memref<4096x640xf32, #tpu.memory_space<hbm>> -> memref<32x640xf32, #tpu.memory_space<hbm>>
      %dma_start3A_59 = arith.constant 0 : i32
      %dma_start3A_60 = tpu.memref_slice %arg7[%add3A_4, %dma_start3A_59] : memref<4096x640xf32, #tpu.memory_space<hbm>> -> memref<32x640xf32, #tpu.memory_space<hbm>>
      tpu.enqueue_dma source(%arg10 : memref<32x640xf32, #tpu.memory_space<vmem>>) target(%dma_start3A_60 : memref<32x640xf32, #tpu.memory_space<hbm>>) target_semaphore(%run_scoped3A : memref<!tpu.dma_semaphore, #tpu.memory_space<semaphore_mem>>)
      %dma_wait3A_61 = arith.constant 0 : i32
      %dma_wait3A_62 = tpu.memref_slice %arg7[%add3A_4, %dma_wait3A_61] : memref<4096x640xf32, #tpu.memory_space<hbm>> -> memref<32x640xf32, #tpu.memory_space<hbm>>
      %dma_wait3A_63 = arith.constant 0 : i32
      %dma_wait3A_64 = tpu.memref_slice %arg7[%add3A_4, %dma_wait3A_63] : memref<4096x640xf32, #tpu.memory_space<hbm>> -> memref<32x640xf32, #tpu.memory_space<hbm>>
      tpu.wait_dma2 semaphore(%run_scoped3A : memref<!tpu.dma_semaphore, #tpu.memory_space<semaphore_mem>>) src(%arg10 : memref<32x640xf32, #tpu.memory_space<vmem>>) dst(%dma_wait3A_64 : memref<32x640xf32, #tpu.memory_space<hbm>>)
      tpu.yield
    }) : () -> ()
    %add3A_15 = arith.constant 32 : i32
    %add3A_16 = arith.addi %mul3A_2, %add3A_15 : i32
    "tpu.region"() ({
      %run_scoped3A = tpu.sem_alloc : memref<!tpu.dma_semaphore, #tpu.memory_space<semaphore_mem>>
      %dma_start3A_57 = tpu.memref_slice %arg5[%add3A_16] : memref<4096xi32, #tpu.memory_space<hbm>> -> memref<32xi32, #tpu.memory_space<hbm>>
      %dma_start3A_58 = tpu.memref_slice %arg5[%add3A_16] : memref<4096xi32, #tpu.memory_space<hbm>> -> memref<32xi32, #tpu.memory_space<hbm>>
      tpu.enqueue_dma source(%dma_start3A_58 : memref<32xi32, #tpu.memory_space<hbm>>) target(%arg8 : memref<32xi32, #tpu.memory_space<vmem>>) target_semaphore(%run_scoped3A : memref<!tpu.dma_semaphore, #tpu.memory_space<semaphore_mem>>)
      %dma_wait3A_59 = tpu.memref_slice %arg5[%add3A_16] : memref<4096xi32, #tpu.memory_space<hbm>> -> memref<32xi32, #tpu.memory_space<hbm>>
      %dma_wait3A_60 = tpu.memref_slice %arg5[%add3A_16] : memref<4096xi32, #tpu.memory_space<hbm>> -> memref<32xi32, #tpu.memory_space<hbm>>
      tpu.wait_dma2 semaphore(%run_scoped3A : memref<!tpu.dma_semaphore, #tpu.memory_space<semaphore_mem>>) src(%dma_wait3A_60 : memref<32xi32, #tpu.memory_space<hbm>>) dst(%arg8 : memref<32xi32, #tpu.memory_space<vmem>>)
      tpu.yield
    }) : () -> ()
    %dma_start3A_17 = arith.constant 0 : i32
    %dma_start3A_18 = arith.constant 0 : i32
    %dma_start3A_19 = tpu.memref_slice %arg2[%dma_start3A_17, %dma_start3A_18] : memref<4096x640xf32, #tpu.memory_space<hbm>> -> memref<4096x640xf32, #tpu.memory_space<hbm>>
    tpu.enqueue_indirect_dma source(%dma_start3A_19 : memref<4096x640xf32, #tpu.memory_space<hbm>>) target(%arg9 : memref<32x640xf32, #tpu.memory_space<vmem>>) offsets(%arg8 : memref<32xi32, #tpu.memory_space<vmem>>) semaphore(%arg11 : memref<!tpu.dma_semaphore, #tpu.memory_space<semaphore_mem>>)
    %dma_wait3A_20 = arith.constant 0 : i32
    %dma_wait3A_21 = arith.constant 0 : i32
    %dma_wait3A_22 = tpu.memref_slice %arg2[%dma_wait3A_20, %dma_wait3A_21] : memref<4096x640xf32, #tpu.memory_space<hbm>> -> memref<4096x640xf32, #tpu.memory_space<hbm>>
    tpu.wait_indirect_dma semaphore(%arg11 : memref<!tpu.dma_semaphore, #tpu.memory_space<semaphore_mem>>) src(%dma_wait3A_22 : memref<4096x640xf32, #tpu.memory_space<hbm>>) dst(%arg9 : memref<32x640xf32, #tpu.memory_space<vmem>>)
    "tpu.region"() ({
      %run_scoped3A = tpu.sem_alloc : memref<!tpu.dma_semaphore, #tpu.memory_space<semaphore_mem>>
      %dma_start3A_57 = arith.constant 0 : i32
      %dma_start3A_58 = tpu.memref_slice %arg6[%add3A_16, %dma_start3A_57] : memref<4096x640xf32, #tpu.memory_space<hbm>> -> memref<32x640xf32, #tpu.memory_space<hbm>>
      %dma_start3A_59 = arith.constant 0 : i32
      %dma_start3A_60 = tpu.memref_slice %arg6[%add3A_16, %dma_start3A_59] : memref<4096x640xf32, #tpu.memory_space<hbm>> -> memref<32x640xf32, #tpu.memory_space<hbm>>
      tpu.enqueue_dma source(%arg9 : memref<32x640xf32, #tpu.memory_space<vmem>>) target(%dma_start3A_60 : memref<32x640xf32, #tpu.memory_space<hbm>>) target_semaphore(%run_scoped3A : memref<!tpu.dma_semaphore, #tpu.memory_space<semaphore_mem>>)
      %dma_wait3A_61 = arith.constant 0 : i32
      %dma_wait3A_62 = tpu.memref_slice %arg6[%add3A_16, %dma_wait3A_61] : memref<4096x640xf32, #tpu.memory_space<hbm>> -> memref<32x640xf32, #tpu.memory_space<hbm>>
      %dma_wait3A_63 = arith.constant 0 : i32
      %dma_wait3A_64 = tpu.memref_slice %arg6[%add3A_16, %dma_wait3A_63] : memref<4096x640xf32, #tpu.memory_space<hbm>> -> memref<32x640xf32, #tpu.memory_space<hbm>>
      tpu.wait_dma2 semaphore(%run_scoped3A : memref<!tpu.dma_semaphore, #tpu.memory_space<semaphore_mem>>) src(%arg9 : memref<32x640xf32, #tpu.memory_space<vmem>>) dst(%dma_wait3A_64 : memref<32x640xf32, #tpu.memory_space<hbm>>)
      tpu.yield
    }) : () -> ()
    "tpu.region"() ({
      %run_scoped3A = tpu.sem_alloc : memref<!tpu.dma_semaphore, #tpu.memory_space<semaphore_mem>>
      %dma_start3A_57 = tpu.memref_slice %arg4[%add3A_16] : memref<4096xi32, #tpu.memory_space<hbm>> -> memref<32xi32, #tpu.memory_space<hbm>>
      %dma_start3A_58 = tpu.memref_slice %arg4[%add3A_16] : memref<4096xi32, #tpu.memory_space<hbm>> -> memref<32xi32, #tpu.memory_space<hbm>>
      tpu.enqueue_dma source(%dma_start3A_58 : memref<32xi32, #tpu.memory_space<hbm>>) target(%arg8 : memref<32xi32, #tpu.memory_space<vmem>>) target_semaphore(%run_scoped3A : memref<!tpu.dma_semaphore, #tpu.memory_space<semaphore_mem>>)
      %dma_wait3A_59 = tpu.memref_slice %arg4[%add3A_16] : memref<4096xi32, #tpu.memory_space<hbm>> -> memref<32xi32, #tpu.memory_space<hbm>>
      %dma_wait3A_60 = tpu.memref_slice %arg4[%add3A_16] : memref<4096xi32, #tpu.memory_space<hbm>> -> memref<32xi32, #tpu.memory_space<hbm>>
      tpu.wait_dma2 semaphore(%run_scoped3A : memref<!tpu.dma_semaphore, #tpu.memory_space<semaphore_mem>>) src(%dma_wait3A_60 : memref<32xi32, #tpu.memory_space<hbm>>) dst(%arg8 : memref<32xi32, #tpu.memory_space<vmem>>)
      tpu.yield
    }) : () -> ()
    %dma_start3A_23 = arith.constant 0 : i32
    %dma_start3A_24 = arith.constant 0 : i32
    %dma_start3A_25 = tpu.memref_slice %arg3[%dma_start3A_23, %dma_start3A_24] : memref<4096x640xf32, #tpu.memory_space<hbm>> -> memref<4096x640xf32, #tpu.memory_space<hbm>>
    tpu.enqueue_indirect_dma source(%dma_start3A_25 : memref<4096x640xf32, #tpu.memory_space<hbm>>) target(%arg10 : memref<32x640xf32, #tpu.memory_space<vmem>>) offsets(%arg8 : memref<32xi32, #tpu.memory_space<vmem>>) semaphore(%arg12 : memref<!tpu.dma_semaphore, #tpu.memory_space<semaphore_mem>>)
    %dma_wait3A_26 = arith.constant 0 : i32
    %dma_wait3A_27 = arith.constant 0 : i32
    %dma_wait3A_28 = tpu.memref_slice %arg3[%dma_wait3A_26, %dma_wait3A_27] : memref<4096x640xf32, #tpu.memory_space<hbm>> -> memref<4096x640xf32, #tpu.memory_space<hbm>>
    tpu.wait_indirect_dma semaphore(%arg12 : memref<!tpu.dma_semaphore, #tpu.memory_space<semaphore_mem>>) src(%dma_wait3A_28 : memref<4096x640xf32, #tpu.memory_space<hbm>>) dst(%arg10 : memref<32x640xf32, #tpu.memory_space<vmem>>)
    "tpu.region"() ({
      %run_scoped3A = tpu.sem_alloc : memref<!tpu.dma_semaphore, #tpu.memory_space<semaphore_mem>>
      %dma_start3A_57 = arith.constant 0 : i32
      %dma_start3A_58 = tpu.memref_slice %arg7[%add3A_16, %dma_start3A_57] : memref<4096x640xf32, #tpu.memory_space<hbm>> -> memref<32x640xf32, #tpu.memory_space<hbm>>
      %dma_start3A_59 = arith.constant 0 : i32
      %dma_start3A_60 = tpu.memref_slice %arg7[%add3A_16, %dma_start3A_59] : memref<4096x640xf32, #tpu.memory_space<hbm>> -> memref<32x640xf32, #tpu.memory_space<hbm>>
      tpu.enqueue_dma source(%arg10 : memref<32x640xf32, #tpu.memory_space<vmem>>) target(%dma_start3A_60 : memref<32x640xf32, #tpu.memory_space<hbm>>) target_semaphore(%run_scoped3A : memref<!tpu.dma_semaphore, #tpu.memory_space<semaphore_mem>>)
      %dma_wait3A_61 = arith.constant 0 : i32
      %dma_wait3A_62 = tpu.memref_slice %arg7[%add3A_16, %dma_wait3A_61] : memref<4096x640xf32, #tpu.memory_space<hbm>> -> memref<32x640xf32, #tpu.memory_space<hbm>>
      %dma_wait3A_63 = arith.constant 0 : i32
      %dma_wait3A_64 = tpu.memref_slice %arg7[%add3A_16, %dma_wait3A_63] : memref<4096x640xf32, #tpu.memory_space<hbm>> -> memref<32x640xf32, #tpu.memory_space<hbm>>
      tpu.wait_dma2 semaphore(%run_scoped3A : memref<!tpu.dma_semaphore, #tpu.memory_space<semaphore_mem>>) src(%arg10 : memref<32x640xf32, #tpu.memory_space<vmem>>) dst(%dma_wait3A_64 : memref<32x640xf32, #tpu.memory_space<hbm>>)
      tpu.yield
    }) : () -> ()
    %add3A_29 = arith.constant 64 : i32
    %add3A_30 = arith.addi %mul3A_2, %add3A_29 : i32
    "tpu.region"() ({
      %run_scoped3A = tpu.sem_alloc : memref<!tpu.dma_semaphore, #tpu.memory_space<semaphore_mem>>
      %dma_start3A_57 = tpu.memref_slice %arg5[%add3A_30] : memref<4096xi32, #tpu.memory_space<hbm>> -> memref<32xi32, #tpu.memory_space<hbm>>
      %dma_start3A_58 = tpu.memref_slice %arg5[%add3A_30] : memref<4096xi32, #tpu.memory_space<hbm>> -> memref<32xi32, #tpu.memory_space<hbm>>
      tpu.enqueue_dma source(%dma_start3A_58 : memref<32xi32, #tpu.memory_space<hbm>>) target(%arg8 : memref<32xi32, #tpu.memory_space<vmem>>) target_semaphore(%run_scoped3A : memref<!tpu.dma_semaphore, #tpu.memory_space<semaphore_mem>>)
      %dma_wait3A_59 = tpu.memref_slice %arg5[%add3A_30] : memref<4096xi32, #tpu.memory_space<hbm>> -> memref<32xi32, #tpu.memory_space<hbm>>
      %dma_wait3A_60 = tpu.memref_slice %arg5[%add3A_30] : memref<4096xi32, #tpu.memory_space<hbm>> -> memref<32xi32, #tpu.memory_space<hbm>>
      tpu.wait_dma2 semaphore(%run_scoped3A : memref<!tpu.dma_semaphore, #tpu.memory_space<semaphore_mem>>) src(%dma_wait3A_60 : memref<32xi32, #tpu.memory_space<hbm>>) dst(%arg8 : memref<32xi32, #tpu.memory_space<vmem>>)
      tpu.yield
    }) : () -> ()
    %dma_start3A_31 = arith.constant 0 : i32
    %dma_start3A_32 = arith.constant 0 : i32
    %dma_start3A_33 = tpu.memref_slice %arg2[%dma_start3A_31, %dma_start3A_32] : memref<4096x640xf32, #tpu.memory_space<hbm>> -> memref<4096x640xf32, #tpu.memory_space<hbm>>
    tpu.enqueue_indirect_dma source(%dma_start3A_33 : memref<4096x640xf32, #tpu.memory_space<hbm>>) target(%arg9 : memref<32x640xf32, #tpu.memory_space<vmem>>) offsets(%arg8 : memref<32xi32, #tpu.memory_space<vmem>>) semaphore(%arg11 : memref<!tpu.dma_semaphore, #tpu.memory_space<semaphore_mem>>)
    %dma_wait3A_34 = arith.constant 0 : i32
    %dma_wait3A_35 = arith.constant 0 : i32
    %dma_wait3A_36 = tpu.memref_slice %arg2[%dma_wait3A_34, %dma_wait3A_35] : memref<4096x640xf32, #tpu.memory_space<hbm>> -> memref<4096x640xf32, #tpu.memory_space<hbm>>
    tpu.wait_indirect_dma semaphore(%arg11 : memref<!tpu.dma_semaphore, #tpu.memory_space<semaphore_mem>>) src(%dma_wait3A_36 : memref<4096x640xf32, #tpu.memory_space<hbm>>) dst(%arg9 : memref<32x640xf32, #tpu.memory_space<vmem>>)
    "tpu.region"() ({
      %run_scoped3A = tpu.sem_alloc : memref<!tpu.dma_semaphore, #tpu.memory_space<semaphore_mem>>
      %dma_start3A_57 = arith.constant 0 : i32
      %dma_start3A_58 = tpu.memref_slice %arg6[%add3A_30, %dma_start3A_57] : memref<4096x640xf32, #tpu.memory_space<hbm>> -> memref<32x640xf32, #tpu.memory_space<hbm>>
      %dma_start3A_59 = arith.constant 0 : i32
      %dma_start3A_60 = tpu.memref_slice %arg6[%add3A_30, %dma_start3A_59] : memref<4096x640xf32, #tpu.memory_space<hbm>> -> memref<32x640xf32, #tpu.memory_space<hbm>>
      tpu.enqueue_dma source(%arg9 : memref<32x640xf32, #tpu.memory_space<vmem>>) target(%dma_start3A_60 : memref<32x640xf32, #tpu.memory_space<hbm>>) target_semaphore(%run_scoped3A : memref<!tpu.dma_semaphore, #tpu.memory_space<semaphore_mem>>)
      %dma_wait3A_61 = arith.constant 0 : i32
      %dma_wait3A_62 = tpu.memref_slice %arg6[%add3A_30, %dma_wait3A_61] : memref<4096x640xf32, #tpu.memory_space<hbm>> -> memref<32x640xf32, #tpu.memory_space<hbm>>
      %dma_wait3A_63 = arith.constant 0 : i32
      %dma_wait3A_64 = tpu.memref_slice %arg6[%add3A_30, %dma_wait3A_63] : memref<4096x640xf32, #tpu.memory_space<hbm>> -> memref<32x640xf32, #tpu.memory_space<hbm>>
      tpu.wait_dma2 semaphore(%run_scoped3A : memref<!tpu.dma_semaphore, #tpu.memory_space<semaphore_mem>>) src(%arg9 : memref<32x640xf32, #tpu.memory_space<vmem>>) dst(%dma_wait3A_64 : memref<32x640xf32, #tpu.memory_space<hbm>>)
      tpu.yield
    }) : () -> ()
    "tpu.region"() ({
      %run_scoped3A = tpu.sem_alloc : memref<!tpu.dma_semaphore, #tpu.memory_space<semaphore_mem>>
      %dma_start3A_57 = tpu.memref_slice %arg4[%add3A_30] : memref<4096xi32, #tpu.memory_space<hbm>> -> memref<32xi32, #tpu.memory_space<hbm>>
      %dma_start3A_58 = tpu.memref_slice %arg4[%add3A_30] : memref<4096xi32, #tpu.memory_space<hbm>> -> memref<32xi32, #tpu.memory_space<hbm>>
      tpu.enqueue_dma source(%dma_start3A_58 : memref<32xi32, #tpu.memory_space<hbm>>) target(%arg8 : memref<32xi32, #tpu.memory_space<vmem>>) target_semaphore(%run_scoped3A : memref<!tpu.dma_semaphore, #tpu.memory_space<semaphore_mem>>)
      %dma_wait3A_59 = tpu.memref_slice %arg4[%add3A_30] : memref<4096xi32, #tpu.memory_space<hbm>> -> memref<32xi32, #tpu.memory_space<hbm>>
      %dma_wait3A_60 = tpu.memref_slice %arg4[%add3A_30] : memref<4096xi32, #tpu.memory_space<hbm>> -> memref<32xi32, #tpu.memory_space<hbm>>
      tpu.wait_dma2 semaphore(%run_scoped3A : memref<!tpu.dma_semaphore, #tpu.memory_space<semaphore_mem>>) src(%dma_wait3A_60 : memref<32xi32, #tpu.memory_space<hbm>>) dst(%arg8 : memref<32xi32, #tpu.memory_space<vmem>>)
      tpu.yield
    }) : () -> ()
    %dma_start3A_37 = arith.constant 0 : i32
    %dma_start3A_38 = arith.constant 0 : i32
    %dma_start3A_39 = tpu.memref_slice %arg3[%dma_start3A_37, %dma_start3A_38] : memref<4096x640xf32, #tpu.memory_space<hbm>> -> memref<4096x640xf32, #tpu.memory_space<hbm>>
    tpu.enqueue_indirect_dma source(%dma_start3A_39 : memref<4096x640xf32, #tpu.memory_space<hbm>>) target(%arg10 : memref<32x640xf32, #tpu.memory_space<vmem>>) offsets(%arg8 : memref<32xi32, #tpu.memory_space<vmem>>) semaphore(%arg12 : memref<!tpu.dma_semaphore, #tpu.memory_space<semaphore_mem>>)
    %dma_wait3A_40 = arith.constant 0 : i32
    %dma_wait3A_41 = arith.constant 0 : i32
    %dma_wait3A_42 = tpu.memref_slice %arg3[%dma_wait3A_40, %dma_wait3A_41] : memref<4096x640xf32, #tpu.memory_space<hbm>> -> memref<4096x640xf32, #tpu.memory_space<hbm>>
    tpu.wait_indirect_dma semaphore(%arg12 : memref<!tpu.dma_semaphore, #tpu.memory_space<semaphore_mem>>) src(%dma_wait3A_42 : memref<4096x640xf32, #tpu.memory_space<hbm>>) dst(%arg10 : memref<32x640xf32, #tpu.memory_space<vmem>>)
    "tpu.region"() ({
      %run_scoped3A = tpu.sem_alloc : memref<!tpu.dma_semaphore, #tpu.memory_space<semaphore_mem>>
      %dma_start3A_57 = arith.constant 0 : i32
      %dma_start3A_58 = tpu.memref_slice %arg7[%add3A_30, %dma_start3A_57] : memref<4096x640xf32, #tpu.memory_space<hbm>> -> memref<32x640xf32, #tpu.memory_space<hbm>>
      %dma_start3A_59 = arith.constant 0 : i32
      %dma_start3A_60 = tpu.memref_slice %arg7[%add3A_30, %dma_start3A_59] : memref<4096x640xf32, #tpu.memory_space<hbm>> -> memref<32x640xf32, #tpu.memory_space<hbm>>
      tpu.enqueue_dma source(%arg10 : memref<32x640xf32, #tpu.memory_space<vmem>>) target(%dma_start3A_60 : memref<32x640xf32, #tpu.memory_space<hbm>>) target_semaphore(%run_scoped3A : memref<!tpu.dma_semaphore, #tpu.memory_space<semaphore_mem>>)
      %dma_wait3A_61 = arith.constant 0 : i32
      %dma_wait3A_62 = tpu.memref_slice %arg7[%add3A_30, %dma_wait3A_61] : memref<4096x640xf32, #tpu.memory_space<hbm>> -> memref<32x640xf32, #tpu.memory_space<hbm>>
      %dma_wait3A_63 = arith.constant 0 : i32
      %dma_wait3A_64 = tpu.memref_slice %arg7[%add3A_30, %dma_wait3A_63] : memref<4096x640xf32, #tpu.memory_space<hbm>> -> memref<32x640xf32, #tpu.memory_space<hbm>>
      tpu.wait_dma2 semaphore(%run_scoped3A : memref<!tpu.dma_semaphore, #tpu.memory_space<semaphore_mem>>) src(%arg10 : memref<32x640xf32, #tpu.memory_space<vmem>>) dst(%dma_wait3A_64 : memref<32x640xf32, #tpu.memory_space<hbm>>)
      tpu.yield
    }) : () -> ()
    %add3A_43 = arith.constant 96 : i32
    %add3A_44 = arith.addi %mul3A_2, %add3A_43 : i32
    "tpu.region"() ({
      %run_scoped3A = tpu.sem_alloc : memref<!tpu.dma_semaphore, #tpu.memory_space<semaphore_mem>>
      %dma_start3A_57 = tpu.memref_slice %arg5[%add3A_44] : memref<4096xi32, #tpu.memory_space<hbm>> -> memref<32xi32, #tpu.memory_space<hbm>>
      %dma_start3A_58 = tpu.memref_slice %arg5[%add3A_44] : memref<4096xi32, #tpu.memory_space<hbm>> -> memref<32xi32, #tpu.memory_space<hbm>>
      tpu.enqueue_dma source(%dma_start3A_58 : memref<32xi32, #tpu.memory_space<hbm>>) target(%arg8 : memref<32xi32, #tpu.memory_space<vmem>>) target_semaphore(%run_scoped3A : memref<!tpu.dma_semaphore, #tpu.memory_space<semaphore_mem>>)
      %dma_wait3A_59 = tpu.memref_slice %arg5[%add3A_44] : memref<4096xi32, #tpu.memory_space<hbm>> -> memref<32xi32, #tpu.memory_space<hbm>>
      %dma_wait3A_60 = tpu.memref_slice %arg5[%add3A_44] : memref<4096xi32, #tpu.memory_space<hbm>> -> memref<32xi32, #tpu.memory_space<hbm>>
      tpu.wait_dma2 semaphore(%run_scoped3A : memref<!tpu.dma_semaphore, #tpu.memory_space<semaphore_mem>>) src(%dma_wait3A_60 : memref<32xi32, #tpu.memory_space<hbm>>) dst(%arg8 : memref<32xi32, #tpu.memory_space<vmem>>)
      tpu.yield
    }) : () -> ()
    %dma_start3A_45 = arith.constant 0 : i32
    %dma_start3A_46 = arith.constant 0 : i32
    %dma_start3A_47 = tpu.memref_slice %arg2[%dma_start3A_45, %dma_start3A_46] : memref<4096x640xf32, #tpu.memory_space<hbm>> -> memref<4096x640xf32, #tpu.memory_space<hbm>>
    tpu.enqueue_indirect_dma source(%dma_start3A_47 : memref<4096x640xf32, #tpu.memory_space<hbm>>) target(%arg9 : memref<32x640xf32, #tpu.memory_space<vmem>>) offsets(%arg8 : memref<32xi32, #tpu.memory_space<vmem>>) semaphore(%arg11 : memref<!tpu.dma_semaphore, #tpu.memory_space<semaphore_mem>>)
    %dma_wait3A_48 = arith.constant 0 : i32
    %dma_wait3A_49 = arith.constant 0 : i32
    %dma_wait3A_50 = tpu.memref_slice %arg2[%dma_wait3A_48, %dma_wait3A_49] : memref<4096x640xf32, #tpu.memory_space<hbm>> -> memref<4096x640xf32, #tpu.memory_space<hbm>>
    tpu.wait_indirect_dma semaphore(%arg11 : memref<!tpu.dma_semaphore, #tpu.memory_space<semaphore_mem>>) src(%dma_wait3A_50 : memref<4096x640xf32, #tpu.memory_space<hbm>>) dst(%arg9 : memref<32x640xf32, #tpu.memory_space<vmem>>)
    "tpu.region"() ({
      %run_scoped3A = tpu.sem_alloc : memref<!tpu.dma_semaphore, #tpu.memory_space<semaphore_mem>>
      %dma_start3A_57 = arith.constant 0 : i32
      %dma_start3A_58 = tpu.memref_slice %arg6[%add3A_44, %dma_start3A_57] : memref<4096x640xf32, #tpu.memory_space<hbm>> -> memref<32x640xf32, #tpu.memory_space<hbm>>
      %dma_start3A_59 = arith.constant 0 : i32
      %dma_start3A_60 = tpu.memref_slice %arg6[%add3A_44, %dma_start3A_59] : memref<4096x640xf32, #tpu.memory_space<hbm>> -> memref<32x640xf32, #tpu.memory_space<hbm>>
      tpu.enqueue_dma source(%arg9 : memref<32x640xf32, #tpu.memory_space<vmem>>) target(%dma_start3A_60 : memref<32x640xf32, #tpu.memory_space<hbm>>) target_semaphore(%run_scoped3A : memref<!tpu.dma_semaphore, #tpu.memory_space<semaphore_mem>>)
      %dma_wait3A_61 = arith.constant 0 : i32
      %dma_wait3A_62 = tpu.memref_slice %arg6[%add3A_44, %dma_wait3A_61] : memref<4096x640xf32, #tpu.memory_space<hbm>> -> memref<32x640xf32, #tpu.memory_space<hbm>>
      %dma_wait3A_63 = arith.constant 0 : i32
      %dma_wait3A_64 = tpu.memref_slice %arg6[%add3A_44, %dma_wait3A_63] : memref<4096x640xf32, #tpu.memory_space<hbm>> -> memref<32x640xf32, #tpu.memory_space<hbm>>
      tpu.wait_dma2 semaphore(%run_scoped3A : memref<!tpu.dma_semaphore, #tpu.memory_space<semaphore_mem>>) src(%arg9 : memref<32x640xf32, #tpu.memory_space<vmem>>) dst(%dma_wait3A_64 : memref<32x640xf32, #tpu.memory_space<hbm>>)
      tpu.yield
    }) : () -> ()
    "tpu.region"() ({
      %run_scoped3A = tpu.sem_alloc : memref<!tpu.dma_semaphore, #tpu.memory_space<semaphore_mem>>
      %dma_start3A_57 = tpu.memref_slice %arg4[%add3A_44] : memref<4096xi32, #tpu.memory_space<hbm>> -> memref<32xi32, #tpu.memory_space<hbm>>
      %dma_start3A_58 = tpu.memref_slice %arg4[%add3A_44] : memref<4096xi32, #tpu.memory_space<hbm>> -> memref<32xi32, #tpu.memory_space<hbm>>
      tpu.enqueue_dma source(%dma_start3A_58 : memref<32xi32, #tpu.memory_space<hbm>>) target(%arg8 : memref<32xi32, #tpu.memory_space<vmem>>) target_semaphore(%run_scoped3A : memref<!tpu.dma_semaphore, #tpu.memory_space<semaphore_mem>>)
      %dma_wait3A_59 = tpu.memref_slice %arg4[%add3A_44] : memref<4096xi32, #tpu.memory_space<hbm>> -> memref<32xi32, #tpu.memory_space<hbm>>
      %dma_wait3A_60 = tpu.memref_slice %arg4[%add3A_44] : memref<4096xi32, #tpu.memory_space<hbm>> -> memref<32xi32, #tpu.memory_space<hbm>>
      tpu.wait_dma2 semaphore(%run_scoped3A : memref<!tpu.dma_semaphore, #tpu.memory_space<semaphore_mem>>) src(%dma_wait3A_60 : memref<32xi32, #tpu.memory_space<hbm>>) dst(%arg8 : memref<32xi32, #tpu.memory_space<vmem>>)
      tpu.yield
    }) : () -> ()
    %dma_start3A_51 = arith.constant 0 : i32
    %dma_start3A_52 = arith.constant 0 : i32
    %dma_start3A_53 = tpu.memref_slice %arg3[%dma_start3A_51, %dma_start3A_52] : memref<4096x640xf32, #tpu.memory_space<hbm>> -> memref<4096x640xf32, #tpu.memory_space<hbm>>
    tpu.enqueue_indirect_dma source(%dma_start3A_53 : memref<4096x640xf32, #tpu.memory_space<hbm>>) target(%arg10 : memref<32x640xf32, #tpu.memory_space<vmem>>) offsets(%arg8 : memref<32xi32, #tpu.memory_space<vmem>>) semaphore(%arg12 : memref<!tpu.dma_semaphore, #tpu.memory_space<semaphore_mem>>)
    %dma_wait3A_54 = arith.constant 0 : i32
    %dma_wait3A_55 = arith.constant 0 : i32
    %dma_wait3A_56 = tpu.memref_slice %arg3[%dma_wait3A_54, %dma_wait3A_55] : memref<4096x640xf32, #tpu.memory_space<hbm>> -> memref<4096x640xf32, #tpu.memory_space<hbm>>
    tpu.wait_indirect_dma semaphore(%arg12 : memref<!tpu.dma_semaphore, #tpu.memory_space<semaphore_mem>>) src(%dma_wait3A_56 : memref<4096x640xf32, #tpu.memory_space<hbm>>) dst(%arg10 : memref<32x640xf32, #tpu.memory_space<vmem>>)
    "tpu.region"() ({
      %run_scoped3A = tpu.sem_alloc : memref<!tpu.dma_semaphore, #tpu.memory_space<semaphore_mem>>
      %dma_start3A_57 = arith.constant 0 : i32
      %dma_start3A_58 = tpu.memref_slice %arg7[%add3A_44, %dma_start3A_57] : memref<4096x640xf32, #tpu.memory_space<hbm>> -> memref<32x640xf32, #tpu.memory_space<hbm>>
      %dma_start3A_59 = arith.constant 0 : i32
      %dma_start3A_60 = tpu.memref_slice %arg7[%add3A_44, %dma_start3A_59] : memref<4096x640xf32, #tpu.memory_space<hbm>> -> memref<32x640xf32, #tpu.memory_space<hbm>>
      tpu.enqueue_dma source(%arg10 : memref<32x640xf32, #tpu.memory_space<vmem>>) target(%dma_start3A_60 : memref<32x640xf32, #tpu.memory_space<hbm>>) target_semaphore(%run_scoped3A : memref<!tpu.dma_semaphore, #tpu.memory_space<semaphore_mem>>)
      %dma_wait3A_61 = arith.constant 0 : i32
      %dma_wait3A_62 = tpu.memref_slice %arg7[%add3A_44, %dma_wait3A_61] : memref<4096x640xf32, #tpu.memory_space<hbm>> -> memref<32x640xf32, #tpu.memory_space<hbm>>
      %dma_wait3A_63 = arith.constant 0 : i32
      %dma_wait3A_64 = tpu.memref_slice %arg7[%add3A_44, %dma_wait3A_63] : memref<4096x640xf32, #tpu.memory_space<hbm>> -> memref<32x640xf32, #tpu.memory_space<hbm>>
      tpu.wait_dma2 semaphore(%run_scoped3A : memref<!tpu.dma_semaphore, #tpu.memory_space<semaphore_mem>>) src(%arg10 : memref<32x640xf32, #tpu.memory_space<vmem>>) dst(%dma_wait3A_64 : memref<32x640xf32, #tpu.memory_space<hbm>>)
      tpu.yield
    }) : () -> ()
    return
  }
}

#map = affine_map<(d0, d1) -> (0, 0)>
#map1 = affine_map<(d0, d1) -> (0)>
module attributes {stable_mosaic.version = 14 : i64} {
  func.func @_sc_scatter_body(%arg0: i32, %arg1: i32, %arg2: memref<4096x640xf32, #tpu.memory_space<hbm>>, %arg3: memref<4096x640xf32, #tpu.memory_space<hbm>>, %arg4: memref<4096xi32, #tpu.memory_space<hbm>>, %arg5: memref<4096x640xf32, #tpu.memory_space<hbm>>, %arg6: memref<4096x640xf32, #tpu.memory_space<hbm>>, %arg7: memref<32xi32, #tpu.memory_space<vmem>>, %arg8: memref<32x640xf32, #tpu.memory_space<vmem>>, %arg9: memref<32x640xf32, #tpu.memory_space<vmem>>, %arg10: memref<!tpu.dma_semaphore, #tpu.memory_space<semaphore_mem>>, %arg11: memref<!tpu.dma_semaphore, #tpu.memory_space<semaphore_mem>>) attributes {dimension_semantics = [#tpu.dimension_semantics<core_parallel>, #tpu.dimension_semantics<subcore_parallel>], iteration_bounds = array<i64: 2, 16>, scalar_prefetch = 0 : i64, scratch_operands = 5 : i64, tpu.core_type = #tpu.core_type<sc_vector_subcore>, window_params = [{transform_indices = #map}, {transform_indices = #map}, {transform_indices = #map1}, {transform_indices = #map}, {transform_indices = #map}]} {
    %mul3A = arith.constant 2 : i32
    %mul3A_0 = arith.muli %arg1, %mul3A : i32
    %add3A = arith.addi %mul3A_0, %arg0 : i32
    %mul3A_1 = arith.constant 128 : i32
    %mul3A_2 = arith.muli %add3A, %mul3A_1 : i32
    %add3A_3 = arith.constant 0 : i32
    %add3A_4 = arith.addi %mul3A_2, %add3A_3 : i32
    "tpu.region"() ({
      %run_scoped3A = tpu.sem_alloc : memref<!tpu.dma_semaphore, #tpu.memory_space<semaphore_mem>>
      %dma_start3A_57 = tpu.memref_slice %arg4[%add3A_4] : memref<4096xi32, #tpu.memory_space<hbm>> -> memref<32xi32, #tpu.memory_space<hbm>>
      %dma_start3A_58 = tpu.memref_slice %arg4[%add3A_4] : memref<4096xi32, #tpu.memory_space<hbm>> -> memref<32xi32, #tpu.memory_space<hbm>>
      tpu.enqueue_dma source(%dma_start3A_58 : memref<32xi32, #tpu.memory_space<hbm>>) target(%arg7 : memref<32xi32, #tpu.memory_space<vmem>>) target_semaphore(%run_scoped3A : memref<!tpu.dma_semaphore, #tpu.memory_space<semaphore_mem>>)
      %dma_wait3A_59 = tpu.memref_slice %arg4[%add3A_4] : memref<4096xi32, #tpu.memory_space<hbm>> -> memref<32xi32, #tpu.memory_space<hbm>>
      %dma_wait3A_60 = tpu.memref_slice %arg4[%add3A_4] : memref<4096xi32, #tpu.memory_space<hbm>> -> memref<32xi32, #tpu.memory_space<hbm>>
      tpu.wait_dma2 semaphore(%run_scoped3A : memref<!tpu.dma_semaphore, #tpu.memory_space<semaphore_mem>>) src(%dma_wait3A_60 : memref<32xi32, #tpu.memory_space<hbm>>) dst(%arg7 : memref<32xi32, #tpu.memory_space<vmem>>)
      tpu.yield
    }) : () -> ()
    "tpu.region"() ({
      %run_scoped3A = tpu.sem_alloc : memref<!tpu.dma_semaphore, #tpu.memory_space<semaphore_mem>>
      %dma_start3A_57 = arith.constant 0 : i32
      %dma_start3A_58 = tpu.memref_slice %arg2[%add3A_4, %dma_start3A_57] : memref<4096x640xf32, #tpu.memory_space<hbm>> -> memref<32x640xf32, #tpu.memory_space<hbm>>
      %dma_start3A_59 = arith.constant 0 : i32
      %dma_start3A_60 = tpu.memref_slice %arg2[%add3A_4, %dma_start3A_59] : memref<4096x640xf32, #tpu.memory_space<hbm>> -> memref<32x640xf32, #tpu.memory_space<hbm>>
      tpu.enqueue_dma source(%dma_start3A_60 : memref<32x640xf32, #tpu.memory_space<hbm>>) target(%arg8 : memref<32x640xf32, #tpu.memory_space<vmem>>) target_semaphore(%run_scoped3A : memref<!tpu.dma_semaphore, #tpu.memory_space<semaphore_mem>>)
      %dma_wait3A_61 = arith.constant 0 : i32
      %dma_wait3A_62 = tpu.memref_slice %arg2[%add3A_4, %dma_wait3A_61] : memref<4096x640xf32, #tpu.memory_space<hbm>> -> memref<32x640xf32, #tpu.memory_space<hbm>>
      %dma_wait3A_63 = arith.constant 0 : i32
      %dma_wait3A_64 = tpu.memref_slice %arg2[%add3A_4, %dma_wait3A_63] : memref<4096x640xf32, #tpu.memory_space<hbm>> -> memref<32x640xf32, #tpu.memory_space<hbm>>
      tpu.wait_dma2 semaphore(%run_scoped3A : memref<!tpu.dma_semaphore, #tpu.memory_space<semaphore_mem>>) src(%dma_wait3A_64 : memref<32x640xf32, #tpu.memory_space<hbm>>) dst(%arg8 : memref<32x640xf32, #tpu.memory_space<vmem>>)
      tpu.yield
    }) : () -> ()
    "tpu.region"() ({
      %run_scoped3A = tpu.sem_alloc : memref<!tpu.dma_semaphore, #tpu.memory_space<semaphore_mem>>
      %dma_start3A_57 = arith.constant 0 : i32
      %dma_start3A_58 = tpu.memref_slice %arg3[%add3A_4, %dma_start3A_57] : memref<4096x640xf32, #tpu.memory_space<hbm>> -> memref<32x640xf32, #tpu.memory_space<hbm>>
      %dma_start3A_59 = arith.constant 0 : i32
      %dma_start3A_60 = tpu.memref_slice %arg3[%add3A_4, %dma_start3A_59] : memref<4096x640xf32, #tpu.memory_space<hbm>> -> memref<32x640xf32, #tpu.memory_space<hbm>>
      tpu.enqueue_dma source(%dma_start3A_60 : memref<32x640xf32, #tpu.memory_space<hbm>>) target(%arg9 : memref<32x640xf32, #tpu.memory_space<vmem>>) target_semaphore(%run_scoped3A : memref<!tpu.dma_semaphore, #tpu.memory_space<semaphore_mem>>)
      %dma_wait3A_61 = arith.constant 0 : i32
      %dma_wait3A_62 = tpu.memref_slice %arg3[%add3A_4, %dma_wait3A_61] : memref<4096x640xf32, #tpu.memory_space<hbm>> -> memref<32x640xf32, #tpu.memory_space<hbm>>
      %dma_wait3A_63 = arith.constant 0 : i32
      %dma_wait3A_64 = tpu.memref_slice %arg3[%add3A_4, %dma_wait3A_63] : memref<4096x640xf32, #tpu.memory_space<hbm>> -> memref<32x640xf32, #tpu.memory_space<hbm>>
      tpu.wait_dma2 semaphore(%run_scoped3A : memref<!tpu.dma_semaphore, #tpu.memory_space<semaphore_mem>>) src(%dma_wait3A_64 : memref<32x640xf32, #tpu.memory_space<hbm>>) dst(%arg9 : memref<32x640xf32, #tpu.memory_space<vmem>>)
      tpu.yield
    }) : () -> ()
    %dma_start3A = arith.constant 0 : i32
    %dma_start3A_5 = arith.constant 0 : i32
    %dma_start3A_6 = tpu.memref_slice %arg5[%dma_start3A, %dma_start3A_5] : memref<4096x640xf32, #tpu.memory_space<hbm>> -> memref<4096x640xf32, #tpu.memory_space<hbm>>
    tpu.enqueue_indirect_dma source(%arg8 : memref<32x640xf32, #tpu.memory_space<vmem>>) target(%dma_start3A_6 : memref<4096x640xf32, #tpu.memory_space<hbm>>) offsets(%arg7 : memref<32xi32, #tpu.memory_space<vmem>>) semaphore(%arg10 : memref<!tpu.dma_semaphore, #tpu.memory_space<semaphore_mem>>)
    %dma_wait3A = arith.constant 0 : i32
    %dma_wait3A_7 = arith.constant 0 : i32
    %dma_wait3A_8 = tpu.memref_slice %arg5[%dma_wait3A, %dma_wait3A_7] : memref<4096x640xf32, #tpu.memory_space<hbm>> -> memref<4096x640xf32, #tpu.memory_space<hbm>>
    tpu.wait_indirect_dma semaphore(%arg10 : memref<!tpu.dma_semaphore, #tpu.memory_space<semaphore_mem>>) src(%arg8 : memref<32x640xf32, #tpu.memory_space<vmem>>) dst(%dma_wait3A_8 : memref<4096x640xf32, #tpu.memory_space<hbm>>)
    %dma_start3A_9 = arith.constant 0 : i32
    %dma_start3A_10 = arith.constant 0 : i32
    %dma_start3A_11 = tpu.memref_slice %arg6[%dma_start3A_9, %dma_start3A_10] : memref<4096x640xf32, #tpu.memory_space<hbm>> -> memref<4096x640xf32, #tpu.memory_space<hbm>>
    tpu.enqueue_indirect_dma source(%arg9 : memref<32x640xf32, #tpu.memory_space<vmem>>) target(%dma_start3A_11 : memref<4096x640xf32, #tpu.memory_space<hbm>>) offsets(%arg7 : memref<32xi32, #tpu.memory_space<vmem>>) semaphore(%arg11 : memref<!tpu.dma_semaphore, #tpu.memory_space<semaphore_mem>>)
    %dma_wait3A_12 = arith.constant 0 : i32
    %dma_wait3A_13 = arith.constant 0 : i32
    %dma_wait3A_14 = tpu.memref_slice %arg6[%dma_wait3A_12, %dma_wait3A_13] : memref<4096x640xf32, #tpu.memory_space<hbm>> -> memref<4096x640xf32, #tpu.memory_space<hbm>>
    tpu.wait_indirect_dma semaphore(%arg11 : memref<!tpu.dma_semaphore, #tpu.memory_space<semaphore_mem>>) src(%arg9 : memref<32x640xf32, #tpu.memory_space<vmem>>) dst(%dma_wait3A_14 : memref<4096x640xf32, #tpu.memory_space<hbm>>)
    %add3A_15 = arith.constant 32 : i32
    %add3A_16 = arith.addi %mul3A_2, %add3A_15 : i32
    "tpu.region"() ({
      %run_scoped3A = tpu.sem_alloc : memref<!tpu.dma_semaphore, #tpu.memory_space<semaphore_mem>>
      %dma_start3A_57 = tpu.memref_slice %arg4[%add3A_16] : memref<4096xi32, #tpu.memory_space<hbm>> -> memref<32xi32, #tpu.memory_space<hbm>>
      %dma_start3A_58 = tpu.memref_slice %arg4[%add3A_16] : memref<4096xi32, #tpu.memory_space<hbm>> -> memref<32xi32, #tpu.memory_space<hbm>>
      tpu.enqueue_dma source(%dma_start3A_58 : memref<32xi32, #tpu.memory_space<hbm>>) target(%arg7 : memref<32xi32, #tpu.memory_space<vmem>>) target_semaphore(%run_scoped3A : memref<!tpu.dma_semaphore, #tpu.memory_space<semaphore_mem>>)
      %dma_wait3A_59 = tpu.memref_slice %arg4[%add3A_16] : memref<4096xi32, #tpu.memory_space<hbm>> -> memref<32xi32, #tpu.memory_space<hbm>>
      %dma_wait3A_60 = tpu.memref_slice %arg4[%add3A_16] : memref<4096xi32, #tpu.memory_space<hbm>> -> memref<32xi32, #tpu.memory_space<hbm>>
      tpu.wait_dma2 semaphore(%run_scoped3A : memref<!tpu.dma_semaphore, #tpu.memory_space<semaphore_mem>>) src(%dma_wait3A_60 : memref<32xi32, #tpu.memory_space<hbm>>) dst(%arg7 : memref<32xi32, #tpu.memory_space<vmem>>)
      tpu.yield
    }) : () -> ()
    "tpu.region"() ({
      %run_scoped3A = tpu.sem_alloc : memref<!tpu.dma_semaphore, #tpu.memory_space<semaphore_mem>>
      %dma_start3A_57 = arith.constant 0 : i32
      %dma_start3A_58 = tpu.memref_slice %arg2[%add3A_16, %dma_start3A_57] : memref<4096x640xf32, #tpu.memory_space<hbm>> -> memref<32x640xf32, #tpu.memory_space<hbm>>
      %dma_start3A_59 = arith.constant 0 : i32
      %dma_start3A_60 = tpu.memref_slice %arg2[%add3A_16, %dma_start3A_59] : memref<4096x640xf32, #tpu.memory_space<hbm>> -> memref<32x640xf32, #tpu.memory_space<hbm>>
      tpu.enqueue_dma source(%dma_start3A_60 : memref<32x640xf32, #tpu.memory_space<hbm>>) target(%arg8 : memref<32x640xf32, #tpu.memory_space<vmem>>) target_semaphore(%run_scoped3A : memref<!tpu.dma_semaphore, #tpu.memory_space<semaphore_mem>>)
      %dma_wait3A_61 = arith.constant 0 : i32
      %dma_wait3A_62 = tpu.memref_slice %arg2[%add3A_16, %dma_wait3A_61] : memref<4096x640xf32, #tpu.memory_space<hbm>> -> memref<32x640xf32, #tpu.memory_space<hbm>>
      %dma_wait3A_63 = arith.constant 0 : i32
      %dma_wait3A_64 = tpu.memref_slice %arg2[%add3A_16, %dma_wait3A_63] : memref<4096x640xf32, #tpu.memory_space<hbm>> -> memref<32x640xf32, #tpu.memory_space<hbm>>
      tpu.wait_dma2 semaphore(%run_scoped3A : memref<!tpu.dma_semaphore, #tpu.memory_space<semaphore_mem>>) src(%dma_wait3A_64 : memref<32x640xf32, #tpu.memory_space<hbm>>) dst(%arg8 : memref<32x640xf32, #tpu.memory_space<vmem>>)
      tpu.yield
    }) : () -> ()
    "tpu.region"() ({
      %run_scoped3A = tpu.sem_alloc : memref<!tpu.dma_semaphore, #tpu.memory_space<semaphore_mem>>
      %dma_start3A_57 = arith.constant 0 : i32
      %dma_start3A_58 = tpu.memref_slice %arg3[%add3A_16, %dma_start3A_57] : memref<4096x640xf32, #tpu.memory_space<hbm>> -> memref<32x640xf32, #tpu.memory_space<hbm>>
      %dma_start3A_59 = arith.constant 0 : i32
      %dma_start3A_60 = tpu.memref_slice %arg3[%add3A_16, %dma_start3A_59] : memref<4096x640xf32, #tpu.memory_space<hbm>> -> memref<32x640xf32, #tpu.memory_space<hbm>>
      tpu.enqueue_dma source(%dma_start3A_60 : memref<32x640xf32, #tpu.memory_space<hbm>>) target(%arg9 : memref<32x640xf32, #tpu.memory_space<vmem>>) target_semaphore(%run_scoped3A : memref<!tpu.dma_semaphore, #tpu.memory_space<semaphore_mem>>)
      %dma_wait3A_61 = arith.constant 0 : i32
      %dma_wait3A_62 = tpu.memref_slice %arg3[%add3A_16, %dma_wait3A_61] : memref<4096x640xf32, #tpu.memory_space<hbm>> -> memref<32x640xf32, #tpu.memory_space<hbm>>
      %dma_wait3A_63 = arith.constant 0 : i32
      %dma_wait3A_64 = tpu.memref_slice %arg3[%add3A_16, %dma_wait3A_63] : memref<4096x640xf32, #tpu.memory_space<hbm>> -> memref<32x640xf32, #tpu.memory_space<hbm>>
      tpu.wait_dma2 semaphore(%run_scoped3A : memref<!tpu.dma_semaphore, #tpu.memory_space<semaphore_mem>>) src(%dma_wait3A_64 : memref<32x640xf32, #tpu.memory_space<hbm>>) dst(%arg9 : memref<32x640xf32, #tpu.memory_space<vmem>>)
      tpu.yield
    }) : () -> ()
    %dma_start3A_17 = arith.constant 0 : i32
    %dma_start3A_18 = arith.constant 0 : i32
    %dma_start3A_19 = tpu.memref_slice %arg5[%dma_start3A_17, %dma_start3A_18] : memref<4096x640xf32, #tpu.memory_space<hbm>> -> memref<4096x640xf32, #tpu.memory_space<hbm>>
    tpu.enqueue_indirect_dma source(%arg8 : memref<32x640xf32, #tpu.memory_space<vmem>>) target(%dma_start3A_19 : memref<4096x640xf32, #tpu.memory_space<hbm>>) offsets(%arg7 : memref<32xi32, #tpu.memory_space<vmem>>) semaphore(%arg10 : memref<!tpu.dma_semaphore, #tpu.memory_space<semaphore_mem>>)
    %dma_wait3A_20 = arith.constant 0 : i32
    %dma_wait3A_21 = arith.constant 0 : i32
    %dma_wait3A_22 = tpu.memref_slice %arg5[%dma_wait3A_20, %dma_wait3A_21] : memref<4096x640xf32, #tpu.memory_space<hbm>> -> memref<4096x640xf32, #tpu.memory_space<hbm>>
    tpu.wait_indirect_dma semaphore(%arg10 : memref<!tpu.dma_semaphore, #tpu.memory_space<semaphore_mem>>) src(%arg8 : memref<32x640xf32, #tpu.memory_space<vmem>>) dst(%dma_wait3A_22 : memref<4096x640xf32, #tpu.memory_space<hbm>>)
    %dma_start3A_23 = arith.constant 0 : i32
    %dma_start3A_24 = arith.constant 0 : i32
    %dma_start3A_25 = tpu.memref_slice %arg6[%dma_start3A_23, %dma_start3A_24] : memref<4096x640xf32, #tpu.memory_space<hbm>> -> memref<4096x640xf32, #tpu.memory_space<hbm>>
    tpu.enqueue_indirect_dma source(%arg9 : memref<32x640xf32, #tpu.memory_space<vmem>>) target(%dma_start3A_25 : memref<4096x640xf32, #tpu.memory_space<hbm>>) offsets(%arg7 : memref<32xi32, #tpu.memory_space<vmem>>) semaphore(%arg11 : memref<!tpu.dma_semaphore, #tpu.memory_space<semaphore_mem>>)
    %dma_wait3A_26 = arith.constant 0 : i32
    %dma_wait3A_27 = arith.constant 0 : i32
    %dma_wait3A_28 = tpu.memref_slice %arg6[%dma_wait3A_26, %dma_wait3A_27] : memref<4096x640xf32, #tpu.memory_space<hbm>> -> memref<4096x640xf32, #tpu.memory_space<hbm>>
    tpu.wait_indirect_dma semaphore(%arg11 : memref<!tpu.dma_semaphore, #tpu.memory_space<semaphore_mem>>) src(%arg9 : memref<32x640xf32, #tpu.memory_space<vmem>>) dst(%dma_wait3A_28 : memref<4096x640xf32, #tpu.memory_space<hbm>>)
    %add3A_29 = arith.constant 64 : i32
    %add3A_30 = arith.addi %mul3A_2, %add3A_29 : i32
    "tpu.region"() ({
      %run_scoped3A = tpu.sem_alloc : memref<!tpu.dma_semaphore, #tpu.memory_space<semaphore_mem>>
      %dma_start3A_57 = tpu.memref_slice %arg4[%add3A_30] : memref<4096xi32, #tpu.memory_space<hbm>> -> memref<32xi32, #tpu.memory_space<hbm>>
      %dma_start3A_58 = tpu.memref_slice %arg4[%add3A_30] : memref<4096xi32, #tpu.memory_space<hbm>> -> memref<32xi32, #tpu.memory_space<hbm>>
      tpu.enqueue_dma source(%dma_start3A_58 : memref<32xi32, #tpu.memory_space<hbm>>) target(%arg7 : memref<32xi32, #tpu.memory_space<vmem>>) target_semaphore(%run_scoped3A : memref<!tpu.dma_semaphore, #tpu.memory_space<semaphore_mem>>)
      %dma_wait3A_59 = tpu.memref_slice %arg4[%add3A_30] : memref<4096xi32, #tpu.memory_space<hbm>> -> memref<32xi32, #tpu.memory_space<hbm>>
      %dma_wait3A_60 = tpu.memref_slice %arg4[%add3A_30] : memref<4096xi32, #tpu.memory_space<hbm>> -> memref<32xi32, #tpu.memory_space<hbm>>
      tpu.wait_dma2 semaphore(%run_scoped3A : memref<!tpu.dma_semaphore, #tpu.memory_space<semaphore_mem>>) src(%dma_wait3A_60 : memref<32xi32, #tpu.memory_space<hbm>>) dst(%arg7 : memref<32xi32, #tpu.memory_space<vmem>>)
      tpu.yield
    }) : () -> ()
    "tpu.region"() ({
      %run_scoped3A = tpu.sem_alloc : memref<!tpu.dma_semaphore, #tpu.memory_space<semaphore_mem>>
      %dma_start3A_57 = arith.constant 0 : i32
      %dma_start3A_58 = tpu.memref_slice %arg2[%add3A_30, %dma_start3A_57] : memref<4096x640xf32, #tpu.memory_space<hbm>> -> memref<32x640xf32, #tpu.memory_space<hbm>>
      %dma_start3A_59 = arith.constant 0 : i32
      %dma_start3A_60 = tpu.memref_slice %arg2[%add3A_30, %dma_start3A_59] : memref<4096x640xf32, #tpu.memory_space<hbm>> -> memref<32x640xf32, #tpu.memory_space<hbm>>
      tpu.enqueue_dma source(%dma_start3A_60 : memref<32x640xf32, #tpu.memory_space<hbm>>) target(%arg8 : memref<32x640xf32, #tpu.memory_space<vmem>>) target_semaphore(%run_scoped3A : memref<!tpu.dma_semaphore, #tpu.memory_space<semaphore_mem>>)
      %dma_wait3A_61 = arith.constant 0 : i32
      %dma_wait3A_62 = tpu.memref_slice %arg2[%add3A_30, %dma_wait3A_61] : memref<4096x640xf32, #tpu.memory_space<hbm>> -> memref<32x640xf32, #tpu.memory_space<hbm>>
      %dma_wait3A_63 = arith.constant 0 : i32
      %dma_wait3A_64 = tpu.memref_slice %arg2[%add3A_30, %dma_wait3A_63] : memref<4096x640xf32, #tpu.memory_space<hbm>> -> memref<32x640xf32, #tpu.memory_space<hbm>>
      tpu.wait_dma2 semaphore(%run_scoped3A : memref<!tpu.dma_semaphore, #tpu.memory_space<semaphore_mem>>) src(%dma_wait3A_64 : memref<32x640xf32, #tpu.memory_space<hbm>>) dst(%arg8 : memref<32x640xf32, #tpu.memory_space<vmem>>)
      tpu.yield
    }) : () -> ()
    "tpu.region"() ({
      %run_scoped3A = tpu.sem_alloc : memref<!tpu.dma_semaphore, #tpu.memory_space<semaphore_mem>>
      %dma_start3A_57 = arith.constant 0 : i32
      %dma_start3A_58 = tpu.memref_slice %arg3[%add3A_30, %dma_start3A_57] : memref<4096x640xf32, #tpu.memory_space<hbm>> -> memref<32x640xf32, #tpu.memory_space<hbm>>
      %dma_start3A_59 = arith.constant 0 : i32
      %dma_start3A_60 = tpu.memref_slice %arg3[%add3A_30, %dma_start3A_59] : memref<4096x640xf32, #tpu.memory_space<hbm>> -> memref<32x640xf32, #tpu.memory_space<hbm>>
      tpu.enqueue_dma source(%dma_start3A_60 : memref<32x640xf32, #tpu.memory_space<hbm>>) target(%arg9 : memref<32x640xf32, #tpu.memory_space<vmem>>) target_semaphore(%run_scoped3A : memref<!tpu.dma_semaphore, #tpu.memory_space<semaphore_mem>>)
      %dma_wait3A_61 = arith.constant 0 : i32
      %dma_wait3A_62 = tpu.memref_slice %arg3[%add3A_30, %dma_wait3A_61] : memref<4096x640xf32, #tpu.memory_space<hbm>> -> memref<32x640xf32, #tpu.memory_space<hbm>>
      %dma_wait3A_63 = arith.constant 0 : i32
      %dma_wait3A_64 = tpu.memref_slice %arg3[%add3A_30, %dma_wait3A_63] : memref<4096x640xf32, #tpu.memory_space<hbm>> -> memref<32x640xf32, #tpu.memory_space<hbm>>
      tpu.wait_dma2 semaphore(%run_scoped3A : memref<!tpu.dma_semaphore, #tpu.memory_space<semaphore_mem>>) src(%dma_wait3A_64 : memref<32x640xf32, #tpu.memory_space<hbm>>) dst(%arg9 : memref<32x640xf32, #tpu.memory_space<vmem>>)
      tpu.yield
    }) : () -> ()
    %dma_start3A_31 = arith.constant 0 : i32
    %dma_start3A_32 = arith.constant 0 : i32
    %dma_start3A_33 = tpu.memref_slice %arg5[%dma_start3A_31, %dma_start3A_32] : memref<4096x640xf32, #tpu.memory_space<hbm>> -> memref<4096x640xf32, #tpu.memory_space<hbm>>
    tpu.enqueue_indirect_dma source(%arg8 : memref<32x640xf32, #tpu.memory_space<vmem>>) target(%dma_start3A_33 : memref<4096x640xf32, #tpu.memory_space<hbm>>) offsets(%arg7 : memref<32xi32, #tpu.memory_space<vmem>>) semaphore(%arg10 : memref<!tpu.dma_semaphore, #tpu.memory_space<semaphore_mem>>)
    %dma_wait3A_34 = arith.constant 0 : i32
    %dma_wait3A_35 = arith.constant 0 : i32
    %dma_wait3A_36 = tpu.memref_slice %arg5[%dma_wait3A_34, %dma_wait3A_35] : memref<4096x640xf32, #tpu.memory_space<hbm>> -> memref<4096x640xf32, #tpu.memory_space<hbm>>
    tpu.wait_indirect_dma semaphore(%arg10 : memref<!tpu.dma_semaphore, #tpu.memory_space<semaphore_mem>>) src(%arg8 : memref<32x640xf32, #tpu.memory_space<vmem>>) dst(%dma_wait3A_36 : memref<4096x640xf32, #tpu.memory_space<hbm>>)
    %dma_start3A_37 = arith.constant 0 : i32
    %dma_start3A_38 = arith.constant 0 : i32
    %dma_start3A_39 = tpu.memref_slice %arg6[%dma_start3A_37, %dma_start3A_38] : memref<4096x640xf32, #tpu.memory_space<hbm>> -> memref<4096x640xf32, #tpu.memory_space<hbm>>
    tpu.enqueue_indirect_dma source(%arg9 : memref<32x640xf32, #tpu.memory_space<vmem>>) target(%dma_start3A_39 : memref<4096x640xf32, #tpu.memory_space<hbm>>) offsets(%arg7 : memref<32xi32, #tpu.memory_space<vmem>>) semaphore(%arg11 : memref<!tpu.dma_semaphore, #tpu.memory_space<semaphore_mem>>)
    %dma_wait3A_40 = arith.constant 0 : i32
    %dma_wait3A_41 = arith.constant 0 : i32
    %dma_wait3A_42 = tpu.memref_slice %arg6[%dma_wait3A_40, %dma_wait3A_41] : memref<4096x640xf32, #tpu.memory_space<hbm>> -> memref<4096x640xf32, #tpu.memory_space<hbm>>
    tpu.wait_indirect_dma semaphore(%arg11 : memref<!tpu.dma_semaphore, #tpu.memory_space<semaphore_mem>>) src(%arg9 : memref<32x640xf32, #tpu.memory_space<vmem>>) dst(%dma_wait3A_42 : memref<4096x640xf32, #tpu.memory_space<hbm>>)
    %add3A_43 = arith.constant 96 : i32
    %add3A_44 = arith.addi %mul3A_2, %add3A_43 : i32
    "tpu.region"() ({
      %run_scoped3A = tpu.sem_alloc : memref<!tpu.dma_semaphore, #tpu.memory_space<semaphore_mem>>
      %dma_start3A_57 = tpu.memref_slice %arg4[%add3A_44] : memref<4096xi32, #tpu.memory_space<hbm>> -> memref<32xi32, #tpu.memory_space<hbm>>
      %dma_start3A_58 = tpu.memref_slice %arg4[%add3A_44] : memref<4096xi32, #tpu.memory_space<hbm>> -> memref<32xi32, #tpu.memory_space<hbm>>
      tpu.enqueue_dma source(%dma_start3A_58 : memref<32xi32, #tpu.memory_space<hbm>>) target(%arg7 : memref<32xi32, #tpu.memory_space<vmem>>) target_semaphore(%run_scoped3A : memref<!tpu.dma_semaphore, #tpu.memory_space<semaphore_mem>>)
      %dma_wait3A_59 = tpu.memref_slice %arg4[%add3A_44] : memref<4096xi32, #tpu.memory_space<hbm>> -> memref<32xi32, #tpu.memory_space<hbm>>
      %dma_wait3A_60 = tpu.memref_slice %arg4[%add3A_44] : memref<4096xi32, #tpu.memory_space<hbm>> -> memref<32xi32, #tpu.memory_space<hbm>>
      tpu.wait_dma2 semaphore(%run_scoped3A : memref<!tpu.dma_semaphore, #tpu.memory_space<semaphore_mem>>) src(%dma_wait3A_60 : memref<32xi32, #tpu.memory_space<hbm>>) dst(%arg7 : memref<32xi32, #tpu.memory_space<vmem>>)
      tpu.yield
    }) : () -> ()
    "tpu.region"() ({
      %run_scoped3A = tpu.sem_alloc : memref<!tpu.dma_semaphore, #tpu.memory_space<semaphore_mem>>
      %dma_start3A_57 = arith.constant 0 : i32
      %dma_start3A_58 = tpu.memref_slice %arg2[%add3A_44, %dma_start3A_57] : memref<4096x640xf32, #tpu.memory_space<hbm>> -> memref<32x640xf32, #tpu.memory_space<hbm>>
      %dma_start3A_59 = arith.constant 0 : i32
      %dma_start3A_60 = tpu.memref_slice %arg2[%add3A_44, %dma_start3A_59] : memref<4096x640xf32, #tpu.memory_space<hbm>> -> memref<32x640xf32, #tpu.memory_space<hbm>>
      tpu.enqueue_dma source(%dma_start3A_60 : memref<32x640xf32, #tpu.memory_space<hbm>>) target(%arg8 : memref<32x640xf32, #tpu.memory_space<vmem>>) target_semaphore(%run_scoped3A : memref<!tpu.dma_semaphore, #tpu.memory_space<semaphore_mem>>)
      %dma_wait3A_61 = arith.constant 0 : i32
      %dma_wait3A_62 = tpu.memref_slice %arg2[%add3A_44, %dma_wait3A_61] : memref<4096x640xf32, #tpu.memory_space<hbm>> -> memref<32x640xf32, #tpu.memory_space<hbm>>
      %dma_wait3A_63 = arith.constant 0 : i32
      %dma_wait3A_64 = tpu.memref_slice %arg2[%add3A_44, %dma_wait3A_63] : memref<4096x640xf32, #tpu.memory_space<hbm>> -> memref<32x640xf32, #tpu.memory_space<hbm>>
      tpu.wait_dma2 semaphore(%run_scoped3A : memref<!tpu.dma_semaphore, #tpu.memory_space<semaphore_mem>>) src(%dma_wait3A_64 : memref<32x640xf32, #tpu.memory_space<hbm>>) dst(%arg8 : memref<32x640xf32, #tpu.memory_space<vmem>>)
      tpu.yield
    }) : () -> ()
    "tpu.region"() ({
      %run_scoped3A = tpu.sem_alloc : memref<!tpu.dma_semaphore, #tpu.memory_space<semaphore_mem>>
      %dma_start3A_57 = arith.constant 0 : i32
      %dma_start3A_58 = tpu.memref_slice %arg3[%add3A_44, %dma_start3A_57] : memref<4096x640xf32, #tpu.memory_space<hbm>> -> memref<32x640xf32, #tpu.memory_space<hbm>>
      %dma_start3A_59 = arith.constant 0 : i32
      %dma_start3A_60 = tpu.memref_slice %arg3[%add3A_44, %dma_start3A_59] : memref<4096x640xf32, #tpu.memory_space<hbm>> -> memref<32x640xf32, #tpu.memory_space<hbm>>
      tpu.enqueue_dma source(%dma_start3A_60 : memref<32x640xf32, #tpu.memory_space<hbm>>) target(%arg9 : memref<32x640xf32, #tpu.memory_space<vmem>>) target_semaphore(%run_scoped3A : memref<!tpu.dma_semaphore, #tpu.memory_space<semaphore_mem>>)
      %dma_wait3A_61 = arith.constant 0 : i32
      %dma_wait3A_62 = tpu.memref_slice %arg3[%add3A_44, %dma_wait3A_61] : memref<4096x640xf32, #tpu.memory_space<hbm>> -> memref<32x640xf32, #tpu.memory_space<hbm>>
      %dma_wait3A_63 = arith.constant 0 : i32
      %dma_wait3A_64 = tpu.memref_slice %arg3[%add3A_44, %dma_wait3A_63] : memref<4096x640xf32, #tpu.memory_space<hbm>> -> memref<32x640xf32, #tpu.memory_space<hbm>>
      tpu.wait_dma2 semaphore(%run_scoped3A : memref<!tpu.dma_semaphore, #tpu.memory_space<semaphore_mem>>) src(%dma_wait3A_64 : memref<32x640xf32, #tpu.memory_space<hbm>>) dst(%arg9 : memref<32x640xf32, #tpu.memory_space<vmem>>)
      tpu.yield
    }) : () -> ()
    %dma_start3A_45 = arith.constant 0 : i32
    %dma_start3A_46 = arith.constant 0 : i32
    %dma_start3A_47 = tpu.memref_slice %arg5[%dma_start3A_45, %dma_start3A_46] : memref<4096x640xf32, #tpu.memory_space<hbm>> -> memref<4096x640xf32, #tpu.memory_space<hbm>>
    tpu.enqueue_indirect_dma source(%arg8 : memref<32x640xf32, #tpu.memory_space<vmem>>) target(%dma_start3A_47 : memref<4096x640xf32, #tpu.memory_space<hbm>>) offsets(%arg7 : memref<32xi32, #tpu.memory_space<vmem>>) semaphore(%arg10 : memref<!tpu.dma_semaphore, #tpu.memory_space<semaphore_mem>>)
    %dma_wait3A_48 = arith.constant 0 : i32
    %dma_wait3A_49 = arith.constant 0 : i32
    %dma_wait3A_50 = tpu.memref_slice %arg5[%dma_wait3A_48, %dma_wait3A_49] : memref<4096x640xf32, #tpu.memory_space<hbm>> -> memref<4096x640xf32, #tpu.memory_space<hbm>>
    tpu.wait_indirect_dma semaphore(%arg10 : memref<!tpu.dma_semaphore, #tpu.memory_space<semaphore_mem>>) src(%arg8 : memref<32x640xf32, #tpu.memory_space<vmem>>) dst(%dma_wait3A_50 : memref<4096x640xf32, #tpu.memory_space<hbm>>)
    %dma_start3A_51 = arith.constant 0 : i32
    %dma_start3A_52 = arith.constant 0 : i32
    %dma_start3A_53 = tpu.memref_slice %arg6[%dma_start3A_51, %dma_start3A_52] : memref<4096x640xf32, #tpu.memory_space<hbm>> -> memref<4096x640xf32, #tpu.memory_space<hbm>>
    tpu.enqueue_indirect_dma source(%arg9 : memref<32x640xf32, #tpu.memory_space<vmem>>) target(%dma_start3A_53 : memref<4096x640xf32, #tpu.memory_space<hbm>>) offsets(%arg7 : memref<32xi32, #tpu.memory_space<vmem>>) semaphore(%arg11 : memref<!tpu.dma_semaphore, #tpu.memory_space<semaphore_mem>>)
    %dma_wait3A_54 = arith.constant 0 : i32
    %dma_wait3A_55 = arith.constant 0 : i32
    %dma_wait3A_56 = tpu.memref_slice %arg6[%dma_wait3A_54, %dma_wait3A_55] : memref<4096x640xf32, #tpu.memory_space<hbm>> -> memref<4096x640xf32, #tpu.memory_space<hbm>>
    tpu.wait_indirect_dma semaphore(%arg11 : memref<!tpu.dma_semaphore, #tpu.memory_space<semaphore_mem>>) src(%arg9 : memref<32x640xf32, #tpu.memory_space<vmem>>) dst(%dma_wait3A_56 : memref<4096x640xf32, #tpu.memory_space<hbm>>)
    return
  }
}

module attributes {stable_mosaic.version = 14 : i64} {
  func.func @_proj_body(%arg0: i32, %arg1: memref<256x512xbf16, #tpu.memory_space<vmem>>, %arg2: memref<512x512xbf16, #tpu.memory_space<vmem>>, %arg3: memref<512x512xbf16, #tpu.memory_space<vmem>>, %arg4: memref<8x512xf32, #tpu.memory_space<vmem>>, %arg5: memref<256x512xbf16, #tpu.memory_space<vmem>>, %arg6: memref<256x512xbf16, #tpu.memory_space<vmem>>, %arg7: memref<256x8xf32, #tpu.memory_space<vmem>>) attributes {dimension_semantics = [#tpu.dimension_semantics<arbitrary>], iteration_bounds = array<i64: 16>, scalar_prefetch = 0 : i64, scratch_operands = 0 : i64, tpu.core_type = #tpu.core_type<tc>, window_params = [{transform_indices = @transform_0, window_bounds = array<i64: 256, 512>}, {pipeline_mode = #tpu.pipeline_mode<synchronous>, transform_indices = @transform_1, window_bounds = array<i64: 512, 512>}, {pipeline_mode = #tpu.pipeline_mode<synchronous>, transform_indices = @transform_2, window_bounds = array<i64: 512, 512>}, {pipeline_mode = #tpu.pipeline_mode<synchronous>, transform_indices = @transform_3, window_bounds = array<i64: 8, 512>}, {transform_indices = @transform_4, window_bounds = array<i64: 256, 512>}, {transform_indices = @transform_5, window_bounds = array<i64: 256, 512>}, {transform_indices = @transform_6, window_bounds = array<i64: 256, 8>}]} {
    %get3A = arith.constant 0 : index
    %get3A_0 = arith.constant 0 : index
    %get3A_1 = vector.load %arg1[%get3A, %get3A_0] : memref<256x512xbf16, #tpu.memory_space<vmem>>, vector<256x512xbf16>
    %get3A_2 = arith.constant 0 : index
    %get3A_3 = arith.constant 0 : index
    %get3A_4 = vector.load %arg2[%get3A_2, %get3A_3] : memref<512x512xbf16, #tpu.memory_space<vmem>>, vector<512x512xbf16>
    %dot_general3A = arith.constant dense<0.000000e+00> : vector<256x512xf32>
    %dot_general3A_5 = tpu.matmul %get3A_1, %get3A_4, %dot_general3A {dimension_numbers = #tpu.dot_dimension_numbers<[1], [0], [0], [1], [0, 0, 1, 1], [], []>, transpose_lhs_hint = false} : vector<256x512xbf16>, vector<512x512xbf16>, vector<256x512xf32> -> vector<256x512xf32>
    %convert_element_type3A = arith.truncf %dot_general3A_5 : vector<256x512xf32> to vector<256x512xbf16>
    %get3A_6 = arith.constant 0 : index
    %get3A_7 = arith.constant 0 : index
    %get3A_8 = vector.load %arg3[%get3A_6, %get3A_7] : memref<512x512xbf16, #tpu.memory_space<vmem>>, vector<512x512xbf16>
    %dot_general3A_9 = arith.constant dense<0.000000e+00> : vector<256x512xf32>
    %dot_general3A_10 = tpu.matmul %convert_element_type3A, %get3A_8, %dot_general3A_9 {dimension_numbers = #tpu.dot_dimension_numbers<[1], [0], [0], [1], [0, 0, 1, 1], [], []>, transpose_lhs_hint = false} : vector<256x512xbf16>, vector<512x512xbf16>, vector<256x512xf32> -> vector<256x512xf32>
    %get3A_11 = arith.constant 0 : index
    %get3A_12 = arith.constant 0 : index
    %get3A_13 = vector.load %arg4[%get3A_11, %get3A_12] : memref<8x512xf32, #tpu.memory_space<vmem>>, vector<8x512xf32>
    %dot_general3A_14 = arith.constant dense<0.000000e+00> : vector<256x8xf32>
    %dot_general3A_15 = tpu.matmul %dot_general3A_10, %get3A_13, %dot_general3A_14 {dimension_numbers = #tpu.dot_dimension_numbers<[1], [1], [0], [0], [0, 0, 1, 0], [], []>, precision = #tpu.contract_precision<fp32>, transpose_lhs_hint = false} : vector<256x512xf32>, vector<8x512xf32>, vector<256x8xf32> -> vector<256x8xf32>
    %swap3A = arith.constant 0 : index
    %swap3A_16 = arith.constant 0 : index
    %swap3A_17 = vector.load %arg7[%swap3A, %swap3A_16] : memref<256x8xf32, #tpu.memory_space<vmem>>, vector<256x8xf32>
    tpu.vector_store %arg7[%swap3A, %swap3A_16], %dot_general3A_15 {strides = array<i32>} : memref<256x8xf32, #tpu.memory_space<vmem>>, vector<256x8xf32>,
    %convert_element_type3A_18 = arith.truncf %dot_general3A_5 : vector<256x512xf32> to vector<256x512xbf16>
    %swap3A_19 = arith.constant 0 : index
    %swap3A_20 = arith.constant 0 : index
    %swap3A_21 = vector.load %arg5[%swap3A_19, %swap3A_20] : memref<256x512xbf16, #tpu.memory_space<vmem>>, vector<256x512xbf16>
    tpu.vector_store %arg5[%swap3A_19, %swap3A_20], %convert_element_type3A_18 {strides = array<i32>} : memref<256x512xbf16, #tpu.memory_space<vmem>>, vector<256x512xbf16>,
    %convert_element_type3A_22 = arith.truncf %dot_general3A_10 : vector<256x512xf32> to vector<256x512xbf16>
    %swap3A_23 = arith.constant 0 : index
    %swap3A_24 = arith.constant 0 : index
    %swap3A_25 = vector.load %arg6[%swap3A_23, %swap3A_24] : memref<256x512xbf16, #tpu.memory_space<vmem>>, vector<256x512xbf16>
    tpu.vector_store %arg6[%swap3A_23, %swap3A_24], %convert_element_type3A_22 {strides = array<i32>} : memref<256x512xbf16, #tpu.memory_space<vmem>>, vector<256x512xbf16>,
    return
  }
  func.func @transform_0(%arg0: i32) -> (i32, i32) {
    %c0_i32 = arith.constant 0 : i32
    %c0_i32_0 = arith.constant 0 : i32
    return %arg0, %c0_i32 : i32, i32
  }
  func.func @transform_1(%arg0: i32) -> (i32, i32) {
    %c0_i32 = arith.constant 0 : i32
    %c0_i32_0 = arith.constant 0 : i32
    %c0_i32_1 = arith.constant 0 : i32
    return %c0_i32, %c0_i32_0 : i32, i32
  }
  func.func @transform_2(%arg0: i32) -> (i32, i32) {
    %c0_i32 = arith.constant 0 : i32
    %c0_i32_0 = arith.constant 0 : i32
    %c0_i32_1 = arith.constant 0 : i32
    return %c0_i32, %c0_i32_0 : i32, i32
  }
  func.func @transform_3(%arg0: i32) -> (i32, i32) {
    %c0_i32 = arith.constant 0 : i32
    %c0_i32_0 = arith.constant 0 : i32
    %c0_i32_1 = arith.constant 0 : i32
    return %c0_i32, %c0_i32_0 : i32, i32
  }
  func.func @transform_4(%arg0: i32) -> (i32, i32) {
    %c0_i32 = arith.constant 0 : i32
    %c0_i32_0 = arith.constant 0 : i32
    return %arg0, %c0_i32 : i32, i32
  }
  func.func @transform_5(%arg0: i32) -> (i32, i32) {
    %c0_i32 = arith.constant 0 : i32
    %c0_i32_0 = arith.constant 0 : i32
    return %arg0, %c0_i32 : i32, i32
  }
  func.func @transform_6(%arg0: i32) -> (i32, i32) {
    %c0_i32 = arith.constant 0 : i32
    %c0_i32_0 = arith.constant 0 : i32
    return %arg0, %c0_i32 : i32, i32
  }
}

module attributes {stable_mosaic.version = 14 : i64} {
  func.func @_rank_body(%arg0: i32, %arg1: memref<1x4096xf32, #tpu.memory_space<vmem>>, %arg2: memref<256x8xf32, #tpu.memory_space<vmem>>, %arg3: memref<256x8xi32, #tpu.memory_space<vmem>>) attributes {dimension_semantics = [#tpu.dimension_semantics<arbitrary>], iteration_bounds = array<i64: 16>, scalar_prefetch = 0 : i64, scratch_operands = 0 : i64, tpu.core_type = #tpu.core_type<tc>, window_params = [{pipeline_mode = #tpu.pipeline_mode<synchronous>, transform_indices = @transform_0, window_bounds = array<i64: 1, 4096>}, {transform_indices = @transform_1, window_bounds = array<i64: 256, 8>}, {transform_indices = @transform_2, window_bounds = array<i64: 256, 8>}]} {
    %get3A = arith.constant 0 : index
    %get3A_0 = arith.constant 0 : index
    %get3A_1 = vector.load %arg1[%get3A, %get3A_0] : memref<1x4096xf32, #tpu.memory_space<vmem>>, vector<1x4096xf32>
    %get3A_2 = arith.constant 0 : index
    %get3A_3 = arith.constant 0 : index
    %get3A_4 = vector.load %arg2[%get3A_2, %get3A_3] : memref<256x8xf32, #tpu.memory_space<vmem>>, vector<256x1xf32>
    %get3A_5 = arith.constant 0 : index
    %get3A_6 = arith.constant 1 : index
    %get3A_7 = vector.load %arg2[%get3A_5, %get3A_6] : memref<256x8xf32, #tpu.memory_space<vmem>>, vector<256x1xf32>
    %iota3A = tpu.iota {dimensions = array<i32: 0>} : vector<256x1xi32>
    %mul3A = arith.constant 256 : i32
    %mul3A_8 = arith.muli %arg0, %mul3A : i32
    %add3A = vector.broadcast %mul3A_8 : i32 to vector<256x1xi32>
    %add3A_9 = arith.addi %iota3A, %add3A : vector<256x1xi32>
    %iota3A_10 = tpu.iota {dimensions = array<i32: 1>} : vector<256x4096xi32>
    %lt3A = vector.broadcast %get3A_1 : vector<1x4096xf32> to vector<256x4096xf32>
    %lt3A_11 = vector.broadcast %get3A_7 : vector<256x1xf32> to vector<256x4096xf32>
    %lt3A_12 = arith.cmpf olt, %lt3A, %lt3A_11 : vector<256x4096xf32>
    %convert_element_type3A = arith.extui %lt3A_12 : vector<256x4096xi1> to vector<256x4096xi32>
    %eq3A = vector.broadcast %get3A_1 : vector<1x4096xf32> to vector<256x4096xf32>
    %eq3A_13 = vector.broadcast %get3A_7 : vector<256x1xf32> to vector<256x4096xf32>
    %eq3A_14 = arith.cmpf oeq, %eq3A, %eq3A_13 : vector<256x4096xf32>
    %lt3A_15 = vector.broadcast %add3A_9 : vector<256x1xi32> to vector<256x4096xi32>
    %lt3A_16 = arith.cmpi slt, %iota3A_10, %lt3A_15 : vector<256x4096xi32>
    %and3A = arith.andi %eq3A_14, %lt3A_16 : vector<256x4096xi1>
    %convert_element_type3A_17 = arith.extui %and3A : vector<256x4096xi1> to vector<256x4096xi32>
    %add3A_18 = arith.addi %convert_element_type3A, %convert_element_type3A_17 : vector<256x4096xi32>
    %reduce_sum3A = arith.constant dense<0> : vector<256xi32>
    %reduce_sum3A_19 = vector.multi_reduction <add>, %add3A_18, %reduce_sum3A [1] : vector<256x4096xi32> to vector<256xi32>
    %broadcast_in_dim3A = vector.shape_cast %reduce_sum3A_19 : vector<256xi32> to vector<256x1xi32>
    %neg3A = arith.constant 0.000000e+00 : f32
    %neg3A_20 = vector.broadcast %neg3A : f32 to vector<256x1xf32>
    %neg3A_21 = arith.subf %neg3A_20, %get3A_4 : vector<256x1xf32>
    %le3A = vector.broadcast %get3A_1 : vector<1x4096xf32> to vector<256x4096xf32>
    %le3A_22 = vector.broadcast %neg3A_21 : vector<256x1xf32> to vector<256x4096xf32>
    %le3A_23 = arith.cmpf ole, %le3A, %le3A_22 : vector<256x4096xf32>
    %convert_element_type3A_24 = arith.extui %le3A_23 : vector<256x4096xi1> to vector<256x4096xi32>
    %reduce_sum3A_25 = arith.constant dense<0> : vector<256xi32>
    %reduce_sum3A_26 = vector.multi_reduction <add>, %convert_element_type3A_24, %reduce_sum3A_25 [1] : vector<256x4096xi32> to vector<256xi32>
    %broadcast_in_dim3A_27 = vector.shape_cast %reduce_sum3A_26 : vector<256xi32> to vector<256x1xi32>
    %sub3A = arith.constant 1 : i32
    %sub3A_28 = vector.broadcast %sub3A : i32 to vector<256x1xi32>
    %sub3A_29 = arith.subi %broadcast_in_dim3A_27, %sub3A_28 : vector<256x1xi32>
    %jit3A = arith.constant 0 : i32
    %jit3A_30 = arith.constant 4095 : i32
    %max3A = vector.broadcast %jit3A : i32 to vector<256x1xi32>
    %max3A_31 = arith.maxsi %max3A, %sub3A_29 : vector<256x1xi32>
    %min3A = vector.broadcast %jit3A_30 : i32 to vector<256x1xi32>
    %min3A_32 = arith.minsi %min3A, %max3A_31 : vector<256x1xi32>
    %jit3A_33 = arith.constant 0 : i32
    %jit3A_34 = arith.constant 4095 : i32
    %max3A_35 = vector.broadcast %jit3A_33 : i32 to vector<256x1xi32>
    %max3A_36 = arith.maxsi %max3A_35, %broadcast_in_dim3A_27 : vector<256x1xi32>
    %min3A_37 = vector.broadcast %jit3A_34 : i32 to vector<256x1xi32>
    %min3A_38 = arith.minsi %min3A_37, %max3A_36 : vector<256x1xi32>
    %broadcast_in_dim3A_39 = arith.constant 0 : i32
    %broadcast_in_dim3A_40 = vector.broadcast %broadcast_in_dim3A_39 : i32 to vector<256x4xi32>
    %concatenate3A = tpu.concatenate %broadcast_in_dim3A, %broadcast_in_dim3A_27, %min3A_32, %min3A_38, %broadcast_in_dim3A_40 in 1 : vector<256x1xi32>, vector<256x1xi32>, vector<256x1xi32>, vector<256x1xi32>, vector<256x4xi32> -> vector<256x8xi32>
    %swap3A = arith.constant 0 : index
    %swap3A_41 = arith.constant 0 : index
    %swap3A_42 = vector.load %arg3[%swap3A, %swap3A_41] : memref<256x8xi32, #tpu.memory_space<vmem>>, vector<256x8xi32>
    tpu.vector_store %arg3[%swap3A, %swap3A_41], %concatenate3A {strides = array<i32>} : memref<256x8xi32, #tpu.memory_space<vmem>>, vector<256x8xi32>,
    return
  }
  func.func @transform_0(%arg0: i32) -> (i32, i32) {
    %c0_i32 = arith.constant 0 : i32
    %c0_i32_0 = arith.constant 0 : i32
    %c0_i32_1 = arith.constant 0 : i32
    return %c0_i32, %c0_i32_0 : i32, i32
  }
  func.func @transform_1(%arg0: i32) -> (i32, i32) {
    %c0_i32 = arith.constant 0 : i32
    %c0_i32_0 = arith.constant 0 : i32
    return %arg0, %c0_i32 : i32, i32
  }
  func.func @transform_2(%arg0: i32) -> (i32, i32) {
    %c0_i32 = arith.constant 0 : i32
    %c0_i32_0 = arith.constant 0 : i32
    return %arg0, %c0_i32 : i32, i32
  }
}

module attributes {stable_mosaic.version = 14 : i64} {
  func.func @_table_body(%arg0: i32, %arg1: memref<1x4096xf32, #tpu.memory_space<vmem>>, %arg2: memref<256x8xf32, #tpu.memory_space<vmem>>, %arg3: memref<256x512xbf16, #tpu.memory_space<vmem>>, %arg4: memref<256x640xf32, #tpu.memory_space<vmem>>, %arg5: memref<256x640xf32, #tpu.memory_space<vmem>>) attributes {dimension_semantics = [#tpu.dimension_semantics<arbitrary>], iteration_bounds = array<i64: 16>, scalar_prefetch = 0 : i64, scratch_operands = 0 : i64, tpu.core_type = #tpu.core_type<tc>, window_params = [{pipeline_mode = #tpu.pipeline_mode<synchronous>, transform_indices = @transform_0, window_bounds = array<i64: 1, 4096>}, {transform_indices = @transform_1, window_bounds = array<i64: 256, 8>}, {transform_indices = @transform_2, window_bounds = array<i64: 256, 512>}, {transform_indices = @transform_3, window_bounds = array<i64: 256, 640>}, {transform_indices = @transform_4, window_bounds = array<i64: 256, 640>}]} {
    %get3A = arith.constant 0 : index
    %get3A_0 = arith.constant 0 : index
    %get3A_1 = vector.load %arg1[%get3A, %get3A_0] : memref<1x4096xf32, #tpu.memory_space<vmem>>, vector<1x4096xf32>
    %reduce_max3A = vector.shape_cast %get3A_1 : vector<1x4096xf32> to vector<1x1x4096xf32>
    %reduce_max3A_2 = arith.constant dense<0xFF800000> : vector<1xf32>
    %reduce_max3A_3 = vector.multi_reduction <maximumf>, %reduce_max3A, %reduce_max3A_2 [1, 2] : vector<1x1x4096xf32> to vector<1xf32>
    %reduce_max3A_4 = vector.shape_cast %reduce_max3A_3 : vector<1xf32> to vector<1x1x1xf32>
    %reduce_max3A_5 = vector.extract %reduce_max3A_4[0, 0, 0] : f32 from vector<1x1x1xf32>
    %get3A_6 = arith.constant 0 : index
    %get3A_7 = arith.constant 1 : index
    %get3A_8 = vector.load %arg2[%get3A_6, %get3A_7] : memref<256x8xf32, #tpu.memory_space<vmem>>, vector<256x1xf32>
    %sub3A = vector.broadcast %reduce_max3A_5 : f32 to vector<256x1xf32>
    %sub3A_9 = arith.subf %get3A_8, %sub3A : vector<256x1xf32>
    %exp3A = math.exp %sub3A_9 : vector<256x1xf32>
    %sub3A_10 = vector.broadcast %reduce_max3A_5 : f32 to vector<256x1xf32>
    %sub3A_11 = arith.subf %get3A_8, %sub3A_10 : vector<256x1xf32>
    %mul3A = arith.constant 2.000000e-01 : f32
    %mul3A_12 = vector.broadcast %mul3A : f32 to vector<256x1xf32>
    %mul3A_13 = arith.mulf %mul3A_12, %sub3A_11 : vector<256x1xf32>
    %exp3A_14 = math.exp %mul3A_13 : vector<256x1xf32>
    %get3A_15 = arith.constant 0 : index
    %get3A_16 = arith.constant 0 : index
    %get3A_17 = vector.load %arg3[%get3A_15, %get3A_16] : memref<256x512xbf16, #tpu.memory_space<vmem>>, vector<256x512xbf16>
    %convert_element_type3A = arith.extf %get3A_17 : vector<256x512xbf16> to vector<256x512xf32>
    %broadcast_in_dim3A = arith.constant 0.000000e+00 : f32
    %broadcast_in_dim3A_18 = vector.broadcast %broadcast_in_dim3A : f32 to vector<256x127xf32>
    %mul3A_19 = vector.broadcast %exp3A : vector<256x1xf32> to vector<256x512xf32>
    %mul3A_20 = arith.mulf %mul3A_19, %convert_element_type3A : vector<256x512xf32>
    %concatenate3A = tpu.concatenate %mul3A_20, %exp3A, %broadcast_in_dim3A_18 in 1 : vector<256x512xf32>, vector<256x1xf32>, vector<256x127xf32> -> vector<256x640xf32>
    %swap3A = arith.constant 0 : index
    %swap3A_21 = arith.constant 0 : index
    %swap3A_22 = vector.load %arg4[%swap3A, %swap3A_21] : memref<256x640xf32, #tpu.memory_space<vmem>>, vector<256x640xf32>
    tpu.vector_store %arg4[%swap3A, %swap3A_21], %concatenate3A {strides = array<i32>} : memref<256x640xf32, #tpu.memory_space<vmem>>, vector<256x640xf32>,
    %mul3A_23 = vector.broadcast %exp3A_14 : vector<256x1xf32> to vector<256x512xf32>
    %mul3A_24 = arith.mulf %mul3A_23, %convert_element_type3A : vector<256x512xf32>
    %concatenate3A_25 = tpu.concatenate %mul3A_24, %exp3A_14, %broadcast_in_dim3A_18 in 1 : vector<256x512xf32>, vector<256x1xf32>, vector<256x127xf32> -> vector<256x640xf32>
    %swap3A_26 = arith.constant 0 : index
    %swap3A_27 = arith.constant 0 : index
    %swap3A_28 = vector.load %arg5[%swap3A_26, %swap3A_27] : memref<256x640xf32, #tpu.memory_space<vmem>>, vector<256x640xf32>
    tpu.vector_store %arg5[%swap3A_26, %swap3A_27], %concatenate3A_25 {strides = array<i32>} : memref<256x640xf32, #tpu.memory_space<vmem>>, vector<256x640xf32>,
    return
  }
  func.func @transform_0(%arg0: i32) -> (i32, i32) {
    %c0_i32 = arith.constant 0 : i32
    %c0_i32_0 = arith.constant 0 : i32
    %c0_i32_1 = arith.constant 0 : i32
    return %c0_i32, %c0_i32_0 : i32, i32
  }
  func.func @transform_1(%arg0: i32) -> (i32, i32) {
    %c0_i32 = arith.constant 0 : i32
    %c0_i32_0 = arith.constant 0 : i32
    return %arg0, %c0_i32 : i32, i32
  }
  func.func @transform_2(%arg0: i32) -> (i32, i32) {
    %c0_i32 = arith.constant 0 : i32
    %c0_i32_0 = arith.constant 0 : i32
    return %arg0, %c0_i32 : i32, i32
  }
  func.func @transform_3(%arg0: i32) -> (i32, i32) {
    %c0_i32 = arith.constant 0 : i32
    %c0_i32_0 = arith.constant 0 : i32
    return %arg0, %c0_i32 : i32, i32
  }
  func.func @transform_4(%arg0: i32) -> (i32, i32) {
    %c0_i32 = arith.constant 0 : i32
    %c0_i32_0 = arith.constant 0 : i32
    return %arg0, %c0_i32 : i32, i32
  }
}

module attributes {stable_mosaic.version = 14 : i64} {
  func.func @_cumsum_body(%arg0: i32, %arg1: memref<256x640xf32, #tpu.memory_space<vmem>>, %arg2: memref<256x640xf32, #tpu.memory_space<vmem>>, %arg3: memref<256x640xf32, #tpu.memory_space<vmem>>, %arg4: memref<256x640xf32, #tpu.memory_space<vmem>>, %arg5: memref<1x640xf32, #tpu.memory_space<vmem>>, %arg6: memref<1x640xf32, #tpu.memory_space<vmem>>) attributes {dimension_semantics = [#tpu.dimension_semantics<arbitrary>], iteration_bounds = array<i64: 16>, scalar_prefetch = 0 : i64, scratch_operands = 2 : i64, tpu.core_type = #tpu.core_type<tc>, window_params = [{transform_indices = @transform_0, window_bounds = array<i64: 256, 640>}, {transform_indices = @transform_1, window_bounds = array<i64: 256, 640>}, {transform_indices = @transform_2, window_bounds = array<i64: 256, 640>}, {transform_indices = @transform_3, window_bounds = array<i64: 256, 640>}]} {
    %eq3A = arith.constant 0 : i32
    %eq3A_0 = arith.cmpi eq, %arg0, %eq3A : i32
    %convert_element_type3A = arith.extui %eq3A_0 : i1 to i32
    %cond3A = arith.constant 0 : i32
    %cond3A_1 = arith.cmpi ne, %convert_element_type3A, %cond3A : i32
    scf.if %cond3A_1 {
      %broadcast_in_dim3A = arith.constant 0.000000e+00 : f32
      %broadcast_in_dim3A_36 = vector.broadcast %broadcast_in_dim3A : f32 to vector<1x640xf32>
      %swap3A_37 = arith.constant 0 : index
      %swap3A_38 = arith.constant 0 : index
      %swap3A_39 = vector.load %arg5[%swap3A_37, %swap3A_38] : memref<1x640xf32, #tpu.memory_space<vmem>>, vector<1x640xf32>
      tpu.vector_store %arg5[%swap3A_37, %swap3A_38], %broadcast_in_dim3A_36 {strides = array<i32>} : memref<1x640xf32, #tpu.memory_space<vmem>>, vector<1x640xf32>,
      %broadcast_in_dim3A_40 = arith.constant 0.000000e+00 : f32
      %broadcast_in_dim3A_41 = vector.broadcast %broadcast_in_dim3A_40 : f32 to vector<1x640xf32>
      %swap3A_42 = arith.constant 0 : index
      %swap3A_43 = arith.constant 0 : index
      %swap3A_44 = vector.load %arg6[%swap3A_42, %swap3A_43] : memref<1x640xf32, #tpu.memory_space<vmem>>, vector<1x640xf32>
      tpu.vector_store %arg6[%swap3A_42, %swap3A_43], %broadcast_in_dim3A_41 {strides = array<i32>} : memref<1x640xf32, #tpu.memory_space<vmem>>, vector<1x640xf32>,
    } else {
    }
    %iota3A = tpu.iota {dimensions = array<i32: 0>} : vector<256x256xi32>
    %iota3A_2 = tpu.iota {dimensions = array<i32: 1>} : vector<256x256xi32>
    %ge3A = arith.cmpi sge, %iota3A, %iota3A_2 : vector<256x256xi32>
    %convert_element_type3A_3 = arith.extui %ge3A : vector<256x256xi1> to vector<256x256xi32>
    %convert_element_type3A_4 = arith.sitofp %convert_element_type3A_3 : vector<256x256xi32> to vector<256x256xf32>
    %le3A = arith.cmpi sle, %iota3A, %iota3A_2 : vector<256x256xi32>
    %convert_element_type3A_5 = arith.extui %le3A : vector<256x256xi1> to vector<256x256xi32>
    %convert_element_type3A_6 = arith.sitofp %convert_element_type3A_5 : vector<256x256xi32> to vector<256x256xf32>
    %get3A = arith.constant 0 : index
    %get3A_7 = arith.constant 0 : index
    %get3A_8 = vector.load %arg2[%get3A, %get3A_7] : memref<256x640xf32, #tpu.memory_space<vmem>>, vector<256x640xf32>
    %dot_general3A = arith.constant dense<0.000000e+00> : vector<256x640xf32>
    %dot_general3A_9 = tpu.matmul %convert_element_type3A_4, %get3A_8, %dot_general3A {dimension_numbers = #tpu.dot_dimension_numbers<[1], [0], [0], [1], [0, 0, 1, 1], [], []>, precision = #tpu.contract_precision<fp32>, transpose_lhs_hint = false} : vector<256x256xf32>, vector<256x640xf32>, vector<256x640xf32> -> vector<256x640xf32>
    %get3A_10 = arith.constant 0 : index
    %get3A_11 = arith.constant 0 : index
    %get3A_12 = vector.load %arg6[%get3A_10, %get3A_11] : memref<1x640xf32, #tpu.memory_space<vmem>>, vector<1x640xf32>
    %add3A = vector.broadcast %get3A_12 : vector<1x640xf32> to vector<256x640xf32>
    %add3A_13 = arith.addf %dot_general3A_9, %add3A : vector<256x640xf32>
    %get3A_14 = arith.constant 0 : index
    %get3A_15 = arith.constant 0 : index
    %get3A_16 = vector.load %arg1[%get3A_14, %get3A_15] : memref<256x640xf32, #tpu.memory_space<vmem>>, vector<256x640xf32>
    %dot_general3A_17 = arith.constant dense<0.000000e+00> : vector<256x640xf32>
    %dot_general3A_18 = tpu.matmul %convert_element_type3A_6, %get3A_16, %dot_general3A_17 {dimension_numbers = #tpu.dot_dimension_numbers<[1], [0], [0], [1], [0, 0, 1, 1], [], []>, precision = #tpu.contract_precision<fp32>, transpose_lhs_hint = false} : vector<256x256xf32>, vector<256x640xf32>, vector<256x640xf32> -> vector<256x640xf32>
    %get3A_19 = arith.constant 0 : index
    %get3A_20 = arith.constant 0 : index
    %get3A_21 = vector.load %arg5[%get3A_19, %get3A_20] : memref<1x640xf32, #tpu.memory_space<vmem>>, vector<1x640xf32>
    %add3A_22 = vector.broadcast %get3A_21 : vector<1x640xf32> to vector<256x640xf32>
    %add3A_23 = arith.addf %dot_general3A_18, %add3A_22 : vector<256x640xf32>
    %swap3A = arith.constant 0 : index
    %swap3A_24 = arith.constant 0 : index
    %swap3A_25 = vector.load %arg4[%swap3A, %swap3A_24] : memref<256x640xf32, #tpu.memory_space<vmem>>, vector<256x640xf32>
    tpu.vector_store %arg4[%swap3A, %swap3A_24], %add3A_13 {strides = array<i32>} : memref<256x640xf32, #tpu.memory_space<vmem>>, vector<256x640xf32>,
    %swap3A_26 = arith.constant 0 : index
    %swap3A_27 = arith.constant 0 : index
    %swap3A_28 = vector.load %arg3[%swap3A_26, %swap3A_27] : memref<256x640xf32, #tpu.memory_space<vmem>>, vector<256x640xf32>
    tpu.vector_store %arg3[%swap3A_26, %swap3A_27], %add3A_23 {strides = array<i32>} : memref<256x640xf32, #tpu.memory_space<vmem>>, vector<256x640xf32>,
    %slice3A = vector.extract_strided_slice %add3A_13 {offsets = [255, 0], sizes = [1, 640], strides = [1, 1]} : vector<256x640xf32> to vector<1x640xf32>
    %swap3A_29 = arith.constant 0 : index
    %swap3A_30 = arith.constant 0 : index
    %swap3A_31 = vector.load %arg6[%swap3A_29, %swap3A_30] : memref<1x640xf32, #tpu.memory_space<vmem>>, vector<1x640xf32>
    tpu.vector_store %arg6[%swap3A_29, %swap3A_30], %slice3A {strides = array<i32>} : memref<1x640xf32, #tpu.memory_space<vmem>>, vector<1x640xf32>,
    %slice3A_32 = vector.extract_strided_slice %add3A_23 {offsets = [0, 0], sizes = [1, 640], strides = [1, 1]} : vector<256x640xf32> to vector<1x640xf32>
    %swap3A_33 = arith.constant 0 : index
    %swap3A_34 = arith.constant 0 : index
    %swap3A_35 = vector.load %arg5[%swap3A_33, %swap3A_34] : memref<1x640xf32, #tpu.memory_space<vmem>>, vector<1x640xf32>
    tpu.vector_store %arg5[%swap3A_33, %swap3A_34], %slice3A_32 {strides = array<i32>} : memref<1x640xf32, #tpu.memory_space<vmem>>, vector<1x640xf32>,
    return
  }
  func.func @transform_0(%arg0: i32) -> (i32, i32) {
    %sub3A = arith.constant 15 : i32
    %sub3A_0 = arith.subi %sub3A, %arg0 : i32
    %c0_i32 = arith.constant 0 : i32
    %c0_i32_1 = arith.constant 0 : i32
    return %sub3A_0, %c0_i32 : i32, i32
  }
  func.func @transform_1(%arg0: i32) -> (i32, i32) {
    %c0_i32 = arith.constant 0 : i32
    %c0_i32_0 = arith.constant 0 : i32
    return %arg0, %c0_i32 : i32, i32
  }
  func.func @transform_2(%arg0: i32) -> (i32, i32) {
    %sub3A = arith.constant 15 : i32
    %sub3A_0 = arith.subi %sub3A, %arg0 : i32
    %c0_i32 = arith.constant 0 : i32
    %c0_i32_1 = arith.constant 0 : i32
    return %sub3A_0, %c0_i32 : i32, i32
  }
  func.func @transform_3(%arg0: i32) -> (i32, i32) {
    %c0_i32 = arith.constant 0 : i32
    %c0_i32_0 = arith.constant 0 : i32
    return %arg0, %c0_i32 : i32, i32
  }
}

module attributes {stable_mosaic.version = 14 : i64} {
  func.func @_combine_body(%arg0: i32, %arg1: memref<1x4096xf32, #tpu.memory_space<vmem>>, %arg2: memref<256x8xf32, #tpu.memory_space<vmem>>, %arg3: memref<256x8xi32, #tpu.memory_space<vmem>>, %arg4: memref<256x640xf32, #tpu.memory_space<vmem>>, %arg5: memref<256x640xf32, #tpu.memory_space<vmem>>, %arg6: memref<256x512xbf16, #tpu.memory_space<vmem>>, %arg7: memref<512x512xbf16, #tpu.memory_space<vmem>>, %arg8: memref<256x512xbf16, #tpu.memory_space<vmem>>) attributes {dimension_semantics = [#tpu.dimension_semantics<arbitrary>], iteration_bounds = array<i64: 16>, scalar_prefetch = 0 : i64, scratch_operands = 0 : i64, tpu.core_type = #tpu.core_type<tc>, window_params = [{pipeline_mode = #tpu.pipeline_mode<synchronous>, transform_indices = @transform_0, window_bounds = array<i64: 1, 4096>}, {transform_indices = @transform_1, window_bounds = array<i64: 256, 8>}, {transform_indices = @transform_2, window_bounds = array<i64: 256, 8>}, {transform_indices = @transform_3, window_bounds = array<i64: 256, 640>}, {transform_indices = @transform_4, window_bounds = array<i64: 256, 640>}, {transform_indices = @transform_5, window_bounds = array<i64: 256, 512>}, {pipeline_mode = #tpu.pipeline_mode<synchronous>, transform_indices = @transform_6, window_bounds = array<i64: 512, 512>}, {transform_indices = @transform_7, window_bounds = array<i64: 256, 512>}]} {
    %get3A = arith.constant 0 : index
    %get3A_0 = arith.constant 0 : index
    %get3A_1 = vector.load %arg1[%get3A, %get3A_0] : memref<1x4096xf32, #tpu.memory_space<vmem>>, vector<1x4096xf32>
    %reduce_max3A = vector.shape_cast %get3A_1 : vector<1x4096xf32> to vector<1x1x4096xf32>
    %reduce_max3A_2 = arith.constant dense<0xFF800000> : vector<1xf32>
    %reduce_max3A_3 = vector.multi_reduction <maximumf>, %reduce_max3A, %reduce_max3A_2 [1, 2] : vector<1x1x4096xf32> to vector<1xf32>
    %reduce_max3A_4 = vector.shape_cast %reduce_max3A_3 : vector<1xf32> to vector<1x1x1xf32>
    %reduce_max3A_5 = vector.extract %reduce_max3A_4[0, 0, 0] : f32 from vector<1x1x1xf32>
    %get3A_6 = arith.constant 0 : index
    %get3A_7 = arith.constant 0 : index
    %get3A_8 = vector.load %arg2[%get3A_6, %get3A_7] : memref<256x8xf32, #tpu.memory_space<vmem>>, vector<256x1xf32>
    %get3A_9 = arith.constant 0 : index
    %get3A_10 = arith.constant 1 : index
    %get3A_11 = vector.load %arg3[%get3A_9, %get3A_10] : memref<256x8xi32, #tpu.memory_space<vmem>>, vector<256x1xi32>
    %add3A = vector.broadcast %reduce_max3A_5 : f32 to vector<256x1xf32>
    %add3A_12 = arith.addf %get3A_8, %add3A : vector<256x1xf32>
    %ge3A = arith.constant 0.000000e+00 : f32
    %ge3A_13 = vector.broadcast %ge3A : f32 to vector<256x1xf32>
    %ge3A_14 = arith.cmpf oge, %add3A_12, %ge3A_13 : vector<256x1xf32>
    %mul3A = arith.constant 2.000000e-01 : f32
    %mul3A_15 = vector.broadcast %mul3A : f32 to vector<256x1xf32>
    %mul3A_16 = arith.mulf %mul3A_15, %add3A_12 : vector<256x1xf32>
    %select_n3A = arith.select %ge3A_14, %add3A_12, %mul3A_16 : vector<256x1xi1>, vector<256x1xf32>
    %sub3A = arith.subf %add3A_12, %select_n3A : vector<256x1xf32>
    %exp3A = math.exp %sub3A : vector<256x1xf32>
    %mul3A_17 = arith.constant 2.000000e-01 : f32
    %mul3A_18 = vector.broadcast %mul3A_17 : f32 to vector<256x1xf32>
    %mul3A_19 = arith.mulf %mul3A_18, %add3A_12 : vector<256x1xf32>
    %sub3A_20 = arith.subf %mul3A_19, %select_n3A : vector<256x1xf32>
    %exp3A_21 = math.exp %sub3A_20 : vector<256x1xf32>
    %gt3A = arith.constant 0 : i32
    %gt3A_22 = vector.broadcast %gt3A : i32 to vector<256x1xi32>
    %gt3A_23 = arith.cmpi sgt, %get3A_11, %gt3A_22 : vector<256x1xi32>
    %convert_element_type3A = arith.extui %gt3A_23 : vector<256x1xi1> to vector<256x1xi32>
    %convert_element_type3A_24 = arith.sitofp %convert_element_type3A : vector<256x1xi32> to vector<256x1xf32>
    %lt3A = arith.constant 4096 : i32
    %lt3A_25 = vector.broadcast %lt3A : i32 to vector<256x1xi32>
    %lt3A_26 = arith.cmpi slt, %get3A_11, %lt3A_25 : vector<256x1xi32>
    %convert_element_type3A_27 = arith.extui %lt3A_26 : vector<256x1xi1> to vector<256x1xi32>
    %convert_element_type3A_28 = arith.sitofp %convert_element_type3A_27 : vector<256x1xi32> to vector<256x1xf32>
    %get3A_29 = arith.constant 0 : index
    %get3A_30 = arith.constant 0 : index
    %get3A_31 = vector.load %arg4[%get3A_29, %get3A_30] : memref<256x640xf32, #tpu.memory_space<vmem>>, vector<256x512xf32>
    %mul3A_32 = vector.broadcast %convert_element_type3A_24 : vector<256x1xf32> to vector<256x512xf32>
    %mul3A_33 = arith.mulf %get3A_31, %mul3A_32 : vector<256x512xf32>
    %get3A_34 = arith.constant 0 : index
    %get3A_35 = arith.constant 512 : index
    %get3A_36 = vector.load %arg4[%get3A_34, %get3A_35] : memref<256x640xf32, #tpu.memory_space<vmem>>, vector<256x1xf32>
    %mul3A_37 = arith.mulf %get3A_36, %convert_element_type3A_24 : vector<256x1xf32>
    %get3A_38 = arith.constant 0 : index
    %get3A_39 = arith.constant 0 : index
    %get3A_40 = vector.load %arg5[%get3A_38, %get3A_39] : memref<256x640xf32, #tpu.memory_space<vmem>>, vector<256x512xf32>
    %mul3A_41 = vector.broadcast %convert_element_type3A_28 : vector<256x1xf32> to vector<256x512xf32>
    %mul3A_42 = arith.mulf %get3A_40, %mul3A_41 : vector<256x512xf32>
    %get3A_43 = arith.constant 0 : index
    %get3A_44 = arith.constant 512 : index
    %get3A_45 = vector.load %arg5[%get3A_43, %get3A_44] : memref<256x640xf32, #tpu.memory_space<vmem>>, vector<256x1xf32>
    %mul3A_46 = arith.mulf %get3A_45, %convert_element_type3A_28 : vector<256x1xf32>
    %mul3A_47 = vector.broadcast %exp3A : vector<256x1xf32> to vector<256x512xf32>
    %mul3A_48 = arith.mulf %mul3A_47, %mul3A_42 : vector<256x512xf32>
    %mul3A_49 = vector.broadcast %exp3A_21 : vector<256x1xf32> to vector<256x512xf32>
    %mul3A_50 = arith.mulf %mul3A_49, %mul3A_33 : vector<256x512xf32>
    %add3A_51 = arith.addf %mul3A_48, %mul3A_50 : vector<256x512xf32>
    %mul3A_52 = arith.mulf %exp3A, %mul3A_46 : vector<256x1xf32>
    %mul3A_53 = arith.mulf %exp3A_21, %mul3A_37 : vector<256x1xf32>
    %add3A_54 = arith.addf %mul3A_52, %mul3A_53 : vector<256x1xf32>
    %div3A = vector.broadcast %add3A_54 : vector<256x1xf32> to vector<256x512xf32>
    %div3A_55 = arith.divf %add3A_51, %div3A : vector<256x512xf32>
    %get3A_56 = arith.constant 0 : index
    %get3A_57 = arith.constant 0 : index
    %get3A_58 = vector.load %arg6[%get3A_56, %get3A_57] : memref<256x512xbf16, #tpu.memory_space<vmem>>, vector<256x512xbf16>
    %convert_element_type3A_59 = arith.extf %get3A_58 : vector<256x512xbf16> to vector<256x512xf32>
    %mul3A_60 = arith.mulf %convert_element_type3A_59, %div3A_55 : vector<256x512xf32>
    %convert_element_type3A_61 = arith.truncf %mul3A_60 : vector<256x512xf32> to vector<256x512xbf16>
    %get3A_62 = arith.constant 0 : index
    %get3A_63 = arith.constant 0 : index
    %get3A_64 = vector.load %arg7[%get3A_62, %get3A_63] : memref<512x512xbf16, #tpu.memory_space<vmem>>, vector<512x512xbf16>
    %dot_general3A = arith.constant dense<0.000000e+00> : vector<256x512xf32>
    %dot_general3A_65 = tpu.matmul %convert_element_type3A_61, %get3A_64, %dot_general3A {dimension_numbers = #tpu.dot_dimension_numbers<[1], [0], [0], [1], [0, 0, 1, 1], [], []>, transpose_lhs_hint = false} : vector<256x512xbf16>, vector<512x512xbf16>, vector<256x512xf32> -> vector<256x512xf32>
    %convert_element_type3A_66 = arith.truncf %dot_general3A_65 : vector<256x512xf32> to vector<256x512xbf16>
    %swap3A = arith.constant 0 : index
    %swap3A_67 = arith.constant 0 : index
    %swap3A_68 = vector.load %arg8[%swap3A, %swap3A_67] : memref<256x512xbf16, #tpu.memory_space<vmem>>, vector<256x512xbf16>
    tpu.vector_store %arg8[%swap3A, %swap3A_67], %convert_element_type3A_66 {strides = array<i32>} : memref<256x512xbf16, #tpu.memory_space<vmem>>, vector<256x512xbf16>,
    return
  }
  func.func @transform_0(%arg0: i32) -> (i32, i32) {
    %c0_i32 = arith.constant 0 : i32
    %c0_i32_0 = arith.constant 0 : i32
    %c0_i32_1 = arith.constant 0 : i32
    return %c0_i32, %c0_i32_0 : i32, i32
  }
  func.func @transform_1(%arg0: i32) -> (i32, i32) {
    %c0_i32 = arith.constant 0 : i32
    %c0_i32_0 = arith.constant 0 : i32
    return %arg0, %c0_i32 : i32, i32
  }
  func.func @transform_2(%arg0: i32) -> (i32, i32) {
    %c0_i32 = arith.constant 0 : i32
    %c0_i32_0 = arith.constant 0 : i32
    return %arg0, %c0_i32 : i32, i32
  }
  func.func @transform_3(%arg0: i32) -> (i32, i32) {
    %c0_i32 = arith.constant 0 : i32
    %c0_i32_0 = arith.constant 0 : i32
    return %arg0, %c0_i32 : i32, i32
  }
  func.func @transform_4(%arg0: i32) -> (i32, i32) {
    %c0_i32 = arith.constant 0 : i32
    %c0_i32_0 = arith.constant 0 : i32
    return %arg0, %c0_i32 : i32, i32
  }
  func.func @transform_5(%arg0: i32) -> (i32, i32) {
    %c0_i32 = arith.constant 0 : i32
    %c0_i32_0 = arith.constant 0 : i32
    return %arg0, %c0_i32 : i32, i32
  }
  func.func @transform_6(%arg0: i32) -> (i32, i32) {
    %c0_i32 = arith.constant 0 : i32
    %c0_i32_0 = arith.constant 0 : i32
    %c0_i32_1 = arith.constant 0 : i32
    return %c0_i32, %c0_i32_0 : i32, i32
  }
  func.func @transform_7(%arg0: i32) -> (i32, i32) {
    %c0_i32 = arith.constant 0 : i32
    %c0_i32_0 = arith.constant 0 : i32
    return %arg0, %c0_i32 : i32, i32
  }
}

module attributes {stable_mosaic.version = 14 : i64} {
  func.func @_gcn1_body(%arg0: i32, %arg1: memref<256x4096xbf16, #tpu.memory_space<vmem>>, %arg2: memref<4096x512xbf16, #tpu.memory_space<vmem>>, %arg3: memref<1x512xf32, #tpu.memory_space<vmem>>, %arg4: memref<512x512xbf16, #tpu.memory_space<vmem>>, %arg5: memref<256x512xbf16, #tpu.memory_space<vmem>>) attributes {dimension_semantics = [#tpu.dimension_semantics<arbitrary>], iteration_bounds = array<i64: 16>, scalar_prefetch = 0 : i64, scratch_operands = 0 : i64, tpu.core_type = #tpu.core_type<tc>, window_params = [{transform_indices = @transform_0, window_bounds = array<i64: 256, 4096>}, {pipeline_mode = #tpu.pipeline_mode<synchronous>, transform_indices = @transform_1, window_bounds = array<i64: 4096, 512>}, {pipeline_mode = #tpu.pipeline_mode<synchronous>, transform_indices = @transform_2, window_bounds = array<i64: 1, 512>}, {pipeline_mode = #tpu.pipeline_mode<synchronous>, transform_indices = @transform_3, window_bounds = array<i64: 512, 512>}, {transform_indices = @transform_4, window_bounds = array<i64: 256, 512>}]} {
    %get3A = arith.constant 0 : index
    %get3A_0 = arith.constant 0 : index
    %get3A_1 = vector.load %arg1[%get3A, %get3A_0] : memref<256x4096xbf16, #tpu.memory_space<vmem>>, vector<256x4096xbf16>
    %get3A_2 = arith.constant 0 : index
    %get3A_3 = arith.constant 0 : index
    %get3A_4 = vector.load %arg2[%get3A_2, %get3A_3] : memref<4096x512xbf16, #tpu.memory_space<vmem>>, vector<4096x512xbf16>
    %dot_general3A = arith.constant dense<0.000000e+00> : vector<256x512xf32>
    %dot_general3A_5 = tpu.matmul %get3A_1, %get3A_4, %dot_general3A {dimension_numbers = #tpu.dot_dimension_numbers<[1], [0], [0], [1], [0, 0, 1, 1], [], []>, transpose_lhs_hint = false} : vector<256x4096xbf16>, vector<4096x512xbf16>, vector<256x512xf32> -> vector<256x512xf32>
    %get3A_6 = arith.constant 0 : index
    %get3A_7 = arith.constant 0 : index
    %get3A_8 = vector.load %arg3[%get3A_6, %get3A_7] : memref<1x512xf32, #tpu.memory_space<vmem>>, vector<1x512xf32>
    %add3A = vector.broadcast %get3A_8 : vector<1x512xf32> to vector<256x512xf32>
    %add3A_9 = arith.addf %dot_general3A_5, %add3A : vector<256x512xf32>
    %max3A = arith.constant 0.000000e+00 : f32
    %max3A_10 = vector.broadcast %max3A : f32 to vector<256x512xf32>
    %max3A_11 = arith.maximumf %add3A_9, %max3A_10 : vector<256x512xf32>
    %convert_element_type3A = arith.truncf %max3A_11 : vector<256x512xf32> to vector<256x512xbf16>
    %get3A_12 = arith.constant 0 : index
    %get3A_13 = arith.constant 0 : index
    %get3A_14 = vector.load %arg4[%get3A_12, %get3A_13] : memref<512x512xbf16, #tpu.memory_space<vmem>>, vector<512x512xbf16>
    %dot_general3A_15 = arith.constant dense<0.000000e+00> : vector<256x512xf32>
    %dot_general3A_16 = tpu.matmul %convert_element_type3A, %get3A_14, %dot_general3A_15 {dimension_numbers = #tpu.dot_dimension_numbers<[1], [0], [0], [1], [0, 0, 1, 1], [], []>, transpose_lhs_hint = false} : vector<256x512xbf16>, vector<512x512xbf16>, vector<256x512xf32> -> vector<256x512xf32>
    %convert_element_type3A_17 = arith.truncf %dot_general3A_16 : vector<256x512xf32> to vector<256x512xbf16>
    %swap3A = arith.constant 0 : index
    %swap3A_18 = arith.constant 0 : index
    %swap3A_19 = vector.load %arg5[%swap3A, %swap3A_18] : memref<256x512xbf16, #tpu.memory_space<vmem>>, vector<256x512xbf16>
    tpu.vector_store %arg5[%swap3A, %swap3A_18], %convert_element_type3A_17 {strides = array<i32>} : memref<256x512xbf16, #tpu.memory_space<vmem>>, vector<256x512xbf16>,
    return
  }
  func.func @transform_0(%arg0: i32) -> (i32, i32) {
    %c0_i32 = arith.constant 0 : i32
    %c0_i32_0 = arith.constant 0 : i32
    return %arg0, %c0_i32 : i32, i32
  }
  func.func @transform_1(%arg0: i32) -> (i32, i32) {
    %c0_i32 = arith.constant 0 : i32
    %c0_i32_0 = arith.constant 0 : i32
    %c0_i32_1 = arith.constant 0 : i32
    return %c0_i32, %c0_i32_0 : i32, i32
  }
  func.func @transform_2(%arg0: i32) -> (i32, i32) {
    %c0_i32 = arith.constant 0 : i32
    %c0_i32_0 = arith.constant 0 : i32
    %c0_i32_1 = arith.constant 0 : i32
    return %c0_i32, %c0_i32_0 : i32, i32
  }
  func.func @transform_3(%arg0: i32) -> (i32, i32) {
    %c0_i32 = arith.constant 0 : i32
    %c0_i32_0 = arith.constant 0 : i32
    %c0_i32_1 = arith.constant 0 : i32
    return %c0_i32, %c0_i32_0 : i32, i32
  }
  func.func @transform_4(%arg0: i32) -> (i32, i32) {
    %c0_i32 = arith.constant 0 : i32
    %c0_i32_0 = arith.constant 0 : i32
    return %arg0, %c0_i32 : i32, i32
  }
}

module attributes {stable_mosaic.version = 14 : i64} {
  func.func @_gcn2_body(%arg0: i32, %arg1: memref<256x4096xbf16, #tpu.memory_space<vmem>>, %arg2: memref<4096x512xbf16, #tpu.memory_space<vmem>>, %arg3: memref<1x512xf32, #tpu.memory_space<vmem>>, %arg4: memref<512x128xbf16, #tpu.memory_space<vmem>>, %arg5: memref<256x128xbf16, #tpu.memory_space<vmem>>) attributes {dimension_semantics = [#tpu.dimension_semantics<arbitrary>], iteration_bounds = array<i64: 16>, scalar_prefetch = 0 : i64, scratch_operands = 0 : i64, tpu.core_type = #tpu.core_type<tc>, window_params = [{transform_indices = @transform_0, window_bounds = array<i64: 256, 4096>}, {pipeline_mode = #tpu.pipeline_mode<synchronous>, transform_indices = @transform_1, window_bounds = array<i64: 4096, 512>}, {pipeline_mode = #tpu.pipeline_mode<synchronous>, transform_indices = @transform_2, window_bounds = array<i64: 1, 512>}, {pipeline_mode = #tpu.pipeline_mode<synchronous>, transform_indices = @transform_3, window_bounds = array<i64: 512, 128>}, {transform_indices = @transform_4, window_bounds = array<i64: 256, 128>}]} {
    %get3A = arith.constant 0 : index
    %get3A_0 = arith.constant 0 : index
    %get3A_1 = vector.load %arg1[%get3A, %get3A_0] : memref<256x4096xbf16, #tpu.memory_space<vmem>>, vector<256x4096xbf16>
    %get3A_2 = arith.constant 0 : index
    %get3A_3 = arith.constant 0 : index
    %get3A_4 = vector.load %arg2[%get3A_2, %get3A_3] : memref<4096x512xbf16, #tpu.memory_space<vmem>>, vector<4096x512xbf16>
    %dot_general3A = arith.constant dense<0.000000e+00> : vector<256x512xf32>
    %dot_general3A_5 = tpu.matmul %get3A_1, %get3A_4, %dot_general3A {dimension_numbers = #tpu.dot_dimension_numbers<[1], [0], [0], [1], [0, 0, 1, 1], [], []>, transpose_lhs_hint = false} : vector<256x4096xbf16>, vector<4096x512xbf16>, vector<256x512xf32> -> vector<256x512xf32>
    %get3A_6 = arith.constant 0 : index
    %get3A_7 = arith.constant 0 : index
    %get3A_8 = vector.load %arg3[%get3A_6, %get3A_7] : memref<1x512xf32, #tpu.memory_space<vmem>>, vector<1x512xf32>
    %add3A = vector.broadcast %get3A_8 : vector<1x512xf32> to vector<256x512xf32>
    %add3A_9 = arith.addf %dot_general3A_5, %add3A : vector<256x512xf32>
    %convert_element_type3A = arith.truncf %add3A_9 : vector<256x512xf32> to vector<256x512xbf16>
    %get3A_10 = arith.constant 0 : index
    %get3A_11 = arith.constant 0 : index
    %get3A_12 = vector.load %arg4[%get3A_10, %get3A_11] : memref<512x128xbf16, #tpu.memory_space<vmem>>, vector<512x128xbf16>
    %dot_general3A_13 = arith.constant dense<0.000000e+00> : vector<256x128xf32>
    %dot_general3A_14 = tpu.matmul %convert_element_type3A, %get3A_12, %dot_general3A_13 {dimension_numbers = #tpu.dot_dimension_numbers<[1], [0], [0], [1], [0, 0, 1, 1], [], []>, transpose_lhs_hint = false} : vector<256x512xbf16>, vector<512x128xbf16>, vector<256x128xf32> -> vector<256x128xf32>
    %convert_element_type3A_15 = arith.truncf %dot_general3A_14 : vector<256x128xf32> to vector<256x128xbf16>
    %swap3A = arith.constant 0 : index
    %swap3A_16 = arith.constant 0 : index
    %swap3A_17 = vector.load %arg5[%swap3A, %swap3A_16] : memref<256x128xbf16, #tpu.memory_space<vmem>>, vector<256x128xbf16>
    tpu.vector_store %arg5[%swap3A, %swap3A_16], %convert_element_type3A_15 {strides = array<i32>} : memref<256x128xbf16, #tpu.memory_space<vmem>>, vector<256x128xbf16>,
    return
  }
  func.func @transform_0(%arg0: i32) -> (i32, i32) {
    %c0_i32 = arith.constant 0 : i32
    %c0_i32_0 = arith.constant 0 : i32
    return %arg0, %c0_i32 : i32, i32
  }
  func.func @transform_1(%arg0: i32) -> (i32, i32) {
    %c0_i32 = arith.constant 0 : i32
    %c0_i32_0 = arith.constant 0 : i32
    %c0_i32_1 = arith.constant 0 : i32
    return %c0_i32, %c0_i32_0 : i32, i32
  }
  func.func @transform_2(%arg0: i32) -> (i32, i32) {
    %c0_i32 = arith.constant 0 : i32
    %c0_i32_0 = arith.constant 0 : i32
    %c0_i32_1 = arith.constant 0 : i32
    return %c0_i32, %c0_i32_0 : i32, i32
  }
  func.func @transform_3(%arg0: i32) -> (i32, i32) {
    %c0_i32 = arith.constant 0 : i32
    %c0_i32_0 = arith.constant 0 : i32
    %c0_i32_1 = arith.constant 0 : i32
    return %c0_i32, %c0_i32_0 : i32, i32
  }
  func.func @transform_4(%arg0: i32) -> (i32, i32) {
    %c0_i32 = arith.constant 0 : i32
    %c0_i32_0 = arith.constant 0 : i32
    return %arg0, %c0_i32 : i32, i32
  }
}

module attributes {stable_mosaic.version = 14 : i64} {
  func.func @_gcn3_body(%arg0: i32, %arg1: memref<256x4096xbf16, #tpu.memory_space<vmem>>, %arg2: memref<4096x128xbf16, #tpu.memory_space<vmem>>, %arg3: memref<1x128xf32, #tpu.memory_space<vmem>>, %arg4: memref<256x128xf32, #tpu.memory_space<vmem>>) attributes {dimension_semantics = [#tpu.dimension_semantics<arbitrary>], iteration_bounds = array<i64: 16>, scalar_prefetch = 0 : i64, scratch_operands = 0 : i64, tpu.core_type = #tpu.core_type<tc>, window_params = [{transform_indices = @transform_0, window_bounds = array<i64: 256, 4096>}, {pipeline_mode = #tpu.pipeline_mode<synchronous>, transform_indices = @transform_1, window_bounds = array<i64: 4096, 128>}, {pipeline_mode = #tpu.pipeline_mode<synchronous>, transform_indices = @transform_2, window_bounds = array<i64: 1, 128>}, {transform_indices = @transform_3, window_bounds = array<i64: 256, 128>}]} {
    %get3A = arith.constant 0 : index
    %get3A_0 = arith.constant 0 : index
    %get3A_1 = vector.load %arg1[%get3A, %get3A_0] : memref<256x4096xbf16, #tpu.memory_space<vmem>>, vector<256x4096xbf16>
    %get3A_2 = arith.constant 0 : index
    %get3A_3 = arith.constant 0 : index
    %get3A_4 = vector.load %arg2[%get3A_2, %get3A_3] : memref<4096x128xbf16, #tpu.memory_space<vmem>>, vector<4096x128xbf16>
    %dot_general3A = arith.constant dense<0.000000e+00> : vector<256x128xf32>
    %dot_general3A_5 = tpu.matmul %get3A_1, %get3A_4, %dot_general3A {dimension_numbers = #tpu.dot_dimension_numbers<[1], [0], [0], [1], [0, 0, 1, 1], [], []>, transpose_lhs_hint = false} : vector<256x4096xbf16>, vector<4096x128xbf16>, vector<256x128xf32> -> vector<256x128xf32>
    %get3A_6 = arith.constant 0 : index
    %get3A_7 = arith.constant 0 : index
    %get3A_8 = vector.load %arg3[%get3A_6, %get3A_7] : memref<1x128xf32, #tpu.memory_space<vmem>>, vector<1x128xf32>
    %add3A = vector.broadcast %get3A_8 : vector<1x128xf32> to vector<256x128xf32>
    %add3A_9 = arith.addf %dot_general3A_5, %add3A : vector<256x128xf32>
    %reduce_max3A = arith.constant dense<0xFF800000> : vector<256xf32>
    %reduce_max3A_10 = vector.multi_reduction <maximumf>, %add3A_9, %reduce_max3A [1] : vector<256x128xf32> to vector<256xf32>
    %broadcast_in_dim3A = vector.shape_cast %reduce_max3A_10 : vector<256xf32> to vector<256x1xf32>
    %sub3A = vector.broadcast %broadcast_in_dim3A : vector<256x1xf32> to vector<256x128xf32>
    %sub3A_11 = arith.subf %add3A_9, %sub3A : vector<256x128xf32>
    %exp3A = math.exp %sub3A_11 : vector<256x128xf32>
    %reduce_sum3A = arith.constant dense<0.000000e+00> : vector<256xf32>
    %reduce_sum3A_12 = vector.multi_reduction <add>, %exp3A, %reduce_sum3A [1] : vector<256x128xf32> to vector<256xf32>
    %broadcast_in_dim3A_13 = vector.shape_cast %reduce_sum3A_12 : vector<256xf32> to vector<256x1xf32>
    %log3A = math.log %broadcast_in_dim3A_13 : vector<256x1xf32>
    %sub3A_14 = vector.broadcast %log3A : vector<256x1xf32> to vector<256x128xf32>
    %sub3A_15 = arith.subf %sub3A_11, %sub3A_14 : vector<256x128xf32>
    %swap3A = arith.constant 0 : index
    %swap3A_16 = arith.constant 0 : index
    %swap3A_17 = vector.load %arg4[%swap3A, %swap3A_16] : memref<256x128xf32, #tpu.memory_space<vmem>>, vector<256x128xf32>
    tpu.vector_store %arg4[%swap3A, %swap3A_16], %sub3A_15 {strides = array<i32>} : memref<256x128xf32, #tpu.memory_space<vmem>>, vector<256x128xf32>,
    return
  }
  func.func @transform_0(%arg0: i32) -> (i32, i32) {
    %c0_i32 = arith.constant 0 : i32
    %c0_i32_0 = arith.constant 0 : i32
    return %arg0, %c0_i32 : i32, i32
  }
  func.func @transform_1(%arg0: i32) -> (i32, i32) {
    %c0_i32 = arith.constant 0 : i32
    %c0_i32_0 = arith.constant 0 : i32
    %c0_i32_1 = arith.constant 0 : i32
    return %c0_i32, %c0_i32_0 : i32, i32
  }
  func.func @transform_2(%arg0: i32) -> (i32, i32) {
    %c0_i32 = arith.constant 0 : i32
    %c0_i32_0 = arith.constant 0 : i32
    %c0_i32_1 = arith.constant 0 : i32
    return %c0_i32, %c0_i32_0 : i32, i32
  }
  func.func @transform_3(%arg0: i32) -> (i32, i32) {
    %c0_i32 = arith.constant 0 : i32
    %c0_i32_0 = arith.constant 0 : i32
    return %arg0, %c0_i32 : i32, i32
  }
}

</mosaic_0001>

<sc_bundles>
// kernel: kernel.12.cloned.1.call-start
scs
__scs_entry_jumppad:
0x0: {  	(pc) =	sbr.rel $0x88, $3  }
0x1: {  	(tag) =	ssettag $0x0;
	lr =	simm.s32 $0x1  }
0x2: {  	[smem:$0x3F96] =	sst lr;
	_ =	strace $0xD0000000  }
0x3: {  	_ = 	snop  }
0x4: {  	_ = 	snop  }
0x5: {  	_ = 	snop  }
0x6: {  	_ = 	snop  }
0x7: {  	_ = 	snop  }
__scs_overlays_trampoline_lowered:
0x8: {  	[smem:$0x3FA5] =	sst s0  }
0x9: {  	[smem:$0x3FA6] =	sst s1  }
0xa: {  	[smem:$0x3FA7] =	sst s2  }
0xb: {  	[smem:$0x3FA8] =	sst s3  }
0xc: {  	[smem:$0x3FA9] =	sst s4  }
0xd: {  	[smem:$0x3FAA] =	sst s5  }
0xe: {  	[smem:$0x3FAB] =	sst s6  }
0xf: {  	[smem:$0x3FAC] =	sst s7  }
0x10: {  	[smem:$0x3FAD] =	sst s8  }
0x11: {  	[smem:$0x3FAE] =	sst s9;
	s0 =	simm.s32 @!p0 $0x0  }
0x12: {  	s1 =	sld [smem:$0x3F94];
	s0 =	simm.s32 @p0 $0x1  }
0x13: {  	[smem:$0x3FAF] =	sst s0;
	s0 =	simm.s32 @!p1 $0x0  }
0x14: {  	s2 =	sld [smem:$0x3F93];
	s0 =	simm.s32 @p1 $0x1  }
0x15: {  	[smem:$0x3FB0] =	sst s0;
	s0 =	simm.s32 @!p2 $0x0  }
0x16: {  	s3 =	sld [smem:$0x3FDB];
	s0 =	simm.s32 @p2 $0x1  }
0x17: {  	s4 =	simm.s32 $0x1BF5;
	[smem:$0x3FB2] =	sst s0  }
0x18: {  	s0 =	sld [smem:$0x3F95];
	_ =	swait.ge [sflag:s4], $0x0  }
0x19: {  	s7 =	sld [smem:$0x3F96]  }
0x1a: {  	s8 =	sadd.s32 $0xFFFFE003, lr  }
0x1b: {  	s9 =	sadd.s32 $0xFFFFFEF7, lr;
	s5 =	simm.s32 $0xFFFFFFFF;
	p2 =	slt.u32 s8, $0xFFFFF086  }
0x1c: {  	p1 =	slt.u32 s9, $0xF7A;
	s5 =	simm.s32 @!p2 $0x0  }
0x1d: {  	s5 =	simm.s32 @p1 $0x1;
	p0 =	seq.s32 s7, s2  }
0x1e: {  	s7 =	smul.u32 @!p0 $0xF7A, s2;
	p2 =	seq.s32 @!p0 s5, $0x0  }
0x1f: {  	s9 =	smul.u32 $0xF7A, s1;
	s8 =	simm.s32 @!p0 $0x1BF5;
	p2 =	por !p2, p0  }
0x20: {  	[sflag:s8] =	ssyncset.s32 @!p0 $0xFFFFF086;
	s6 =	sadd.s32 @!p0 s3, s7;
	s7 =	simm.s32 @!p0 $0x108  }
0x21: {  	s3 =	sadd.s32 s3, s9;
	s6 =	sadd.s32 @!p0 $0x88, s6;
	s7 =	simm.s32 @p2 $0x1082  }
0x22: {  	[simem:s7], [sflag:s8] =	dma.local @!p0 [hbm:s6], $0xF7A  }
0x23: {  	s9 =	sor.u32 $0xD0000000, s2;
	s6 =	simm.s32 $0x108;
	_ =	swait.ge @!p0 [sflag:s8], $0x0  }
0x24: {  	s3 =	sadd.s32 $0x88, s3;
	s6 =	simm.s32 @!p1 $0x1082;
	[sflag:s4] =	ssyncset.s32 $0xFFFFF086  }
0x25: {  	[simem:s6], [sflag:s4] =	dma.local [hbm:s3], $0xF7A  }
0x26: {  	[smem:$0x3F96] =	sst s1;
	(tag) =	ssettag s2;
	_ =	strace s9  }
0x27: {  	s1 =	sld [smem:$0x3FA6]  }
0x28: {  	s2 =	sld [smem:$0x3FA7]  }
0x29: {  	s4 =	sld [smem:$0x3FA9]  }
0x2a: {  	p0 =	seq.s32 s5, $0x0;
	s5 =	sld [smem:$0x3FAA]  }
0x2b: {  	s6 =	sld [smem:$0x3FAB]  }
0x2c: {  	s7 =	sld [smem:$0x3FAC]  }
0x2d: {  	s3 =	simm.s32 $0x108;
	s8 =	sld [smem:$0x3FAD]  }
0x2e: {  	s3 =	simm.s32 @!p0 $0x1082;
	s9 =	sld [smem:$0x3FAE]  }
0x2f: {  	lr =	sadd.s32 s0, s3;
	s0 =	sld [smem:$0x3FA5]  }
0x30: {  	s3 =	sld [smem:$0x3FA8]  }
0x31: {  	[smem:$0x3FB1] =	sst s10  }
0x32: {  	s10 =	sld [smem:$0x3FAF];
	_ =	sdelay $0x3  }
0x33: {  	p0 =	seq.s32 s10, $0x1;
	s10 =	sld [smem:$0x3FB1];
	_ =	sdelay $0x3  }
0x34: {  	[smem:$0x3FB1] =	sst s10  }
0x35: {  	s10 =	sld [smem:$0x3FB0];
	_ =	sdelay $0x3  }
0x36: {  	p1 =	seq.s32 s10, $0x1;
	s10 =	sld [smem:$0x3FB1];
	_ =	sdelay $0x3  }
0x37: {  	[smem:$0x3FB1] =	sst s10  }
0x38: {  	s10 =	sld [smem:$0x3FB2]  }
0x39: {  	_ = 	snop;
	(pc) =	sbr.ind lr, $3  }
0x3a: {  	_ = 	snop  }
0x3b: {  	_ = 	snop  }
0x3c: {  	p2 =	seq.s32 s10, $0x1;
	s10 =	sld [smem:$0x3FB1]  }
0x3d: {  	_ =	shalt  }
0x3e: {  	_ =	shalt  }
0x3f: {  	_ =	shalt  }
0x40: {  	_ =	shalt  }
0x41: {  	_ =	shalt  }
0x42: {  	_ =	shalt  }
0x43: {  	_ =	shalt  }
0x44: {  	_ =	shalt  }
0x45: {  	_ =	shalt  }
0x46: {  	_ =	shalt  }
0x47: {  	_ =	shalt  }
0x48: {  	_ =	shalt  }
0x49: {  	_ =	shalt  }
0x4a: {  	_ =	shalt  }
0x4b: {  	_ =	shalt  }
0x4c: {  	_ =	shalt  }
0x4d: {  	_ =	shalt  }
0x4e: {  	_ =	shalt  }
0x4f: {  	_ =	shalt  }
0x50: {  	_ =	shalt  }
0x51: {  	_ =	shalt  }
0x52: {  	_ =	shalt  }
0x53: {  	_ =	shalt  }
0x54: {  	_ =	shalt  }
0x55: {  	_ =	shalt  }
0x56: {  	_ =	shalt  }
0x57: {  	_ =	shalt  }
0x58: {  	_ =	shalt  }
0x59: {  	_ =	shalt  }
0x5a: {  	_ =	shalt  }
0x5b: {  	_ =	shalt  }
0x5c: {  	_ =	shalt  }
0x5d: {  	_ =	shalt  }
0x5e: {  	_ =	shalt  }
0x5f: {  	_ =	shalt  }
0x60: {  	_ =	shalt  }
0x61: {  	_ =	shalt  }
0x62: {  	_ =	shalt  }
0x63: {  	_ =	shalt  }
0x64: {  	_ =	shalt  }
0x65: {  	_ =	shalt  }
0x66: {  	_ =	shalt  }
0x67: {  	_ =	shalt  }
0x68: {  	_ =	shalt  }
0x69: {  	_ =	shalt  }
0x6a: {  	_ =	shalt  }
0x6b: {  	_ =	shalt  }
0x6c: {  	_ =	shalt  }
0x6d: {  	_ =	shalt  }
0x6e: {  	_ =	shalt  }
0x6f: {  	_ =	shalt  }
0x70: {  	_ =	shalt  }
0x71: {  	_ =	shalt  }
0x72: {  	_ =	shalt  }
0x73: {  	_ =	shalt  }
0x74: {  	_ =	shalt  }
0x75: {  	_ =	shalt  }
0x76: {  	_ =	shalt  }
0x77: {  	_ =	shalt  }
0x78: {  	_ =	shalt  }
0x79: {  	_ =	shalt  }
0x7a: {  	_ =	shalt  }
0x7b: {  	_ =	shalt  }
0x7c: {  	_ =	shalt  }
0x7d: {  	_ =	shalt  }
0x7e: {  	_ =	shalt  }
0x7f: {  	_ =	shalt  }
0x80: {  	_ =	shalt  }
0x81: {  	_ =	shalt  }
0x82: {  	_ =	shalt  }
0x83: {  	_ =	shalt  }
0x84: {  	_ =	shalt  }
0x85: {  	_ =	shalt  }
0x86: {  	_ =	shalt  }
0x87: {  	_ =	shalt  }
.Lfunc_end0:
.L_simem_size_0:
called_computation_lowered:
.L_overlay_start_0:
0x88: {  	s2 =	sld [smem:$0x3FD9]  }
0x89: {  	s3 =	sld [smem:$0x3FFE];
	_ =	sdelay $0x1  }
0x8a: {  	s1 =	srdreg.scid  }
0x8b: {  	s0 =	sand.u32 $0x1, s1  }
0x8c: {  	s16 =	sshll.u32 s0, $0xA;
	s2 =	sadd.s32 s3, s2  }
0x8d: {  	s2 =	sadd.s32 s2, s16  }
0x8e: {  	[smem:$0x3FBD] =	sst s2  }
0x8f: {  	_ = 	snop  }
0x90: {  	(tm) =	ssettm $0x1  }
0x91: {  	s17 =	sld [smem:$0x3FFB];
	_ =	sdelay $0x3  }
0x92: {  	_ =	strace s17  }
0x93: {  	s2 =	sld [smem:$0x3FFC];
	_ =	sdelay $0x3  }
0x94: {  	_ =	strace s2  }
0x95: {  	s2 =	sld [smem:$0x3FFD];
	_ =	sdelay $0x3  }
0x96: {  	_ =	strace s2  }
0x97: {  	_ =	strace $0x8FFFFFFF  }
0x98: {  	s18 =	sld [smem:$0x3FDB];
	_ =	sdelay $0x1  }
0x99: {  	s19 =	simm.s32 $_scs_section_size  }
0x9a: {  	s4 =	simm.s32 $_size__tile_overlayer_lowered;
	s5 =	simm.s32 $_tile_overlayer_lowered  }
0x9b: {  	s22 =	simm.s32 $0x1BFF;
	s21 =	sshll.u32 s5, $0x1;
	s2 =	sadd.s32 s19, s18  }
0x9c: {  	s6 =	simm.s32 $0x0;
	s20 =	sshll.u32 s4, $0x1;
	s4 =	sadd.s32 s21, s2  }
0x9d: {  	[timem:s6], [sflag:s22] =	dma.local [hbm:s4], s20  }
0x9e: {  	_ =	swait.ge [sflag:s22], s20  }
0x9f: {  	s3 =	ssub.s32 $0x0, s20;
	[sflag:s22] =	ssyncset.done $0x0  }
0xa0: {  	[sflag:s22] =	ssyncadd.s32 s3;
	_ =	sdelay $0x1  }
0xa1: {  	s23 =	simm.s32 $0x1B8B  }
0xa2: {  	_ =	swait.ge [sflag:s23], $0x1  }
0xa3: {  	[sflag:s23] =	ssyncset.done $0x0  }
0xa4: {  	s25 =	simm.s32 $0x1B8E;
	s24 =	sld [smem:$0x3FFE];
	[sflag:s23] =	ssyncadd.s32 $0xFFFFFFFF  }
0xa5: {  	s26 =	simm.s32 $execute0_lowered;
	[smem:$0x3FD2] =	sst s25  }
0xa6: {  	s4 =	sshll.u32 s26, $0x1;
	_ =	strace $0x80000046;
	[dreg:$0x1] =	wrdreg $0xFFFFFFFF  }
0xa7: {  	s28 =	simm.s32 $_size_execute0_lowered;
	s2 =	sadd.s32 s2, s4;
	[dreg:$0x0] =	wrdreg $0x0  }
0xa8: {  	s4 =	sshll.u32 s28, $0x1;
	[dreg:$0x2] =	wrdreg s2  }
0xa9: {  	[dreg:$0x3] =	wrdreg s4  }
0xaa: {  	[dreg:$0x4] =	wrdreg $0xC0  }
0xab: {  	_ =	task [dreg:s6], $0x5FFFF  }
0xac: {  	[dreg:$0x1] =	wrdreg $0xFFFFFFFF  }
0xad: {  	[dreg:$0x0] =	wrdreg $0x60  }
0xae: {  	[dreg:$0x2] =	wrdreg s24  }
0xaf: {  	[dreg:$0x3] =	wrdreg $0x9  }
0xb0: {  	_ =	task.clear_ibuf [dreg:s6], $0x4FFFF;
	_ =	strace $0x90000046  }
0xb1: {  	s29 =	simm.s32 $0x9;
	_ =	strace $0x80000048  }
0xb2: {  	_ =	swait.ge [sflag:s29], $0x1  }
0xb3: {  	[sflag:s29] =	ssyncadd.s32 $0xFFFFFFFF  }
0xb4: {  	_ =	strace $0x90000048  }
0xb5: {  	_ =	sfence  }
0xb6: {  	s30 =	sld [smem:$0x0];
	_ =	sdelay $0x2  }
0xb7: {  	s31 =	sshll.u32 s1, $0xD;
	s1 =	sshrl.u32 s1, $0x2  }
0xb8: {  	s3 =	sand.u32 $0x4000, s31;
	s1 =	sadd.s32 s1, s30  }
0xb9: {  	s0 =	sor.u32 s3, s0;
	s1 =	sshll.u32 s1, $0x11  }
0xba: {  	s0 =	sor.u32 s1, s0  }
0xbb: {  	s0 =	sadd.s32 $0x8F2B, s0  }
0xbc: {  	[sflag:s0] =	ssyncadd.remote.s32 $0x1  }
0xbd: {  	_ =	sfence.sel $0xFFFF  }
0xbe: {  	[dreg:$0x0] =	wrdreg $0xFFFFFFFF;
	(pc) =	sbr.abs _section_cstart, $3  }
0xbf: {  	[dreg:$0x1] =	wrdreg $0xFFFFFFFF  }
0xc0: {  	_ =	task.clear_ibuf [dreg:s6], $0x2FFFF;
	_ =	strace $0x9FFFFFFF  }
0xc1: {  	(tm) =	ssettm $0x7FFFFFFF  }
tec
execute0_lowered:
.L_overlay_start_1:
0x0: {  	(tag) =	ssettag $0x1  }
0x1: {  	s0 =	rddreg [dreg:$0x0];
	s2 =	simm.s32 $0x0  }
0x2: {  	s1 =	srdreg.scid;
	s3 =	stileid.u32;
	s15 =	simm.s32 $0x80  }
0x3: {  	[smem:$0x7FF] =	sst s2;
	s1 =	sand.u32 $0x1, s1;
	s3 =	sshll.u32 s3, $0x5  }
0x4: {  	s7 =	sadd.s32 $0x51400, s0;
	s8 =	sadd.s32 $0x1400, s0;
	s6 =	sadd.s32 $0xA1400, s0  }
0x5: {  	_ =	strace $0x80000047;
	s4 =	sshll.u32 s1, $0x4;
	s1 =	ssub.s32 $0x2, s1  }
0x6: {  	s5 =	sor.u32 s4, s3;
	s3 =	sadd.s32 $0xA1800, s0;
	s4 =	sadd.s32 $0xF1800, s0  }
0x7: {  	s12 =	sshrl.u32 s1, $0x1;
	s9 =	smul.u32 $0x280, s5;
	s10 =	sadd.s32 s6, s5  }
0x8: {  	s11 =	sor.u32 $0x4, s5;
	s20 =	sor.u32 $0x8, s5;
	s1 =	ssub.s32 s1, s12  }
0x9: {  	s25 =	sor.u32 $0xC, s5;
	[dreg:$0x2] =	wrdreg s10;
	s18 =	sadd.s32 s6, s11  }
0xa: {  	s5 =	sadd.s32 $0xA1900, s0;
	s23 =	sadd.s32 s6, s20;
	[dreg:$0x5] =	wrdreg s18  }
0xb: {  	s12 =	simm.s32 $0x5080;
	s29 =	sadd.s32 s6, s25;
	[dreg:$0x8] =	wrdreg s23  }
0xc: {  	s17 =	smul.u32 $0x280, s11;
	s16 =	sadd.s32 s7, s9;
	[dreg:$0xb] =	wrdreg s29  }
0xd: {  	s22 =	smul.u32 $0x280, s20;
	s9 =	sadd.s32 s8, s9;
	[dreg:$0x3] =	wrdreg s16  }
0xe: {  	s28 =	smul.u32 $0x280, s25;
	[dreg:$0x4] =	wrdreg s9;
	s19 =	sadd.s32 s7, s17  }
0xf: {  	s6 =	sadd.s32 $0xA1A00, s0;
	s21 =	sadd.s32 s8, s17;
	[dreg:$0x6] =	wrdreg s19  }
0x10: {  	s10 =	simm.s32 $0x3;
	s24 =	sadd.s32 s7, s22;
	[dreg:$0x7] =	wrdreg s21  }
0x11: {  	s26 =	sadd.s32 s8, s22;
	s30 =	sadd.s32 s7, s28;
	[dreg:$0x9] =	wrdreg s24  }
0x12: {  	v2 =	vlaneseq.u32;
	s7 =	sadd.s32 $0xF1900, s0;
	s31 =	sadd.s32 s8, s28;
	[dreg:$0xa] =	wrdreg s26  }
0x13: {  	vm0 =	vmmov $0xffff;
	vm1 =	vmmov $0xff;
	v1 =	vshrl.u32 v2, $0x3;
	s8 =	sadd.s32 $0xF1A00, s0;
	s9 =	smax.u32 s1, $0x1;
	[dreg:$0xc] =	wrdreg s30  }
0x14: {  	v0 =	vand.u32 $0x7, v2;
	v2 =	vor.u32 $0x8, v2;
	v1 =	vmul.u32 $0x8, v1;
	s16 =	simm.s32 $0x2;
	[dreg:$0xd] =	wrdreg s31;
	s24 =	simm.s32 $0x1  }
.LBB2_1:
0x15: {  	s17 =	rddreg [dreg:$0x2]  }
0x16: {  	[tilespmem:s2], [sflag:$0x3] =	stream.linear.gather [hbm4b:s17+s2], $0x20, $0x38;
	[tilespmem:$0xA080] =	vst v63  }
0x17: {  	_ =	swait.ge [sflag:s10], $0x20  }
0x18: {  	[sflag:s10] =	ssyncset.done $0x0  }
0x19: {  	s14 =	rddreg [dreg:$0x3];
	[sflag:s10] =	ssyncadd.s32 $0xFFFFFFE0  }
0x1a: {  	[tilespmem:s15], [sflag:$0x3] =	stream.linear.gather [hbm4b:s14+s2], $0x5000, $0x38;
	[tilespmem:$0xA080] =	vst v63  }
0x1b: {  	_ =	swait.ge [sflag:s10], $0x5000  }
0x1c: {  	[sflag:s10] =	ssyncset.done $0x0  }
0x1d: {  	s18 =	rddreg [dreg:$0x4];
	[sflag:s10] =	ssyncadd.s32 $0xFFFFB000  }
0x1e: {  	[tilespmem:s12], [sflag:$0x3] =	stream.linear.gather [hbm4b:s18+s2], $0x5000, $0x38;
	[tilespmem:$0xA080] =	vst v63  }
0x1f: {  	_ =	swait.ge [sflag:s10], $0x5000  }
0x20: {  	[sflag:s10] =	ssyncset.done $0x0  }
0x21: {  	[sflag:s10] =	ssyncadd.s32 $0xFFFFB000  }
0x22: {  	v3 =	vld [tilespmem:$0x0];
	_ =	sdelay $0x4  }
0x23: {  	v4 =	vshrl.u32 v3, $0x3  }
0x24: {  	v4 =	vmul.u32 $0x28, v4  }
0x25: {  	v3 =	vand.u32 $0x7, v3  }
0x26: {  	v3 =	vor.u32 v3, v4  }
0x27: {  	v4 =	vperm.xlane v3, v0;
	_ =	sdelay $0x1  }
0x28: {  	v4 =	vadd.s32 v1, v4;
	_ =	sdelay $0x3  }
0x29: {  	v3 =	vperm.xlane v3, v2  }
0x2a: {  	[hbm4b:s3+s2] =	stream.indirect_vreg.scatter [tilespmem:s15], [sflag:$0x1], $0x80, v4, vm0, $0xb8;
	[tilespmem:$0xA080] =	vst v63  }
0x2b: {  	s0 =	simm.s32 $0x880;
	v3 =	vadd.s32 v1, v3  }
0x2c: {  	[hbm4b:s5+s2] =	stream.indirect_vreg.scatter [tilespmem:s0], [sflag:$0x1], $0x80, v4, vm0, $0xb8;
	[tilespmem:$0xA080] =	vst v63  }
0x2d: {  	s19 =	simm.s32 $0x1080  }
0x2e: {  	[hbm4b:s6+s2] =	stream.indirect_vreg.scatter [tilespmem:s19], [sflag:$0x1], $0x80, v4, vm1, $0xb8;
	[tilespmem:$0xA080] =	vst v63  }
0x2f: {  	s20 =	simm.s32 $0x1480  }
0x30: {  	[hbm4b:s3+s2] =	stream.indirect_vreg.scatter [tilespmem:s20], [sflag:$0x1], $0x80, v3, vm0, $0xb8;
	[tilespmem:$0xA080] =	vst v63  }
0x31: {  	s21 =	simm.s32 $0x1C80  }
0x32: {  	[hbm4b:s5+s2] =	stream.indirect_vreg.scatter [tilespmem:s21], [sflag:$0x1], $0x80, v3, vm0, $0xb8;
	[tilespmem:$0xA080] =	vst v63  }
0x33: {  	s22 =	simm.s32 $0x2480  }
0x34: {  	[hbm4b:s6+s2] =	stream.indirect_vreg.scatter [tilespmem:s22], [sflag:$0x1], $0x80, v3, vm1, $0xb8;
	[tilespmem:$0xA080] =	vst v63  }
0x35: {  	v3 =	vld [tilespmem:$0x10];
	_ =	sdelay $0x4  }
0x36: {  	v49 =	vshrl.u32 v3, $0x3  }
0x37: {  	v4 =	vmul.u32 $0x28, v49  }
0x38: {  	v3 =	vand.u32 $0x7, v3  }
0x39: {  	v3 =	vor.u32 v3, v4  }
0x3a: {  	v4 =	vperm.xlane v3, v0;
	_ =	sdelay $0x1  }
0x3b: {  	v4 =	vadd.s32 v1, v4;
	_ =	sdelay $0x3  }
0x3c: {  	s23 =	simm.s32 $0x2880;
	v3 =	vperm.xlane v3, v2  }
0x3d: {  	[hbm4b:s3+s2] =	stream.indirect_vreg.scatter [tilespmem:s23], [sflag:$0x1], $0x80, v4, vm0, $0xb8;
	[tilespmem:$0xA080] =	vst v63  }
0x3e: {  	s25 =	simm.s32 $0x3080;
	v3 =	vadd.s32 v1, v3  }
0x3f: {  	[hbm4b:s5+s2] =	stream.indirect_vreg.scatter [tilespmem:s25], [sflag:$0x1], $0x80, v4, vm0, $0xb8;
	[tilespmem:$0xA080] =	vst v63  }
0x40: {  	s28 =	simm.s32 $0x3880  }
0x41: {  	[hbm4b:s6+s2] =	stream.indirect_vreg.scatter [tilespmem:s28], [sflag:$0x1], $0x80, v4, vm1, $0xb8;
	[tilespmem:$0xA080] =	vst v63  }
0x42: {  	s29 =	simm.s32 $0x3C80  }
0x43: {  	[hbm4b:s3+s2] =	stream.indirect_vreg.scatter [tilespmem:s29], [sflag:$0x1], $0x80, v3, vm0, $0xb8;
	[tilespmem:$0xA080] =	vst v63  }
0x44: {  	s30 =	simm.s32 $0x4480  }
0x45: {  	[hbm4b:s5+s2] =	stream.indirect_vreg.scatter [tilespmem:s30], [sflag:$0x1], $0x80, v3, vm0, $0xb8;
	[tilespmem:$0xA080] =	vst v63  }
0x46: {  	s31 =	simm.s32 $0x4C80  }
0x47: {  	[hbm4b:s6+s2] =	stream.indirect_vreg.scatter [tilespmem:s31], [sflag:$0x1], $0x80, v3, vm1, $0xb8;
	[tilespmem:$0xA080] =	vst v63  }
0x48: {  	_ =	swait.ge [sflag:s24], $0x5000  }
0x49: {  	[sflag:s24] =	ssyncset.done $0x0  }
0x4a: {  	[sflag:s24] =	ssyncadd.s32 $0xFFFFB000  }
0x4b: {  	v3 =	vld [tilespmem:$0x0];
	_ =	sdelay $0x4  }
0x4c: {  	v50 =	vshrl.u32 v3, $0x3  }
0x4d: {  	v4 =	vmul.u32 $0x28, v50  }
0x4e: {  	v3 =	vand.u32 $0x7, v3  }
0x4f: {  	v3 =	vor.u32 v3, v4  }
0x50: {  	v4 =	vperm.xlane v3, v0;
	_ =	sdelay $0x1  }
0x51: {  	v4 =	vadd.s32 v1, v4;
	_ =	sdelay $0x3  }
0x52: {  	v3 =	vperm.xlane v3, v2  }
0x53: {  	[hbm4b:s4+s2] =	stream.indirect_vreg.scatter [tilespmem:s12], [sflag:$0x2], $0x80, v4, vm0, $0xb8;
	[tilespmem:$0xA080] =	vst v63  }
0x54: {  	s13 =	simm.s32 $0x5880;
	v3 =	vadd.s32 v1, v3  }
0x55: {  	[hbm4b:s7+s2] =	stream.indirect_vreg.scatter [tilespmem:s13], [sflag:$0x2], $0x80, v4, vm0, $0xb8;
	[tilespmem:$0xA080] =	vst v63  }
0x56: {  	s14 =	simm.s32 $0x6080  }
0x57: {  	[hbm4b:s8+s2] =	stream.indirect_vreg.scatter [tilespmem:s14], [sflag:$0x2], $0x80, v4, vm1, $0xb8;
	[tilespmem:$0xA080] =	vst v63  }
0x58: {  	s17 =	simm.s32 $0x6480  }
0x59: {  	[hbm4b:s4+s2] =	stream.indirect_vreg.scatter [tilespmem:s17], [sflag:$0x2], $0x80, v3, vm0, $0xb8;
	[tilespmem:$0xA080] =	vst v63  }
0x5a: {  	s18 =	simm.s32 $0x6C80  }
0x5b: {  	[hbm4b:s7+s2] =	stream.indirect_vreg.scatter [tilespmem:s18], [sflag:$0x2], $0x80, v3, vm0, $0xb8;
	[tilespmem:$0xA080] =	vst v63  }
0x5c: {  	s19 =	simm.s32 $0x7480  }
0x5d: {  	[hbm4b:s8+s2] =	stream.indirect_vreg.scatter [tilespmem:s19], [sflag:$0x2], $0x80, v3, vm1, $0xb8;
	[tilespmem:$0xA080] =	vst v63  }
0x5e: {  	v3 =	vld [tilespmem:$0x10];
	_ =	sdelay $0x4  }
0x5f: {  	v51 =	vshrl.u32 v3, $0x3  }
0x60: {  	v4 =	vmul.u32 $0x28, v51  }
0x61: {  	v3 =	vand.u32 $0x7, v3  }
0x62: {  	v3 =	vor.u32 v3, v4  }
0x63: {  	v4 =	vperm.xlane v3, v0;
	_ =	sdelay $0x1  }
0x64: {  	v4 =	vadd.s32 v1, v4;
	_ =	sdelay $0x3  }
0x65: {  	s20 =	simm.s32 $0x7880;
	v3 =	vperm.xlane v3, v2  }
0x66: {  	[hbm4b:s4+s2] =	stream.indirect_vreg.scatter [tilespmem:s20], [sflag:$0x2], $0x80, v4, vm0, $0xb8;
	[tilespmem:$0xA080] =	vst v63  }
0x67: {  	s21 =	simm.s32 $0x8080;
	v3 =	vadd.s32 v1, v3  }
0x68: {  	[hbm4b:s7+s2] =	stream.indirect_vreg.scatter [tilespmem:s21], [sflag:$0x2], $0x80, v4, vm0, $0xb8;
	[tilespmem:$0xA080] =	vst v63  }
0x69: {  	s23 =	simm.s32 $0x8880  }
0x6a: {  	[hbm4b:s8+s2] =	stream.indirect_vreg.scatter [tilespmem:s23], [sflag:$0x2], $0x80, v4, vm1, $0xb8;
	[tilespmem:$0xA080] =	vst v63  }
0x6b: {  	s25 =	simm.s32 $0x8C80  }
0x6c: {  	[hbm4b:s4+s2] =	stream.indirect_vreg.scatter [tilespmem:s25], [sflag:$0x2], $0x80, v3, vm0, $0xb8;
	[tilespmem:$0xA080] =	vst v63  }
0x6d: {  	s28 =	simm.s32 $0x9480  }
0x6e: {  	[hbm4b:s7+s2] =	stream.indirect_vreg.scatter [tilespmem:s28], [sflag:$0x2], $0x80, v3, vm0, $0xb8;
	[tilespmem:$0xA080] =	vst v63  }
0x6f: {  	s29 =	simm.s32 $0x9C80  }
0x70: {  	[hbm4b:s8+s2] =	stream.indirect_vreg.scatter [tilespmem:s29], [sflag:$0x2], $0x80, v3, vm1, $0xb8;
	[tilespmem:$0xA080] =	vst v63  }
0x71: {  	_ =	swait.ge [sflag:s16], $0x5000  }
0x72: {  	[sflag:s16] =	ssyncset.done $0x0  }
0x73: {  	s30 =	rddreg [dreg:$0x5];
	[sflag:s16] =	ssyncadd.s32 $0xFFFFB000  }
0x74: {  	[tilespmem:s2], [sflag:$0x3] =	stream.linear.gather [hbm4b:s30+s2], $0x20, $0x38;
	[tilespmem:$0xA080] =	vst v63  }
0x75: {  	_ =	swait.ge [sflag:s10], $0x20  }
0x76: {  	[sflag:s10] =	ssyncset.done $0x0  }
0x77: {  	s31 =	rddreg [dreg:$0x6];
	[sflag:s10] =	ssyncadd.s32 $0xFFFFFFE0  }
0x78: {  	[tilespmem:s15], [sflag:$0x3] =	stream.linear.gather [hbm4b:s31+s2], $0x5000, $0x38;
	[tilespmem:$0xA080] =	vst v63  }
0x79: {  	_ =	swait.ge [sflag:s10], $0x5000  }
0x7a: {  	[sflag:s10] =	ssyncset.done $0x0  }
0x7b: {  	s0 =	rddreg [dreg:$0x7];
	[sflag:s10] =	ssyncadd.s32 $0xFFFFB000  }
0x7c: {  	[tilespmem:s12], [sflag:$0x3] =	stream.linear.gather [hbm4b:s0+s2], $0x5000, $0x38;
	[tilespmem:$0xA080] =	vst v63  }
0x7d: {  	_ =	swait.ge [sflag:s10], $0x5000  }
0x7e: {  	[sflag:s10] =	ssyncset.done $0x0  }
0x7f: {  	[sflag:s10] =	ssyncadd.s32 $0xFFFFB000  }
0x80: {  	v3 =	vld [tilespmem:$0x0];
	_ =	sdelay $0x4  }
0x81: {  	v52 =	vshrl.u32 v3, $0x3  }
0x82: {  	v4 =	vmul.u32 $0x28, v52  }
0x83: {  	v3 =	vand.u32 $0x7, v3  }
0x84: {  	v3 =	vor.u32 v3, v4  }
0x85: {  	v4 =	vperm.xlane v3, v0;
	_ =	sdelay $0x1  }
0x86: {  	v4 =	vadd.s32 v1, v4;
	_ =	sdelay $0x3  }
0x87: {  	v3 =	vperm.xlane v3, v2  }
0x88: {  	[hbm4b:s3+s2] =	stream.indirect_vreg.scatter [tilespmem:s15], [sflag:$0x1], $0x80, v4, vm0, $0xb8;
	[tilespmem:$0xA080] =	vst v63  }
0x89: {  	s1 =	simm.s32 $0x880;
	v3 =	vadd.s32 v1, v3  }
0x8a: {  	[hbm4b:s5+s2] =	stream.indirect_vreg.scatter [tilespmem:s1], [sflag:$0x1], $0x80, v4, vm0, $0xb8;
	[tilespmem:$0xA080] =	vst v63  }
0x8b: {  	s11 =	simm.s32 $0x1080  }
0x8c: {  	[hbm4b:s6+s2] =	stream.indirect_vreg.scatter [tilespmem:s11], [sflag:$0x1], $0x80, v4, vm1, $0xb8;
	[tilespmem:$0xA080] =	vst v63  }
0x8d: {  	s19 =	simm.s32 $0x1480  }
0x8e: {  	[hbm4b:s3+s2] =	stream.indirect_vreg.scatter [tilespmem:s19], [sflag:$0x1], $0x80, v3, vm0, $0xb8;
	[tilespmem:$0xA080] =	vst v63  }
0x8f: {  	s21 =	simm.s32 $0x1C80  }
0x90: {  	[hbm4b:s5+s2] =	stream.indirect_vreg.scatter [tilespmem:s21], [sflag:$0x1], $0x80, v3, vm0, $0xb8;
	[tilespmem:$0xA080] =	vst v63  }
0x91: {  	s23 =	simm.s32 $0x2480  }
0x92: {  	[hbm4b:s6+s2] =	stream.indirect_vreg.scatter [tilespmem:s23], [sflag:$0x1], $0x80, v3, vm1, $0xb8;
	[tilespmem:$0xA080] =	vst v63  }
0x93: {  	v3 =	vld [tilespmem:$0x10];
	_ =	sdelay $0x4  }
0x94: {  	v53 =	vshrl.u32 v3, $0x3  }
0x95: {  	v4 =	vmul.u32 $0x28, v53  }
0x96: {  	v3 =	vand.u32 $0x7, v3  }
0x97: {  	v3 =	vor.u32 v3, v4  }
0x98: {  	v4 =	vperm.xlane v3, v0;
	_ =	sdelay $0x1  }
0x99: {  	v4 =	vadd.s32 v1, v4;
	_ =	sdelay $0x3  }
0x9a: {  	s26 =	simm.s32 $0x2880;
	v3 =	vperm.xlane v3, v2  }
0x9b: {  	[hbm4b:s3+s2] =	stream.indirect_vreg.scatter [tilespmem:s26], [sflag:$0x1], $0x80, v4, vm0, $0xb8;
	[tilespmem:$0xA080] =	vst v63  }
0x9c: {  	s22 =	simm.s32 $0x3080;
	v3 =	vadd.s32 v1, v3  }
0x9d: {  	[hbm4b:s5+s2] =	stream.indirect_vreg.scatter [tilespmem:s22], [sflag:$0x1], $0x80, v4, vm0, $0xb8;
	[tilespmem:$0xA080] =	vst v63  }
0x9e: {  	s26 =	simm.s32 $0x3880  }
0x9f: {  	[hbm4b:s6+s2] =	stream.indirect_vreg.scatter [tilespmem:s26], [sflag:$0x1], $0x80, v4, vm1, $0xb8;
	[tilespmem:$0xA080] =	vst v63  }
0xa0: {  	s28 =	simm.s32 $0x3C80  }
0xa1: {  	[hbm4b:s3+s2] =	stream.indirect_vreg.scatter [tilespmem:s28], [sflag:$0x1], $0x80, v3, vm0, $0xb8;
	[tilespmem:$0xA080] =	vst v63  }
0xa2: {  	s29 =	simm.s32 $0x4480  }
0xa3: {  	[hbm4b:s5+s2] =	stream.indirect_vreg.scatter [tilespmem:s29], [sflag:$0x1], $0x80, v3, vm0, $0xb8;
	[tilespmem:$0xA080] =	vst v63  }
0xa4: {  	s30 =	simm.s32 $0x4C80  }
0xa5: {  	[hbm4b:s6+s2] =	stream.indirect_vreg.scatter [tilespmem:s30], [sflag:$0x1], $0x80, v3, vm1, $0xb8;
	[tilespmem:$0xA080] =	vst v63  }
0xa6: {  	_ =	swait.ge [sflag:s24], $0x5000  }
0xa7: {  	[sflag:s24] =	ssyncset.done $0x0  }
0xa8: {  	[sflag:s24] =	ssyncadd.s32 $0xFFFFB000  }
0xa9: {  	v3 =	vld [tilespmem:$0x0];
	_ =	sdelay $0x4  }
0xaa: {  	v54 =	vshrl.u32 v3, $0x3  }
0xab: {  	v4 =	vmul.u32 $0x28, v54  }
0xac: {  	v3 =	vand.u32 $0x7, v3  }
0xad: {  	v3 =	vor.u32 v3, v4  }
0xae: {  	v4 =	vperm.xlane v3, v0;
	_ =	sdelay $0x1  }
0xaf: {  	v4 =	vadd.s32 v1, v4;
	_ =	sdelay $0x3  }
0xb0: {  	v3 =	vperm.xlane v3, v2  }
0xb1: {  	[hbm4b:s4+s2] =	stream.indirect_vreg.scatter [tilespmem:s12], [sflag:$0x2], $0x80, v4, vm0, $0xb8;
	[tilespmem:$0xA080] =	vst v63  }
0xb2: {  	s31 =	simm.s32 $0x5880;
	v3 =	vadd.s32 v1, v3  }
0xb3: {  	[hbm4b:s7+s2] =	stream.indirect_vreg.scatter [tilespmem:s31], [sflag:$0x2], $0x80, v4, vm0, $0xb8;
	[tilespmem:$0xA080] =	vst v63  }
0xb4: {  	s0 =	simm.s32 $0x6080  }
0xb5: {  	[hbm4b:s8+s2] =	stream.indirect_vreg.scatter [tilespmem:s0], [sflag:$0x2], $0x80, v4, vm1, $0xb8;
	[tilespmem:$0xA080] =	vst v63  }
0xb6: {  	s1 =	simm.s32 $0x6480  }
0xb7: {  	[hbm4b:s4+s2] =	stream.indirect_vreg.scatter [tilespmem:s1], [sflag:$0x2], $0x80, v3, vm0, $0xb8;
	[tilespmem:$0xA080] =	vst v63  }
0xb8: {  	s11 =	simm.s32 $0x6C80  }
0xb9: {  	[hbm4b:s7+s2] =	stream.indirect_vreg.scatter [tilespmem:s11], [sflag:$0x2], $0x80, v3, vm0, $0xb8;
	[tilespmem:$0xA080] =	vst v63  }
0xba: {  	s22 =	simm.s32 $0x7480  }
0xbb: {  	[hbm4b:s8+s2] =	stream.indirect_vreg.scatter [tilespmem:s22], [sflag:$0x2], $0x80, v3, vm1, $0xb8;
	[tilespmem:$0xA080] =	vst v63  }
0xbc: {  	v3 =	vld [tilespmem:$0x10];
	_ =	sdelay $0x4  }
0xbd: {  	v55 =	vshrl.u32 v3, $0x3  }
0xbe: {  	v4 =	vmul.u32 $0x28, v55  }
0xbf: {  	v3 =	vand.u32 $0x7, v3  }
0xc0: {  	v3 =	vor.u32 v3, v4  }
0xc1: {  	v4 =	vperm.xlane v3, v0;
	_ =	sdelay $0x1  }
0xc2: {  	v4 =	vadd.s32 v1, v4;
	_ =	sdelay $0x3  }
0xc3: {  	s14 =	simm.s32 $0x7880;
	v3 =	vperm.xlane v3, v2  }
0xc4: {  	[hbm4b:s4+s2] =	stream.indirect_vreg.scatter [tilespmem:s14], [sflag:$0x2], $0x80, v4, vm0, $0xb8;
	[tilespmem:$0xA080] =	vst v63  }
0xc5: {  	s17 =	simm.s32 $0x8080;
	v3 =	vadd.s32 v1, v3  }
0xc6: {  	[hbm4b:s7+s2] =	stream.indirect_vreg.scatter [tilespmem:s17], [sflag:$0x2], $0x80, v4, vm0, $0xb8;
	[tilespmem:$0xA080] =	vst v63  }
0xc7: {  	s18 =	simm.s32 $0x8880  }
0xc8: {  	[hbm4b:s8+s2] =	stream.indirect_vreg.scatter [tilespmem:s18], [sflag:$0x2], $0x80, v4, vm1, $0xb8;
	[tilespmem:$0xA080] =	vst v63  }
0xc9: {  	s17 =	simm.s32 $0x8C80  }
0xca: {  	[hbm4b:s4+s2] =	stream.indirect_vreg.scatter [tilespmem:s17], [sflag:$0x2], $0x80, v3, vm0, $0xb8;
	[tilespmem:$0xA080] =	vst v63  }
0xcb: {  	s17 =	simm.s32 $0x9480  }
0xcc: {  	[hbm4b:s7+s2] =	stream.indirect_vreg.scatter [tilespmem:s17], [sflag:$0x2], $0x80, v3, vm0, $0xb8;
	[tilespmem:$0xA080] =	vst v63  }
0xcd: {  	s13 =	simm.s32 $0x9C80  }
0xce: {  	[hbm4b:s8+s2] =	stream.indirect_vreg.scatter [tilespmem:s13], [sflag:$0x2], $0x80, v3, vm1, $0xb8;
	[tilespmem:$0xA080] =	vst v63  }
0xcf: {  	_ =	swait.ge [sflag:s16], $0x5000  }
0xd0: {  	[sflag:s16] =	ssyncset.done $0x0  }
0xd1: {  	s13 =	rddreg [dreg:$0x8];
	[sflag:s16] =	ssyncadd.s32 $0xFFFFB000  }
0xd2: {  	[tilespmem:s2], [sflag:$0x3] =	stream.linear.gather [hbm4b:s13+s2], $0x20, $0x38;
	[tilespmem:$0xA080] =	vst v63  }
0xd3: {  	_ =	swait.ge [sflag:s10], $0x20  }
0xd4: {  	[sflag:s10] =	ssyncset.done $0x0  }
0xd5: {  	s13 =	rddreg [dreg:$0x9];
	[sflag:s10] =	ssyncadd.s32 $0xFFFFFFE0  }
0xd6: {  	[tilespmem:s15], [sflag:$0x3] =	stream.linear.gather [hbm4b:s13+s2], $0x5000, $0x38;
	[tilespmem:$0xA080] =	vst v63  }
0xd7: {  	_ =	swait.ge [sflag:s10], $0x5000  }
0xd8: {  	[sflag:s10] =	ssyncset.done $0x0  }
0xd9: {  	s13 =	rddreg [dreg:$0xa];
	[sflag:s10] =	ssyncadd.s32 $0xFFFFB000  }
0xda: {  	[tilespmem:s12], [sflag:$0x3] =	stream.linear.gather [hbm4b:s13+s2], $0x5000, $0x38;
	[tilespmem:$0xA080] =	vst v63  }
0xdb: {  	_ =	swait.ge [sflag:s10], $0x5000  }
0xdc: {  	[sflag:s10] =	ssyncset.done $0x0  }
0xdd: {  	[sflag:s10] =	ssyncadd.s32 $0xFFFFB000  }
0xde: {  	v3 =	vld [tilespmem:$0x0];
	_ =	sdelay $0x4  }
0xdf: {  	v56 =	vshrl.u32 v3, $0x3  }
0xe0: {  	v4 =	vmul.u32 $0x28, v56  }
0xe1: {  	v3 =	vand.u32 $0x7, v3  }
0xe2: {  	v3 =	vor.u32 v3, v4  }
0xe3: {  	v4 =	vperm.xlane v3, v0;
	_ =	sdelay $0x1  }
0xe4: {  	v4 =	vadd.s32 v1, v4;
	_ =	sdelay $0x3  }
0xe5: {  	v3 =	vperm.xlane v3, v2  }
0xe6: {  	[hbm4b:s3+s2] =	stream.indirect_vreg.scatter [tilespmem:s15], [sflag:$0x1], $0x80, v4, vm0, $0xb8;
	[tilespmem:$0xA080] =	vst v63  }
0xe7: {  	s20 =	simm.s32 $0x880;
	v3 =	vadd.s32 v1, v3  }
0xe8: {  	[hbm4b:s5+s2] =	stream.indirect_vreg.scatter [tilespmem:s20], [sflag:$0x1], $0x80, v4, vm0, $0xb8;
	[tilespmem:$0xA080] =	vst v63  }
0xe9: {  	s25 =	simm.s32 $0x1080  }
0xea: {  	[hbm4b:s6+s2] =	stream.indirect_vreg.scatter [tilespmem:s25], [sflag:$0x1], $0x80, v4, vm1, $0xb8;
	[tilespmem:$0xA080] =	vst v63  }
0xeb: {  	_ = 	snop  }
0xec: {  	[hbm4b:s3+s2] =	stream.indirect_vreg.scatter [tilespmem:s19], [sflag:$0x1], $0x80, v3, vm0, $0xb8;
	[tilespmem:$0xA080] =	vst v63  }
0xed: {  	_ = 	snop  }
0xee: {  	[hbm4b:s5+s2] =	stream.indirect_vreg.scatter [tilespmem:s21], [sflag:$0x1], $0x80, v3, vm0, $0xb8;
	[tilespmem:$0xA080] =	vst v63  }
0xef: {  	_ = 	snop  }
0xf0: {  	[hbm4b:s6+s2] =	stream.indirect_vreg.scatter [tilespmem:s23], [sflag:$0x1], $0x80, v3, vm1, $0xb8;
	[tilespmem:$0xA080] =	vst v63  }
0xf1: {  	v3 =	vld [tilespmem:$0x10];
	_ =	sdelay $0x4  }
0xf2: {  	v57 =	vshrl.u32 v3, $0x3  }
0xf3: {  	v4 =	vmul.u32 $0x28, v57  }
0xf4: {  	v3 =	vand.u32 $0x7, v3  }
0xf5: {  	v3 =	vor.u32 v3, v4  }
0xf6: {  	v4 =	vperm.xlane v3, v0;
	_ =	sdelay $0x1  }
0xf7: {  	v4 =	vadd.s32 v1, v4;
	_ =	sdelay $0x3  }
0xf8: {  	s23 =	simm.s32 $0x2880;
	v3 =	vperm.xlane v3, v2  }
0xf9: {  	[hbm4b:s3+s2] =	stream.indirect_vreg.scatter [tilespmem:s23], [sflag:$0x1], $0x80, v4, vm0, $0xb8;
	[tilespmem:$0xA080] =	vst v63  }
0xfa: {  	s25 =	simm.s32 $0x3080;
	v3 =	vadd.s32 v1, v3  }
0xfb: {  	[hbm4b:s5+s2] =	stream.indirect_vreg.scatter [tilespmem:s25], [sflag:$0x1], $0x80, v4, vm0, $0xb8;
	[tilespmem:$0xA080] =	vst v63  }
0xfc: {  	_ = 	snop  }
0xfd: {  	[hbm4b:s6+s2] =	stream.indirect_vreg.scatter [tilespmem:s26], [sflag:$0x1], $0x80, v4, vm1, $0xb8;
	[tilespmem:$0xA080] =	vst v63  }
0xfe: {  	_ = 	snop  }
0xff: {  	[hbm4b:s3+s2] =	stream.indirect_vreg.scatter [tilespmem:s28], [sflag:$0x1], $0x80, v3, vm0, $0xb8;
	[tilespmem:$0xA080] =	vst v63  }
0x100: {  	_ = 	snop  }
0x101: {  	[hbm4b:s5+s2] =	stream.indirect_vreg.scatter [tilespmem:s29], [sflag:$0x1], $0x80, v3, vm0, $0xb8;
	[tilespmem:$0xA080] =	vst v63  }
0x102: {  	_ = 	snop  }
0x103: {  	[hbm4b:s6+s2] =	stream.indirect_vreg.scatter [tilespmem:s30], [sflag:$0x1], $0x80, v3, vm1, $0xb8;
	[tilespmem:$0xA080] =	vst v63  }
0x104: {  	_ =	swait.ge [sflag:s24], $0x5000  }
0x105: {  	[sflag:s24] =	ssyncset.done $0x0  }
0x106: {  	[sflag:s24] =	ssyncadd.s32 $0xFFFFB000  }
0x107: {  	v3 =	vld [tilespmem:$0x0];
	_ =	sdelay $0x4  }
0x108: {  	v58 =	vshrl.u32 v3, $0x3  }
0x109: {  	v4 =	vmul.u32 $0x28, v58  }
0x10a: {  	v3 =	vand.u32 $0x7, v3  }
0x10b: {  	v3 =	vor.u32 v3, v4  }
0x10c: {  	v4 =	vperm.xlane v3, v0;
	_ =	sdelay $0x1  }
0x10d: {  	v4 =	vadd.s32 v1, v4;
	_ =	sdelay $0x3  }
0x10e: {  	v3 =	vperm.xlane v3, v2  }
0x10f: {  	[hbm4b:s4+s2] =	stream.indirect_vreg.scatter [tilespmem:s12], [sflag:$0x2], $0x80, v4, vm0, $0xb8;
	[tilespmem:$0xA080] =	vst v63  }
0x110: {  	v3 =	vadd.s32 v1, v3  }
0x111: {  	[hbm4b:s7+s2] =	stream.indirect_vreg.scatter [tilespmem:s31], [sflag:$0x2], $0x80, v4, vm0, $0xb8;
	[tilespmem:$0xA080] =	vst v63  }
0x112: {  	_ = 	snop  }
0x113: {  	[hbm4b:s8+s2] =	stream.indirect_vreg.scatter [tilespmem:s0], [sflag:$0x2], $0x80, v4, vm1, $0xb8;
	[tilespmem:$0xA080] =	vst v63  }
0x114: {  	_ = 	snop  }
0x115: {  	[hbm4b:s4+s2] =	stream.indirect_vreg.scatter [tilespmem:s1], [sflag:$0x2], $0x80, v3, vm0, $0xb8;
	[tilespmem:$0xA080] =	vst v63  }
0x116: {  	_ = 	snop  }
0x117: {  	[hbm4b:s7+s2] =	stream.indirect_vreg.scatter [tilespmem:s11], [sflag:$0x2], $0x80, v3, vm0, $0xb8;
	[tilespmem:$0xA080] =	vst v63  }
0x118: {  	_ = 	snop  }
0x119: {  	[hbm4b:s8+s2] =	stream.indirect_vreg.scatter [tilespmem:s22], [sflag:$0x2], $0x80, v3, vm1, $0xb8;
	[tilespmem:$0xA080] =	vst v63  }
0x11a: {  	v3 =	vld [tilespmem:$0x10];
	_ =	sdelay $0x4  }
0x11b: {  	v59 =	vshrl.u32 v3, $0x3  }
0x11c: {  	v4 =	vmul.u32 $0x28, v59  }
0x11d: {  	v3 =	vand.u32 $0x7, v3  }
0x11e: {  	v3 =	vor.u32 v3, v4  }
0x11f: {  	v4 =	vperm.xlane v3, v0;
	_ =	sdelay $0x1  }
0x120: {  	v4 =	vadd.s32 v1, v4;
	_ =	sdelay $0x3  }
0x121: {  	s31 =	simm.s32 $0x7880;
	v3 =	vperm.xlane v3, v2  }
0x122: {  	[hbm4b:s4+s2] =	stream.indirect_vreg.scatter [tilespmem:s31], [sflag:$0x2], $0x80, v4, vm0, $0xb8;
	[tilespmem:$0xA080] =	vst v63  }
0x123: {  	s14 =	simm.s32 $0x8080;
	v3 =	vadd.s32 v1, v3  }
0x124: {  	[hbm4b:s7+s2] =	stream.indirect_vreg.scatter [tilespmem:s14], [sflag:$0x2], $0x80, v4, vm0, $0xb8;
	[tilespmem:$0xA080] =	vst v63  }
0x125: {  	s18 =	simm.s32 $0x8880  }
0x126: {  	[hbm4b:s8+s2] =	stream.indirect_vreg.scatter [tilespmem:s18], [sflag:$0x2], $0x80, v4, vm1, $0xb8;
	[tilespmem:$0xA080] =	vst v63  }
0x127: {  	s18 =	simm.s32 $0x8C80  }
0x128: {  	[hbm4b:s4+s2] =	stream.indirect_vreg.scatter [tilespmem:s18], [sflag:$0x2], $0x80, v3, vm0, $0xb8;
	[tilespmem:$0xA080] =	vst v63  }
0x129: {  	s30 =	simm.s32 $0x9480  }
0x12a: {  	[hbm4b:s7+s2] =	stream.indirect_vreg.scatter [tilespmem:s30], [sflag:$0x2], $0x80, v3, vm0, $0xb8;
	[tilespmem:$0xA080] =	vst v63  }
0x12b: {  	s31 =	simm.s32 $0x9C80  }
0x12c: {  	[hbm4b:s8+s2] =	stream.indirect_vreg.scatter [tilespmem:s31], [sflag:$0x2], $0x80, v3, vm1, $0xb8;
	[tilespmem:$0xA080] =	vst v63  }
0x12d: {  	_ =	swait.ge [sflag:s16], $0x5000  }
0x12e: {  	[sflag:s16] =	ssyncset.done $0x0  }
0x12f: {  	s17 =	rddreg [dreg:$0xb];
	[sflag:s16] =	ssyncadd.s32 $0xFFFFB000  }
0x130: {  	[tilespmem:s2], [sflag:$0x3] =	stream.linear.gather [hbm4b:s17+s2], $0x20, $0x38;
	[tilespmem:$0xA080] =	vst v63  }
0x131: {  	_ =	swait.ge [sflag:s10], $0x20  }
0x132: {  	[sflag:s10] =	ssyncset.done $0x0  }
0x133: {  	s17 =	rddreg [dreg:$0xc];
	[sflag:s10] =	ssyncadd.s32 $0xFFFFFFE0  }
0x134: {  	[tilespmem:s15], [sflag:$0x3] =	stream.linear.gather [hbm4b:s17+s2], $0x5000, $0x38;
	[tilespmem:$0xA080] =	vst v63  }
0x135: {  	_ =	swait.ge [sflag:s10], $0x5000  }
0x136: {  	[sflag:s10] =	ssyncset.done $0x0  }
0x137: {  	s17 =	rddreg [dreg:$0xd];
	[sflag:s10] =	ssyncadd.s32 $0xFFFFB000  }
0x138: {  	[tilespmem:s12], [sflag:$0x3] =	stream.linear.gather [hbm4b:s17+s2], $0x5000, $0x38;
	[tilespmem:$0xA080] =	vst v63  }
0x139: {  	_ =	swait.ge [sflag:s10], $0x5000  }
0x13a: {  	[sflag:s10] =	ssyncset.done $0x0  }
0x13b: {  	[sflag:s10] =	ssyncadd.s32 $0xFFFFB000  }
0x13c: {  	v3 =	vld [tilespmem:$0x0];
	_ =	sdelay $0x4  }
0x13d: {  	v60 =	vshrl.u32 v3, $0x3  }
0x13e: {  	v4 =	vmul.u32 $0x28, v60  }
0x13f: {  	v3 =	vand.u32 $0x7, v3  }
0x140: {  	v3 =	vor.u32 v3, v4  }
0x141: {  	v4 =	vperm.xlane v3, v0;
	_ =	sdelay $0x1  }
0x142: {  	v4 =	vadd.s32 v1, v4;
	_ =	sdelay $0x3  }
0x143: {  	v3 =	vperm.xlane v3, v2  }
0x144: {  	[hbm4b:s3+s2] =	stream.indirect_vreg.scatter [tilespmem:s15], [sflag:$0x1], $0x80, v4, vm0, $0xb8;
	[tilespmem:$0xA080] =	vst v63  }
0x145: {  	s17 =	simm.s32 $0x880;
	v3 =	vadd.s32 v1, v3  }
0x146: {  	[hbm4b:s5+s2] =	stream.indirect_vreg.scatter [tilespmem:s17], [sflag:$0x1], $0x80, v4, vm0, $0xb8;
	[tilespmem:$0xA080] =	vst v63  }
0x147: {  	s17 =	simm.s32 $0x1080  }
0x148: {  	[hbm4b:s6+s2] =	stream.indirect_vreg.scatter [tilespmem:s17], [sflag:$0x1], $0x80, v4, vm1, $0xb8;
	[tilespmem:$0xA080] =	vst v63  }
0x149: {  	s13 =	simm.s32 $0x1480  }
0x14a: {  	[hbm4b:s3+s2] =	stream.indirect_vreg.scatter [tilespmem:s13], [sflag:$0x1], $0x80, v3, vm0, $0xb8;
	[tilespmem:$0xA080] =	vst v63  }
0x14b: {  	s19 =	simm.s32 $0x1C80  }
0x14c: {  	[hbm4b:s5+s2] =	stream.indirect_vreg.scatter [tilespmem:s19], [sflag:$0x1], $0x80, v3, vm0, $0xb8;
	[tilespmem:$0xA080] =	vst v63  }
0x14d: {  	s21 =	simm.s32 $0x2480  }
0x14e: {  	[hbm4b:s6+s2] =	stream.indirect_vreg.scatter [tilespmem:s21], [sflag:$0x1], $0x80, v3, vm1, $0xb8;
	[tilespmem:$0xA080] =	vst v63  }
0x14f: {  	v3 =	vld [tilespmem:$0x10];
	_ =	sdelay $0x4  }
0x150: {  	v61 =	vshrl.u32 v3, $0x3  }
0x151: {  	v4 =	vmul.u32 $0x28, v61  }
0x152: {  	v3 =	vand.u32 $0x7, v3  }
0x153: {  	v3 =	vor.u32 v3, v4  }
0x154: {  	v4 =	vperm.xlane v3, v0;
	_ =	sdelay $0x1  }
0x155: {  	v4 =	vadd.s32 v1, v4;
	_ =	sdelay $0x3  }
0x156: {  	s19 =	simm.s32 $0x2880;
	v3 =	vperm.xlane v3, v2  }
0x157: {  	[hbm4b:s3+s2] =	stream.indirect_vreg.scatter [tilespmem:s19], [sflag:$0x1], $0x80, v4, vm0, $0xb8;
	[tilespmem:$0xA080] =	vst v63  }
0x158: {  	s21 =	simm.s32 $0x3080;
	v3 =	vadd.s32 v1, v3  }
0x159: {  	[hbm4b:s5+s2] =	stream.indirect_vreg.scatter [tilespmem:s21], [sflag:$0x1], $0x80, v4, vm0, $0xb8;
	[tilespmem:$0xA080] =	vst v63  }
0x15a: {  	s23 =	simm.s32 $0x3880  }
0x15b: {  	[hbm4b:s6+s2] =	stream.indirect_vreg.scatter [tilespmem:s23], [sflag:$0x1], $0x80, v4, vm1, $0xb8;
	[tilespmem:$0xA080] =	vst v63  }
0x15c: {  	s25 =	simm.s32 $0x3C80  }
0x15d: {  	[hbm4b:s3+s2] =	stream.indirect_vreg.scatter [tilespmem:s25], [sflag:$0x1], $0x80, v3, vm0, $0xb8;
	[tilespmem:$0xA080] =	vst v63  }
0x15e: {  	s26 =	simm.s32 $0x4480  }
0x15f: {  	[hbm4b:s5+s2] =	stream.indirect_vreg.scatter [tilespmem:s26], [sflag:$0x1], $0x80, v3, vm0, $0xb8;
	[tilespmem:$0xA080] =	vst v63  }
0x160: {  	s28 =	simm.s32 $0x4C80  }
0x161: {  	[hbm4b:s6+s2] =	stream.indirect_vreg.scatter [tilespmem:s28], [sflag:$0x1], $0x80, v3, vm1, $0xb8;
	[tilespmem:$0xA080] =	vst v63  }
0x162: {  	_ =	swait.ge [sflag:s24], $0x5000  }
0x163: {  	[sflag:s24] =	ssyncset.done $0x0  }
0x164: {  	[sflag:s24] =	ssyncadd.s32 $0xFFFFB000  }
0x165: {  	v3 =	vld [tilespmem:$0x0];
	_ =	sdelay $0x4  }
0x166: {  	v62 =	vshrl.u32 v3, $0x3  }
0x167: {  	v4 =	vmul.u32 $0x28, v62  }
0x168: {  	v3 =	vand.u32 $0x7, v3  }
0x169: {  	v3 =	vor.u32 v3, v4  }
0x16a: {  	v4 =	vperm.xlane v3, v0;
	_ =	sdelay $0x1  }
0x16b: {  	v4 =	vadd.s32 v1, v4;
	_ =	sdelay $0x3  }
0x16c: {  	v3 =	vperm.xlane v3, v2  }
0x16d: {  	[hbm4b:s4+s2] =	stream.indirect_vreg.scatter [tilespmem:s12], [sflag:$0x2], $0x80, v4, vm0, $0xb8;
	[tilespmem:$0xA080] =	vst v63  }
0x16e: {  	s29 =	simm.s32 $0x5880;
	v3 =	vadd.s32 v1, v3  }
0x16f: {  	[hbm4b:s7+s2] =	stream.indirect_vreg.scatter [tilespmem:s29], [sflag:$0x2], $0x80, v4, vm0, $0xb8;
	[tilespmem:$0xA080] =	vst v63  }
0x170: {  	s0 =	simm.s32 $0x6080  }
0x171: {  	[hbm4b:s8+s2] =	stream.indirect_vreg.scatter [tilespmem:s0], [sflag:$0x2], $0x80, v4, vm1, $0xb8;
	[tilespmem:$0xA080] =	vst v63  }
0x172: {  	s1 =	simm.s32 $0x6480  }
0x173: {  	[hbm4b:s4+s2] =	stream.indirect_vreg.scatter [tilespmem:s1], [sflag:$0x2], $0x80, v3, vm0, $0xb8;
	[tilespmem:$0xA080] =	vst v63  }
0x174: {  	s11 =	simm.s32 $0x6C80  }
0x175: {  	[hbm4b:s7+s2] =	stream.indirect_vreg.scatter [tilespmem:s11], [sflag:$0x2], $0x80, v3, vm0, $0xb8;
	[tilespmem:$0xA080] =	vst v63  }
0x176: {  	s20 =	simm.s32 $0x7480  }
0x177: {  	[hbm4b:s8+s2] =	stream.indirect_vreg.scatter [tilespmem:s20], [sflag:$0x2], $0x80, v3, vm1, $0xb8;
	[tilespmem:$0xA080] =	vst v63  }
0x178: {  	v3 =	vld [tilespmem:$0x10];
	_ =	sdelay $0x4  }
0x179: {  	v63 =	vshrl.u32 v3, $0x3  }
0x17a: {  	v4 =	vmul.u32 $0x28, v63  }
0x17b: {  	v3 =	vand.u32 $0x7, v3  }
0x17c: {  	v3 =	vor.u32 v3, v4  }
0x17d: {  	v4 =	vperm.xlane v3, v0;
	_ =	sdelay $0x1  }
0x17e: {  	v4 =	vadd.s32 v1, v4;
	_ =	sdelay $0x3  }
0x17f: {  	s29 =	simm.s32 $0x7880;
	v3 =	vperm.xlane v3, v2  }
0x180: {  	[hbm4b:s4+s2] =	stream.indirect_vreg.scatter [tilespmem:s29], [sflag:$0x2], $0x80, v4, vm0, $0xb8;
	[tilespmem:$0xA080] =	vst v63  }
0x181: {  	s22 =	simm.s32 $0x8080;
	v3 =	vadd.s32 v1, v3  }
0x182: {  	[hbm4b:s7+s2] =	stream.indirect_vreg.scatter [tilespmem:s22], [sflag:$0x2], $0x80, v4, vm0, $0xb8;
	[tilespmem:$0xA080] =	vst v63  }
0x183: {  	s14 =	simm.s32 $0x8880  }
0x184: {  	[hbm4b:s8+s2] =	stream.indirect_vreg.scatter [tilespmem:s14], [sflag:$0x2], $0x80, v4, vm1, $0xb8;
	[tilespmem:$0xA080] =	vst v63  }
0x185: {  	s18 =	simm.s32 $0x8C80  }
0x186: {  	[hbm4b:s4+s2] =	stream.indirect_vreg.scatter [tilespmem:s18], [sflag:$0x2], $0x80, v3, vm0, $0xb8;
	[tilespmem:$0xA080] =	vst v63  }
0x187: {  	p0 =	sne.s32 s9, $0x1;
	s30 =	simm.s32 $0x9480  }
0x188: {  	[hbm4b:s7+s2] =	stream.indirect_vreg.scatter [tilespmem:s30], [sflag:$0x2], $0x80, v3, vm0, $0xb8;
	[tilespmem:$0xA080] =	vst v63  }
.Ltmp0:
0x189: {  	s31 =	simm.s32 $0x9C80;
	(pc) =	sbr.rel @p0 .LBB2_1-.Ltmp0, $4  }
0x18a: {  	[hbm4b:s8+s2] =	stream.indirect_vreg.scatter [tilespmem:s31], [sflag:$0x2], $0x80, v3, vm1, $0xb8;
	[tilespmem:$0xA080] =	vst v63  }
0x18b: {  	_ =	swait.ge [sflag:s16], $0x5000  }
0x18c: {  	[sflag:s16] =	ssyncset.done $0x0  }
0x18d: {  	s9 =	sadd.s32 $0xFFFFFFFF, s9;
	[sflag:s16] =	ssyncadd.s32 $0xFFFFB000  }
0x18e: {  	_ =	sfence.sel $0x180000  }
0x18f: {  	[bflag:$0x0] =	sbarrier.arrive $0xFFFF  }
0x190: {  	_ =	strace $0x90000047  }
0x191: {  	s0 =	stileid.u32;
	[bflag:$0x2] =	sbarrier.arrive $0xFFFF  }
0x192: {  	p0 =	sne.s32 s0, $0x0;
	s0 =	rddreg [dreg:$0x1]  }
0x193: {  	s0 =	sadd.s32 @!p0 $0x100000, s0  }
0x194: {  	[sflag:s0] =	ssyncadd.tile.s32 @!p0 $0x1;
	_ =	shalt  }
.Lfunc_end2:
_tile_overlayer_lowered:
.L_overlay_start_2:
0x195: {  	(tag) =	ssettag $0x2  }
0x196: {  	s0 =	rddreg [dreg:$0x0];
	s2 =	stileid.u32  }
0x197: {  	s1 =	rddreg [dreg:$0x1];
	p0 =	sne.s32 s2, $0x0  }
0x198: {  	s3 =	rddreg [dreg:$0x2];
	[bflag:$0x3] =	sbarrier.arrive $0xFFFF;
	s2 =	simm.s32 @!p0 $0x1C03  }
0x199: {  	[timem:s3], [sflag:s2] =	dma.local @!p0 [hbm:s0], s1  }
0x19a: {  	s0 =	simm.s32 @!p0 $0x3  }
0x19b: {  	_ =	swait.ge @!p0 [sflag:s0], s1  }
0x19c: {  	s1 =	ssub.s32 @!p0 $0x0, s1;
	[sflag:s0] =	ssyncset.done @!p0 $0x0  }
0x19d: {  	[sflag:s0] =	ssyncadd.s32 @!p0 s1  }
0x19e: {  	[bflag:$0x3] =	sbarrier.arrive $0xFFFF  }
0x19f: {  	_ =	shalt  }

// kernel: kernel.15.cloned.1.call-start
scs
__scs_entry_jumppad:
0x0: {  	(pc) =	sbr.rel $0x88, $3  }
0x1: {  	(tag) =	ssettag $0x0;
	lr =	simm.s32 $0x1  }
0x2: {  	[smem:$0x3F96] =	sst lr;
	_ =	strace $0xD0000000  }
0x3: {  	_ = 	snop  }
0x4: {  	_ = 	snop  }
0x5: {  	_ = 	snop  }
0x6: {  	_ = 	snop  }
0x7: {  	_ = 	snop  }
__scs_overlays_trampoline_lowered:
0x8: {  	[smem:$0x3FA5] =	sst s0  }
0x9: {  	[smem:$0x3FA6] =	sst s1  }
0xa: {  	[smem:$0x3FA7] =	sst s2  }
0xb: {  	[smem:$0x3FA8] =	sst s3  }
0xc: {  	[smem:$0x3FA9] =	sst s4  }
0xd: {  	[smem:$0x3FAA] =	sst s5  }
0xe: {  	[smem:$0x3FAB] =	sst s6  }
0xf: {  	[smem:$0x3FAC] =	sst s7  }
0x10: {  	[smem:$0x3FAD] =	sst s8  }
0x11: {  	[smem:$0x3FAE] =	sst s9;
	s0 =	simm.s32 @!p0 $0x0  }
0x12: {  	s1 =	sld [smem:$0x3F94];
	s0 =	simm.s32 @p0 $0x1  }
0x13: {  	[smem:$0x3FAF] =	sst s0;
	s0 =	simm.s32 @!p1 $0x0  }
0x14: {  	s2 =	sld [smem:$0x3F93];
	s0 =	simm.s32 @p1 $0x1  }
0x15: {  	[smem:$0x3FB0] =	sst s0;
	s0 =	simm.s32 @!p2 $0x0  }
0x16: {  	s3 =	sld [smem:$0x3FDB];
	s0 =	simm.s32 @p2 $0x1  }
0x17: {  	s4 =	simm.s32 $0x1BF5;
	[smem:$0x3FB2] =	sst s0  }
0x18: {  	s0 =	sld [smem:$0x3F95];
	_ =	swait.ge [sflag:s4], $0x0  }
0x19: {  	s7 =	sld [smem:$0x3F96]  }
0x1a: {  	s8 =	sadd.s32 $0xFFFFE003, lr  }
0x1b: {  	s9 =	sadd.s32 $0xFFFFFEF7, lr;
	s5 =	simm.s32 $0xFFFFFFFF;
	p2 =	slt.u32 s8, $0xFFFFF086  }
0x1c: {  	p1 =	slt.u32 s9, $0xF7A;
	s5 =	simm.s32 @!p2 $0x0  }
0x1d: {  	s5 =	simm.s32 @p1 $0x1;
	p0 =	seq.s32 s7, s2  }
0x1e: {  	s7 =	smul.u32 @!p0 $0xF7A, s2;
	p2 =	seq.s32 @!p0 s5, $0x0  }
0x1f: {  	s9 =	smul.u32 $0xF7A, s1;
	s8 =	simm.s32 @!p0 $0x1BF5;
	p2 =	por !p2, p0  }
0x20: {  	[sflag:s8] =	ssyncset.s32 @!p0 $0xFFFFF086;
	s6 =	sadd.s32 @!p0 s3, s7;
	s7 =	simm.s32 @!p0 $0x108  }
0x21: {  	s3 =	sadd.s32 s3, s9;
	s6 =	sadd.s32 @!p0 $0x88, s6;
	s7 =	simm.s32 @p2 $0x1082  }
0x22: {  	[simem:s7], [sflag:s8] =	dma.local @!p0 [hbm:s6], $0xF7A  }
0x23: {  	s9 =	sor.u32 $0xD0000000, s2;
	s6 =	simm.s32 $0x108;
	_ =	swait.ge @!p0 [sflag:s8], $0x0  }
0x24: {  	s3 =	sadd.s32 $0x88, s3;
	s6 =	simm.s32 @!p1 $0x1082;
	[sflag:s4] =	ssyncset.s32 $0xFFFFF086  }
0x25: {  	[simem:s6], [sflag:s4] =	dma.local [hbm:s3], $0xF7A  }
0x26: {  	[smem:$0x3F96] =	sst s1;
	(tag) =	ssettag s2;
	_ =	strace s9  }
0x27: {  	s1 =	sld [smem:$0x3FA6]  }
0x28: {  	s2 =	sld [smem:$0x3FA7]  }
0x29: {  	s4 =	sld [smem:$0x3FA9]  }
0x2a: {  	p0 =	seq.s32 s5, $0x0;
	s5 =	sld [smem:$0x3FAA]  }
0x2b: {  	s6 =	sld [smem:$0x3FAB]  }
0x2c: {  	s7 =	sld [smem:$0x3FAC]  }
0x2d: {  	s3 =	simm.s32 $0x108;
	s8 =	sld [smem:$0x3FAD]  }
0x2e: {  	s3 =	simm.s32 @!p0 $0x1082;
	s9 =	sld [smem:$0x3FAE]  }
0x2f: {  	lr =	sadd.s32 s0, s3;
	s0 =	sld [smem:$0x3FA5]  }
0x30: {  	s3 =	sld [smem:$0x3FA8]  }
0x31: {  	[smem:$0x3FB1] =	sst s10  }
0x32: {  	s10 =	sld [smem:$0x3FAF];
	_ =	sdelay $0x3  }
0x33: {  	p0 =	seq.s32 s10, $0x1;
	s10 =	sld [smem:$0x3FB1];
	_ =	sdelay $0x3  }
0x34: {  	[smem:$0x3FB1] =	sst s10  }
0x35: {  	s10 =	sld [smem:$0x3FB0];
	_ =	sdelay $0x3  }
0x36: {  	p1 =	seq.s32 s10, $0x1;
	s10 =	sld [smem:$0x3FB1];
	_ =	sdelay $0x3  }
0x37: {  	[smem:$0x3FB1] =	sst s10  }
0x38: {  	s10 =	sld [smem:$0x3FB2]  }
0x39: {  	_ = 	snop;
	(pc) =	sbr.ind lr, $3  }
0x3a: {  	_ = 	snop  }
0x3b: {  	_ = 	snop  }
0x3c: {  	p2 =	seq.s32 s10, $0x1;
	s10 =	sld [smem:$0x3FB1]  }
0x3d: {  	_ =	shalt  }
0x3e: {  	_ =	shalt  }
0x3f: {  	_ =	shalt  }
0x40: {  	_ =	shalt  }
0x41: {  	_ =	shalt  }
0x42: {  	_ =	shalt  }
0x43: {  	_ =	shalt  }
0x44: {  	_ =	shalt  }
0x45: {  	_ =	shalt  }
0x46: {  	_ =	shalt  }
0x47: {  	_ =	shalt  }
0x48: {  	_ =	shalt  }
0x49: {  	_ =	shalt  }
0x4a: {  	_ =	shalt  }
0x4b: {  	_ =	shalt  }
0x4c: {  	_ =	shalt  }
0x4d: {  	_ =	shalt  }
0x4e: {  	_ =	shalt  }
0x4f: {  	_ =	shalt  }
0x50: {  	_ =	shalt  }
0x51: {  	_ =	shalt  }
0x52: {  	_ =	shalt  }
0x53: {  	_ =	shalt  }
0x54: {  	_ =	shalt  }
0x55: {  	_ =	shalt  }
0x56: {  	_ =	shalt  }
0x57: {  	_ =	shalt  }
0x58: {  	_ =	shalt  }
0x59: {  	_ =	shalt  }
0x5a: {  	_ =	shalt  }
0x5b: {  	_ =	shalt  }
0x5c: {  	_ =	shalt  }
0x5d: {  	_ =	shalt  }
0x5e: {  	_ =	shalt  }
0x5f: {  	_ =	shalt  }
0x60: {  	_ =	shalt  }
0x61: {  	_ =	shalt  }
0x62: {  	_ =	shalt  }
0x63: {  	_ =	shalt  }
0x64: {  	_ =	shalt  }
0x65: {  	_ =	shalt  }
0x66: {  	_ =	shalt  }
0x67: {  	_ =	shalt  }
0x68: {  	_ =	shalt  }
0x69: {  	_ =	shalt  }
0x6a: {  	_ =	shalt  }
0x6b: {  	_ =	shalt  }
0x6c: {  	_ =	shalt  }
0x6d: {  	_ =	shalt  }
0x6e: {  	_ =	shalt  }
0x6f: {  	_ =	shalt  }
0x70: {  	_ =	shalt  }
0x71: {  	_ =	shalt  }
0x72: {  	_ =	shalt  }
0x73: {  	_ =	shalt  }
0x74: {  	_ =	shalt  }
0x75: {  	_ =	shalt  }
0x76: {  	_ =	shalt  }
0x77: {  	_ =	shalt  }
0x78: {  	_ =	shalt  }
0x79: {  	_ =	shalt  }
0x7a: {  	_ =	shalt  }
0x7b: {  	_ =	shalt  }
0x7c: {  	_ =	shalt  }
0x7d: {  	_ =	shalt  }
0x7e: {  	_ =	shalt  }
0x7f: {  	_ =	shalt  }
0x80: {  	_ =	shalt  }
0x81: {  	_ =	shalt  }
0x82: {  	_ =	shalt  }
0x83: {  	_ =	shalt  }
0x84: {  	_ =	shalt  }
0x85: {  	_ =	shalt  }
0x86: {  	_ =	shalt  }
0x87: {  	_ =	shalt  }
.Lfunc_end0:
.L_simem_size_0:
called_computation.1_lowered:
.L_overlay_start_0:
0x88: {  	s2 =	sld [smem:$0x3FD9]  }
0x89: {  	s3 =	sld [smem:$0x3FFE];
	_ =	sdelay $0x1  }
0x8a: {  	s1 =	srdreg.scid  }
0x8b: {  	s0 =	sand.u32 $0x1, s1  }
0x8c: {  	s17 =	sshll.u32 s0, $0xA;
	s2 =	sadd.s32 s3, s2  }
0x8d: {  	s2 =	sadd.s32 s2, s17  }
0x8e: {  	[smem:$0x3FBD] =	sst s2  }
0x8f: {  	_ = 	snop  }
0x90: {  	s2 =	sld [smem:$0x3FD0];
	(tm) =	ssettm $0x1  }
0x91: {  	s18 =	sld [smem:$0x3FFB];
	_ =	sdelay $0x3  }
0x92: {  	_ =	strace s18  }
0x93: {  	s3 =	sld [smem:$0x3FFC];
	_ =	sdelay $0x3  }
0x94: {  	_ =	strace s3  }
0x95: {  	s3 =	sld [smem:$0x3FFD];
	_ =	sdelay $0x3  }
0x96: {  	_ =	strace s3  }
0x97: {  	_ =	strace $0x8FFFFFFF  }
0x98: {  	s19 =	sld [smem:$0x3FDB];
	_ =	sdelay $0x1  }
0x99: {  	s4 =	simm.s32 $_scs_section_size  }
0x9a: {  	s5 =	simm.s32 $_size__tile_overlayer_lowered;
	s6 =	simm.s32 $_tile_overlayer_lowered  }
0x9b: {  	s22 =	simm.s32 $0x1BFF;
	s21 =	sshll.u32 s6, $0x1;
	s3 =	sadd.s32 s4, s19  }
0x9c: {  	s7 =	simm.s32 $0x0;
	s20 =	sshll.u32 s5, $0x1;
	s5 =	sadd.s32 s21, s3  }
0x9d: {  	[timem:s7], [sflag:s22] =	dma.local [hbm:s5], s20  }
0x9e: {  	_ =	swait.ge [sflag:s22], s20  }
0x9f: {  	s4 =	ssub.s32 $0x0, s20;
	[sflag:s22] =	ssyncset.done $0x0  }
0xa0: {  	[sflag:s22] =	ssyncadd.s32 s4;
	_ =	sdelay $0x1  }
0xa1: {  	s23 =	simm.s32 $0x1B8B  }
0xa2: {  	_ =	swait.ge [sflag:s23], $0x1  }
0xa3: {  	[sflag:s23] =	ssyncset.done $0x0  }
0xa4: {  	s25 =	simm.s32 $0x1B8E;
	s24 =	sld [smem:$0x3FFE];
	[sflag:s23] =	ssyncadd.s32 $0xFFFFFFFF  }
0xa5: {  	s26 =	simm.s32 $execute0_lowered;
	[smem:$0x3FD2] =	sst s25  }
0xa6: {  	s5 =	sshll.u32 s26, $0x1;
	_ =	strace $0x80000049;
	[dreg:$0x1] =	wrdreg $0xFFFFFFFF  }
0xa7: {  	s28 =	simm.s32 $_size_execute0_lowered;
	s3 =	sadd.s32 s3, s5;
	[dreg:$0x0] =	wrdreg $0x0  }
0xa8: {  	s5 =	sshll.u32 s28, $0x1;
	[dreg:$0x2] =	wrdreg s3  }
0xa9: {  	[dreg:$0x3] =	wrdreg s5  }
0xaa: {  	[dreg:$0x4] =	wrdreg $0xC0  }
0xab: {  	_ =	task [dreg:s7], $0x5FFFF  }
0xac: {  	[dreg:$0x1] =	wrdreg $0xFFFFFFFF  }
0xad: {  	[dreg:$0x0] =	wrdreg $0x60  }
0xae: {  	[dreg:$0x2] =	wrdreg s24  }
0xaf: {  	[dreg:$0x3] =	wrdreg s2  }
0xb0: {  	[dreg:$0x4] =	wrdreg $0x9  }
0xb1: {  	_ =	task.clear_ibuf [dreg:s7], $0x5FFFF;
	_ =	strace $0x90000049  }
0xb2: {  	s29 =	simm.s32 $0x9;
	_ =	strace $0x8000004B  }
0xb3: {  	_ =	swait.ge [sflag:s29], $0x1  }
0xb4: {  	[sflag:s29] =	ssyncadd.s32 $0xFFFFFFFF  }
0xb5: {  	_ =	strace $0x9000004B  }
0xb6: {  	_ =	sfence  }
0xb7: {  	s30 =	sld [smem:$0x0];
	_ =	sdelay $0x2  }
0xb8: {  	s31 =	sshll.u32 s1, $0xD;
	s1 =	sshrl.u32 s1, $0x2  }
0xb9: {  	s3 =	sand.u32 $0x4000, s31;
	s1 =	sadd.s32 s1, s30  }
0xba: {  	s0 =	sor.u32 s3, s0;
	s1 =	sshll.u32 s1, $0x11  }
0xbb: {  	s0 =	sor.u32 s1, s0  }
0xbc: {  	s0 =	sadd.s32 $0x8F2B, s0  }
0xbd: {  	[sflag:s0] =	ssyncadd.remote.s32 $0x1  }
0xbe: {  	_ =	sfence.sel $0xFFFF  }
0xbf: {  	[dreg:$0x0] =	wrdreg $0xFFFFFFFF;
	(pc) =	sbr.abs _section_cstart, $3  }
0xc0: {  	[dreg:$0x1] =	wrdreg $0xFFFFFFFF  }
0xc1: {  	_ =	task.clear_ibuf [dreg:s7], $0x2FFFF;
	_ =	strace $0x9FFFFFFF  }
0xc2: {  	(tm) =	ssettm $0x7FFFFFFF  }
0xc3: {  	_ =	shalt  }
tec
execute0_lowered:
.L_overlay_start_1:
0x0: {  	(tag) =	ssettag $0x1  }
0x1: {  	s0 =	rddreg [dreg:$0x0]  }
0x2: {  	s1 =	rddreg [dreg:$0x1]  }
0x3: {  	s2 =	srdreg.scid;
	s3 =	stileid.u32;
	s28 =	simm.s32 $0x80  }
0x4: {  	s5 =	sand.u32 $0x1, s2;
	s2 =	simm.s32 $0x0;
	s3 =	sshll.u32 s3, $0x5  }
0x5: {  	s7 =	sadd.s32 $0xA1600, s0;
	s8 =	sadd.s32 $0xA1800, s0;
	s4 =	sshll.u32 s5, $0x4  }
0x6: {  	s9 =	sadd.s32 $0xF1800, s0;
	[smem:$0x7FF] =	sst s2;
	s6 =	sor.u32 s4, s3  }
0x7: {  	s5 =	ssub.s32 $0x2, s5;
	_ =	strace $0x8000004A;
	s3 =	smul.u32 $0x280, s6  }
0x8: {  	s4 =	sadd.s32 s1, s6;
	s14 =	sadd.s32 s7, s6;
	s10 =	sor.u32 $0x4, s6  }
0x9: {  	s17 =	sor.u32 $0x8, s6;
	s23 =	sor.u32 $0xC, s6;
	[dreg:$0x3] =	wrdreg s4  }
0xa: {  	s6 =	sadd.s32 $0x1600, s0;
	[dreg:$0x5] =	wrdreg s14;
	s12 =	sadd.s32 s1, s10  }
0xb: {  	s11 =	smul.u32 $0x280, s10;
	s10 =	sadd.s32 s7, s10;
	[dreg:$0x7] =	wrdreg s12  }
0xc: {  	s4 =	sadd.s32 $0x51400, s0;
	s20 =	sadd.s32 s1, s17;
	[dreg:$0x9] =	wrdreg s10  }
0xd: {  	s19 =	smul.u32 $0x280, s17;
	s22 =	sadd.s32 s7, s17;
	[dreg:$0xb] =	wrdreg s20  }
0xe: {  	s25 =	smul.u32 $0x280, s23;
	s1 =	sadd.s32 s1, s23;
	[dreg:$0xd] =	wrdreg s22  }
0xf: {  	s30 =	sadd.s32 s7, s23;
	s7 =	sadd.s32 $0x51500, s0;
	[dreg:$0xf] =	wrdreg s1  }
0x10: {  	s23 =	simm.s32 $0x1;
	s13 =	sadd.s32 s8, s3;
	[dreg:$0x11] =	wrdreg s30  }
0x11: {  	s15 =	sadd.s32 s9, s3;
	s3 =	sadd.s32 $0x1400, s0;
	[dreg:$0x4] =	wrdreg s13  }
0x12: {  	s10 =	simm.s32 $0x3;
	[dreg:$0x6] =	wrdreg s15;
	s16 =	sadd.s32 s8, s11  }
0x13: {  	s18 =	sadd.s32 s9, s11;
	s13 =	sshrl.u32 s5, $0x1;
	[dreg:$0x8] =	wrdreg s16  }
0x14: {  	s21 =	sadd.s32 s8, s19;
	s24 =	sadd.s32 s9, s19;
	[dreg:$0xa] =	wrdreg s18  }
0x15: {  	s29 =	sadd.s32 s8, s25;
	s31 =	sadd.s32 s9, s25;
	[dreg:$0xc] =	wrdreg s21  }
0x16: {  	v2 =	vlaneseq.u32;
	s8 =	sadd.s32 $0x51600, s0;
	s15 =	simm.s32 $0x2;
	[dreg:$0xe] =	wrdreg s24  }
0x17: {  	vm0 =	vmmov $0xffff;
	vm1 =	vmmov $0xff;
	v1 =	vshrl.u32 v2, $0x3;
	s26 =	ssub.s32 s5, s13;
	s5 =	sadd.s32 $0x1500, s0;
	[dreg:$0x10] =	wrdreg s29  }
0x18: {  	v0 =	vand.u32 $0x7, v2;
	v2 =	vor.u32 $0x8, v2;
	v1 =	vmul.u32 $0x8, v1;
	[dreg:$0x12] =	wrdreg s31;
	s24 =	simm.s32 $0x5080;
	s9 =	smax.u32 s26, $0x1  }
.LBB2_1:
0x19: {  	s16 =	rddreg [dreg:$0x3]  }
0x1a: {  	[tilespmem:s2], [sflag:$0x3] =	stream.linear.gather [hbm4b:s16+s2], $0x20, $0x38;
	[tilespmem:$0xA080] =	vst v63  }
0x1b: {  	_ =	swait.ge [sflag:s10], $0x20  }
0x1c: {  	[sflag:s10] =	ssyncset.done $0x0  }
0x1d: {  	[sflag:s10] =	ssyncadd.s32 $0xFFFFFFE0  }
0x1e: {  	v3 =	vld [tilespmem:$0x0];
	_ =	sdelay $0x4  }
0x1f: {  	v4 =	vshrl.u32 v3, $0x3  }
0x20: {  	v4 =	vmul.u32 $0x28, v4  }
0x21: {  	v3 =	vand.u32 $0x7, v3  }
0x22: {  	v3 =	vor.u32 v3, v4  }
0x23: {  	v4 =	vperm.xlane v3, v0;
	_ =	sdelay $0x1  }
0x24: {  	v4 =	vadd.s32 v1, v4;
	_ =	sdelay $0x3  }
0x25: {  	v3 =	vperm.xlane v3, v2  }
0x26: {  	[tilespmem:s28], [sflag:$0x1] =	stream.indirect_vreg.gather [hbm4b:s3+s2], $0x80, v4, vm0, $0xb8;
	[tilespmem:$0xA080] =	vst v63  }
0x27: {  	s0 =	simm.s32 $0x880;
	v3 =	vadd.s32 v1, v3  }
0x28: {  	[tilespmem:s0], [sflag:$0x1] =	stream.indirect_vreg.gather [hbm4b:s5+s2], $0x80, v4, vm0, $0xb8;
	[tilespmem:$0xA080] =	vst v63  }
0x29: {  	s26 =	simm.s32 $0x1080  }
0x2a: {  	[tilespmem:s26], [sflag:$0x1] =	stream.indirect_vreg.gather [hbm4b:s6+s2], $0x80, v4, vm1, $0xb8;
	[tilespmem:$0xA080] =	vst v63  }
0x2b: {  	s29 =	simm.s32 $0x1480  }
0x2c: {  	[tilespmem:s29], [sflag:$0x1] =	stream.indirect_vreg.gather [hbm4b:s3+s2], $0x80, v3, vm0, $0xb8;
	[tilespmem:$0xA080] =	vst v63  }
0x2d: {  	s30 =	simm.s32 $0x1C80  }
0x2e: {  	[tilespmem:s30], [sflag:$0x1] =	stream.indirect_vreg.gather [hbm4b:s5+s2], $0x80, v3, vm0, $0xb8;
	[tilespmem:$0xA080] =	vst v63  }
0x2f: {  	s31 =	simm.s32 $0x2480  }
0x30: {  	[tilespmem:s31], [sflag:$0x1] =	stream.indirect_vreg.gather [hbm4b:s6+s2], $0x80, v3, vm1, $0xb8;
	[tilespmem:$0xA080] =	vst v63  }
0x31: {  	v3 =	vld [tilespmem:$0x10];
	_ =	sdelay $0x4  }
0x32: {  	v49 =	vshrl.u32 v3, $0x3  }
0x33: {  	v4 =	vmul.u32 $0x28, v49  }
0x34: {  	v3 =	vand.u32 $0x7, v3  }
0x35: {  	v3 =	vor.u32 v3, v4  }
0x36: {  	v4 =	vperm.xlane v3, v0;
	_ =	sdelay $0x1  }
0x37: {  	v4 =	vadd.s32 v1, v4;
	_ =	sdelay $0x3  }
0x38: {  	s12 =	simm.s32 $0x2880;
	v3 =	vperm.xlane v3, v2  }
0x39: {  	[tilespmem:s12], [sflag:$0x1] =	stream.indirect_vreg.gather [hbm4b:s3+s2], $0x80, v4, vm0, $0xb8;
	[tilespmem:$0xA080] =	vst v63  }
0x3a: {  	s13 =	simm.s32 $0x3080;
	v3 =	vadd.s32 v1, v3  }
0x3b: {  	[tilespmem:s13], [sflag:$0x1] =	stream.indirect_vreg.gather [hbm4b:s5+s2], $0x80, v4, vm0, $0xb8;
	[tilespmem:$0xA080] =	vst v63  }
0x3c: {  	s14 =	simm.s32 $0x3880  }
0x3d: {  	[tilespmem:s14], [sflag:$0x1] =	stream.indirect_vreg.gather [hbm4b:s6+s2], $0x80, v4, vm1, $0xb8;
	[tilespmem:$0xA080] =	vst v63  }
0x3e: {  	s16 =	simm.s32 $0x3C80  }
0x3f: {  	[tilespmem:s16], [sflag:$0x1] =	stream.indirect_vreg.gather [hbm4b:s3+s2], $0x80, v3, vm0, $0xb8;
	[tilespmem:$0xA080] =	vst v63  }
0x40: {  	s18 =	simm.s32 $0x4480  }
0x41: {  	[tilespmem:s18], [sflag:$0x1] =	stream.indirect_vreg.gather [hbm4b:s5+s2], $0x80, v3, vm0, $0xb8;
	[tilespmem:$0xA080] =	vst v63  }
0x42: {  	s19 =	simm.s32 $0x4C80  }
0x43: {  	[tilespmem:s19], [sflag:$0x1] =	stream.indirect_vreg.gather [hbm4b:s6+s2], $0x80, v3, vm1, $0xb8;
	[tilespmem:$0xA080] =	vst v63  }
0x44: {  	_ =	swait.ge [sflag:s23], $0x5000  }
0x45: {  	[sflag:s23] =	ssyncset.done $0x0  }
0x46: {  	s20 =	rddreg [dreg:$0x4];
	[sflag:s23] =	ssyncadd.s32 $0xFFFFB000  }
0x47: {  	[hbm4b:s20+s2] =	stream.linear.scatter [tilespmem:s28], [sflag:$0x3], $0x5000, $0x38;
	[tilespmem:$0xA080] =	vst v63  }
0x48: {  	_ =	swait.ge [sflag:s10], $0x5000  }
0x49: {  	[sflag:s10] =	ssyncset.done $0x0  }
0x4a: {  	s21 =	rddreg [dreg:$0x5];
	[sflag:s10] =	ssyncadd.s32 $0xFFFFB000  }
0x4b: {  	[tilespmem:s2], [sflag:$0x3] =	stream.linear.gather [hbm4b:s21+s2], $0x20, $0x38;
	[tilespmem:$0xA080] =	vst v63  }
0x4c: {  	_ =	swait.ge [sflag:s10], $0x20  }
0x4d: {  	[sflag:s10] =	ssyncset.done $0x0  }
0x4e: {  	[sflag:s10] =	ssyncadd.s32 $0xFFFFFFE0  }
0x4f: {  	v3 =	vld [tilespmem:$0x0];
	_ =	sdelay $0x4  }
0x50: {  	v50 =	vshrl.u32 v3, $0x3  }
0x51: {  	v4 =	vmul.u32 $0x28, v50  }
0x52: {  	v3 =	vand.u32 $0x7, v3  }
0x53: {  	v3 =	vor.u32 v3, v4  }
0x54: {  	v4 =	vperm.xlane v3, v0;
	_ =	sdelay $0x1  }
0x55: {  	v4 =	vadd.s32 v1, v4;
	_ =	sdelay $0x3  }
0x56: {  	v3 =	vperm.xlane v3, v2  }
0x57: {  	[tilespmem:s24], [sflag:$0x2] =	stream.indirect_vreg.gather [hbm4b:s4+s2], $0x80, v4, vm0, $0xb8;
	[tilespmem:$0xA080] =	vst v63  }
0x58: {  	s22 =	simm.s32 $0x5880;
	v3 =	vadd.s32 v1, v3  }
0x59: {  	[tilespmem:s22], [sflag:$0x2] =	stream.indirect_vreg.gather [hbm4b:s7+s2], $0x80, v4, vm0, $0xb8;
	[tilespmem:$0xA080] =	vst v63  }
0x5a: {  	s25 =	simm.s32 $0x6080  }
0x5b: {  	[tilespmem:s25], [sflag:$0x2] =	stream.indirect_vreg.gather [hbm4b:s8+s2], $0x80, v4, vm1, $0xb8;
	[tilespmem:$0xA080] =	vst v63  }
0x5c: {  	s26 =	simm.s32 $0x6480  }
0x5d: {  	[tilespmem:s26], [sflag:$0x2] =	stream.indirect_vreg.gather [hbm4b:s4+s2], $0x80, v3, vm0, $0xb8;
	[tilespmem:$0xA080] =	vst v63  }
0x5e: {  	s29 =	simm.s32 $0x6C80  }
0x5f: {  	[tilespmem:s29], [sflag:$0x2] =	stream.indirect_vreg.gather [hbm4b:s7+s2], $0x80, v3, vm0, $0xb8;
	[tilespmem:$0xA080] =	vst v63  }
0x60: {  	s30 =	simm.s32 $0x7480  }
0x61: {  	[tilespmem:s30], [sflag:$0x2] =	stream.indirect_vreg.gather [hbm4b:s8+s2], $0x80, v3, vm1, $0xb8;
	[tilespmem:$0xA080] =	vst v63  }
0x62: {  	v3 =	vld [tilespmem:$0x10];
	_ =	sdelay $0x4  }
0x63: {  	v51 =	vshrl.u32 v3, $0x3  }
0x64: {  	v4 =	vmul.u32 $0x28, v51  }
0x65: {  	v3 =	vand.u32 $0x7, v3  }
0x66: {  	v3 =	vor.u32 v3, v4  }
0x67: {  	v4 =	vperm.xlane v3, v0;
	_ =	sdelay $0x1  }
0x68: {  	v4 =	vadd.s32 v1, v4;
	_ =	sdelay $0x3  }
0x69: {  	s31 =	simm.s32 $0x7880;
	v3 =	vperm.xlane v3, v2  }
0x6a: {  	[tilespmem:s31], [sflag:$0x2] =	stream.indirect_vreg.gather [hbm4b:s4+s2], $0x80, v4, vm0, $0xb8;
	[tilespmem:$0xA080] =	vst v63  }
0x6b: {  	s0 =	simm.s32 $0x8080;
	v3 =	vadd.s32 v1, v3  }
0x6c: {  	[tilespmem:s0], [sflag:$0x2] =	stream.indirect_vreg.gather [hbm4b:s7+s2], $0x80, v4, vm0, $0xb8;
	[tilespmem:$0xA080] =	vst v63  }
0x6d: {  	s12 =	simm.s32 $0x8880  }
0x6e: {  	[tilespmem:s12], [sflag:$0x2] =	stream.indirect_vreg.gather [hbm4b:s8+s2], $0x80, v4, vm1, $0xb8;
	[tilespmem:$0xA080] =	vst v63  }
0x6f: {  	s14 =	simm.s32 $0x8C80  }
0x70: {  	[tilespmem:s14], [sflag:$0x2] =	stream.indirect_vreg.gather [hbm4b:s4+s2], $0x80, v3, vm0, $0xb8;
	[tilespmem:$0xA080] =	vst v63  }
0x71: {  	s18 =	simm.s32 $0x9480  }
0x72: {  	[tilespmem:s18], [sflag:$0x2] =	stream.indirect_vreg.gather [hbm4b:s7+s2], $0x80, v3, vm0, $0xb8;
	[tilespmem:$0xA080] =	vst v63  }
0x73: {  	s19 =	simm.s32 $0x9C80  }
0x74: {  	[tilespmem:s19], [sflag:$0x2] =	stream.indirect_vreg.gather [hbm4b:s8+s2], $0x80, v3, vm1, $0xb8;
	[tilespmem:$0xA080] =	vst v63  }
0x75: {  	_ =	swait.ge [sflag:s15], $0x5000  }
0x76: {  	[sflag:s15] =	ssyncset.done $0x0  }
0x77: {  	s20 =	rddreg [dreg:$0x6];
	[sflag:s15] =	ssyncadd.s32 $0xFFFFB000  }
0x78: {  	[hbm4b:s20+s2] =	stream.linear.scatter [tilespmem:s24], [sflag:$0x3], $0x5000, $0x38;
	[tilespmem:$0xA080] =	vst v63  }
0x79: {  	_ =	swait.ge [sflag:s10], $0x5000  }
0x7a: {  	[sflag:s10] =	ssyncset.done $0x0  }
0x7b: {  	s21 =	rddreg [dreg:$0x7];
	[sflag:s10] =	ssyncadd.s32 $0xFFFFB000  }
0x7c: {  	[tilespmem:s2], [sflag:$0x3] =	stream.linear.gather [hbm4b:s21+s2], $0x20, $0x38;
	[tilespmem:$0xA080] =	vst v63  }
0x7d: {  	_ =	swait.ge [sflag:s10], $0x20  }
0x7e: {  	[sflag:s10] =	ssyncset.done $0x0  }
0x7f: {  	[sflag:s10] =	ssyncadd.s32 $0xFFFFFFE0  }
0x80: {  	v3 =	vld [tilespmem:$0x0];
	_ =	sdelay $0x4  }
0x81: {  	v52 =	vshrl.u32 v3, $0x3  }
0x82: {  	v4 =	vmul.u32 $0x28, v52  }
0x83: {  	v3 =	vand.u32 $0x7, v3  }
0x84: {  	v3 =	vor.u32 v3, v4  }
0x85: {  	v4 =	vperm.xlane v3, v0;
	_ =	sdelay $0x1  }
0x86: {  	v4 =	vadd.s32 v1, v4;
	_ =	sdelay $0x3  }
0x87: {  	v3 =	vperm.xlane v3, v2  }
0x88: {  	[tilespmem:s28], [sflag:$0x1] =	stream.indirect_vreg.gather [hbm4b:s3+s2], $0x80, v4, vm0, $0xb8;
	[tilespmem:$0xA080] =	vst v63  }
0x89: {  	s1 =	simm.s32 $0x880;
	v3 =	vadd.s32 v1, v3  }
0x8a: {  	[tilespmem:s1], [sflag:$0x1] =	stream.indirect_vreg.gather [hbm4b:s5+s2], $0x80, v4, vm0, $0xb8;
	[tilespmem:$0xA080] =	vst v63  }
0x8b: {  	s11 =	simm.s32 $0x1080  }
0x8c: {  	[tilespmem:s11], [sflag:$0x1] =	stream.indirect_vreg.gather [hbm4b:s6+s2], $0x80, v4, vm1, $0xb8;
	[tilespmem:$0xA080] =	vst v63  }
0x8d: {  	s18 =	simm.s32 $0x1480  }
0x8e: {  	[tilespmem:s18], [sflag:$0x1] =	stream.indirect_vreg.gather [hbm4b:s3+s2], $0x80, v3, vm0, $0xb8;
	[tilespmem:$0xA080] =	vst v63  }
0x8f: {  	s12 =	simm.s32 $0x1C80  }
0x90: {  	[tilespmem:s12], [sflag:$0x1] =	stream.indirect_vreg.gather [hbm4b:s5+s2], $0x80, v3, vm0, $0xb8;
	[tilespmem:$0xA080] =	vst v63  }
0x91: {  	s14 =	simm.s32 $0x2480  }
0x92: {  	[tilespmem:s14], [sflag:$0x1] =	stream.indirect_vreg.gather [hbm4b:s6+s2], $0x80, v3, vm1, $0xb8;
	[tilespmem:$0xA080] =	vst v63  }
0x93: {  	v3 =	vld [tilespmem:$0x10];
	_ =	sdelay $0x4  }
0x94: {  	v53 =	vshrl.u32 v3, $0x3  }
0x95: {  	v4 =	vmul.u32 $0x28, v53  }
0x96: {  	v3 =	vand.u32 $0x7, v3  }
0x97: {  	v3 =	vor.u32 v3, v4  }
0x98: {  	v4 =	vperm.xlane v3, v0;
	_ =	sdelay $0x1  }
0x99: {  	v4 =	vadd.s32 v1, v4;
	_ =	sdelay $0x3  }
0x9a: {  	s17 =	simm.s32 $0x2880;
	v3 =	vperm.xlane v3, v2  }
0x9b: {  	[tilespmem:s17], [sflag:$0x1] =	stream.indirect_vreg.gather [hbm4b:s3+s2], $0x80, v4, vm0, $0xb8;
	[tilespmem:$0xA080] =	vst v63  }
0x9c: {  	s13 =	simm.s32 $0x3080;
	v3 =	vadd.s32 v1, v3  }
0x9d: {  	[tilespmem:s13], [sflag:$0x1] =	stream.indirect_vreg.gather [hbm4b:s5+s2], $0x80, v4, vm0, $0xb8;
	[tilespmem:$0xA080] =	vst v63  }
0x9e: {  	s20 =	simm.s32 $0x3880  }
0x9f: {  	[tilespmem:s20], [sflag:$0x1] =	stream.indirect_vreg.gather [hbm4b:s6+s2], $0x80, v4, vm1, $0xb8;
	[tilespmem:$0xA080] =	vst v63  }
0xa0: {  	s17 =	simm.s32 $0x3C80  }
0xa1: {  	[tilespmem:s17], [sflag:$0x1] =	stream.indirect_vreg.gather [hbm4b:s3+s2], $0x80, v3, vm0, $0xb8;
	[tilespmem:$0xA080] =	vst v63  }
0xa2: {  	s19 =	simm.s32 $0x4480  }
0xa3: {  	[tilespmem:s19], [sflag:$0x1] =	stream.indirect_vreg.gather [hbm4b:s5+s2], $0x80, v3, vm0, $0xb8;
	[tilespmem:$0xA080] =	vst v63  }
0xa4: {  	s21 =	simm.s32 $0x4C80  }
0xa5: {  	[tilespmem:s21], [sflag:$0x1] =	stream.indirect_vreg.gather [hbm4b:s6+s2], $0x80, v3, vm1, $0xb8;
	[tilespmem:$0xA080] =	vst v63  }
0xa6: {  	_ =	swait.ge [sflag:s23], $0x5000  }
0xa7: {  	[sflag:s23] =	ssyncset.done $0x0  }
0xa8: {  	s22 =	rddreg [dreg:$0x8];
	[sflag:s23] =	ssyncadd.s32 $0xFFFFB000  }
0xa9: {  	[hbm4b:s22+s2] =	stream.linear.scatter [tilespmem:s28], [sflag:$0x3], $0x5000, $0x38;
	[tilespmem:$0xA080] =	vst v63  }
0xaa: {  	_ =	swait.ge [sflag:s10], $0x5000  }
0xab: {  	[sflag:s10] =	ssyncset.done $0x0  }
0xac: {  	s29 =	rddreg [dreg:$0x9];
	[sflag:s10] =	ssyncadd.s32 $0xFFFFB000  }
0xad: {  	[tilespmem:s2], [sflag:$0x3] =	stream.linear.gather [hbm4b:s29+s2], $0x20, $0x38;
	[tilespmem:$0xA080] =	vst v63  }
0xae: {  	_ =	swait.ge [sflag:s10], $0x20  }
0xaf: {  	[sflag:s10] =	ssyncset.done $0x0  }
0xb0: {  	[sflag:s10] =	ssyncadd.s32 $0xFFFFFFE0  }
0xb1: {  	v3 =	vld [tilespmem:$0x0];
	_ =	sdelay $0x4  }
0xb2: {  	v54 =	vshrl.u32 v3, $0x3  }
0xb3: {  	v4 =	vmul.u32 $0x28, v54  }
0xb4: {  	v3 =	vand.u32 $0x7, v3  }
0xb5: {  	v3 =	vor.u32 v3, v4  }
0xb6: {  	v4 =	vperm.xlane v3, v0;
	_ =	sdelay $0x1  }
0xb7: {  	v4 =	vadd.s32 v1, v4;
	_ =	sdelay $0x3  }
0xb8: {  	v3 =	vperm.xlane v3, v2  }
0xb9: {  	[tilespmem:s24], [sflag:$0x2] =	stream.indirect_vreg.gather [hbm4b:s4+s2], $0x80, v4, vm0, $0xb8;
	[tilespmem:$0xA080] =	vst v63  }
0xba: {  	s22 =	simm.s32 $0x5880;
	v3 =	vadd.s32 v1, v3  }
0xbb: {  	[tilespmem:s22], [sflag:$0x2] =	stream.indirect_vreg.gather [hbm4b:s7+s2], $0x80, v4, vm0, $0xb8;
	[tilespmem:$0xA080] =	vst v63  }
0xbc: {  	s0 =	simm.s32 $0x6080  }
0xbd: {  	[tilespmem:s0], [sflag:$0x2] =	stream.indirect_vreg.gather [hbm4b:s8+s2], $0x80, v4, vm1, $0xb8;
	[tilespmem:$0xA080] =	vst v63  }
0xbe: {  	s1 =	simm.s32 $0x6480  }
0xbf: {  	[tilespmem:s1], [sflag:$0x2] =	stream.indirect_vreg.gather [hbm4b:s4+s2], $0x80, v3, vm0, $0xb8;
	[tilespmem:$0xA080] =	vst v63  }
0xc0: {  	s11 =	simm.s32 $0x6C80  }
0xc1: {  	[tilespmem:s11], [sflag:$0x2] =	stream.indirect_vreg.gather [hbm4b:s7+s2], $0x80, v3, vm0, $0xb8;
	[tilespmem:$0xA080] =	vst v63  }
0xc2: {  	s13 =	simm.s32 $0x7480  }
0xc3: {  	[tilespmem:s13], [sflag:$0x2] =	stream.indirect_vreg.gather [hbm4b:s8+s2], $0x80, v3, vm1, $0xb8;
	[tilespmem:$0xA080] =	vst v63  }
0xc4: {  	v3 =	vld [tilespmem:$0x10];
	_ =	sdelay $0x4  }
0xc5: {  	v55 =	vshrl.u32 v3, $0x3  }
0xc6: {  	v4 =	vmul.u32 $0x28, v55  }
0xc7: {  	v3 =	vand.u32 $0x7, v3  }
0xc8: {  	v3 =	vor.u32 v3, v4  }
0xc9: {  	v4 =	vperm.xlane v3, v0;
	_ =	sdelay $0x1  }
0xca: {  	v4 =	vadd.s32 v1, v4;
	_ =	sdelay $0x3  }
0xcb: {  	s25 =	simm.s32 $0x7880;
	v3 =	vperm.xlane v3, v2  }
0xcc: {  	[tilespmem:s25], [sflag:$0x2] =	stream.indirect_vreg.gather [hbm4b:s4+s2], $0x80, v4, vm0, $0xb8;
	[tilespmem:$0xA080] =	vst v63  }
0xcd: {  	s30 =	simm.s32 $0x8080;
	v3 =	vadd.s32 v1, v3  }
0xce: {  	[tilespmem:s30], [sflag:$0x2] =	stream.indirect_vreg.gather [hbm4b:s7+s2], $0x80, v4, vm0, $0xb8;
	[tilespmem:$0xA080] =	vst v63  }
0xcf: {  	s30 =	simm.s32 $0x8880  }
0xd0: {  	[tilespmem:s30], [sflag:$0x2] =	stream.indirect_vreg.gather [hbm4b:s8+s2], $0x80, v4, vm1, $0xb8;
	[tilespmem:$0xA080] =	vst v63  }
0xd1: {  	s25 =	simm.s32 $0x8C80  }
0xd2: {  	[tilespmem:s25], [sflag:$0x2] =	stream.indirect_vreg.gather [hbm4b:s4+s2], $0x80, v3, vm0, $0xb8;
	[tilespmem:$0xA080] =	vst v63  }
0xd3: {  	s30 =	simm.s32 $0x9480  }
0xd4: {  	[tilespmem:s30], [sflag:$0x2] =	stream.indirect_vreg.gather [hbm4b:s7+s2], $0x80, v3, vm0, $0xb8;
	[tilespmem:$0xA080] =	vst v63  }
0xd5: {  	s26 =	simm.s32 $0x9C80  }
0xd6: {  	[tilespmem:s26], [sflag:$0x2] =	stream.indirect_vreg.gather [hbm4b:s8+s2], $0x80, v3, vm1, $0xb8;
	[tilespmem:$0xA080] =	vst v63  }
0xd7: {  	_ =	swait.ge [sflag:s15], $0x5000  }
0xd8: {  	[sflag:s15] =	ssyncset.done $0x0  }
0xd9: {  	s26 =	rddreg [dreg:$0xa];
	[sflag:s15] =	ssyncadd.s32 $0xFFFFB000  }
0xda: {  	[hbm4b:s26+s2] =	stream.linear.scatter [tilespmem:s24], [sflag:$0x3], $0x5000, $0x38;
	[tilespmem:$0xA080] =	vst v63  }
0xdb: {  	_ =	swait.ge [sflag:s10], $0x5000  }
0xdc: {  	[sflag:s10] =	ssyncset.done $0x0  }
0xdd: {  	s26 =	rddreg [dreg:$0xb];
	[sflag:s10] =	ssyncadd.s32 $0xFFFFB000  }
0xde: {  	[tilespmem:s2], [sflag:$0x3] =	stream.linear.gather [hbm4b:s26+s2], $0x20, $0x38;
	[tilespmem:$0xA080] =	vst v63  }
0xdf: {  	_ =	swait.ge [sflag:s10], $0x20  }
0xe0: {  	[sflag:s10] =	ssyncset.done $0x0  }
0xe1: {  	[sflag:s10] =	ssyncadd.s32 $0xFFFFFFE0  }
0xe2: {  	v3 =	vld [tilespmem:$0x0];
	_ =	sdelay $0x4  }
0xe3: {  	v56 =	vshrl.u32 v3, $0x3  }
0xe4: {  	v4 =	vmul.u32 $0x28, v56  }
0xe5: {  	v3 =	vand.u32 $0x7, v3  }
0xe6: {  	v3 =	vor.u32 v3, v4  }
0xe7: {  	v4 =	vperm.xlane v3, v0;
	_ =	sdelay $0x1  }
0xe8: {  	v4 =	vadd.s32 v1, v4;
	_ =	sdelay $0x3  }
0xe9: {  	v3 =	vperm.xlane v3, v2  }
0xea: {  	[tilespmem:s28], [sflag:$0x1] =	stream.indirect_vreg.gather [hbm4b:s3+s2], $0x80, v4, vm0, $0xb8;
	[tilespmem:$0xA080] =	vst v63  }
0xeb: {  	s31 =	simm.s32 $0x880;
	v3 =	vadd.s32 v1, v3  }
0xec: {  	[tilespmem:s31], [sflag:$0x1] =	stream.indirect_vreg.gather [hbm4b:s5+s2], $0x80, v4, vm0, $0xb8;
	[tilespmem:$0xA080] =	vst v63  }
0xed: {  	s26 =	simm.s32 $0x1080  }
0xee: {  	[tilespmem:s26], [sflag:$0x1] =	stream.indirect_vreg.gather [hbm4b:s6+s2], $0x80, v4, vm1, $0xb8;
	[tilespmem:$0xA080] =	vst v63  }
0xef: {  	_ = 	snop  }
0xf0: {  	[tilespmem:s18], [sflag:$0x1] =	stream.indirect_vreg.gather [hbm4b:s3+s2], $0x80, v3, vm0, $0xb8;
	[tilespmem:$0xA080] =	vst v63  }
0xf1: {  	_ = 	snop  }
0xf2: {  	[tilespmem:s12], [sflag:$0x1] =	stream.indirect_vreg.gather [hbm4b:s5+s2], $0x80, v3, vm0, $0xb8;
	[tilespmem:$0xA080] =	vst v63  }
0xf3: {  	_ = 	snop  }
0xf4: {  	[tilespmem:s14], [sflag:$0x1] =	stream.indirect_vreg.gather [hbm4b:s6+s2], $0x80, v3, vm1, $0xb8;
	[tilespmem:$0xA080] =	vst v63  }
0xf5: {  	v3 =	vld [tilespmem:$0x10];
	_ =	sdelay $0x4  }
0xf6: {  	v57 =	vshrl.u32 v3, $0x3  }
0xf7: {  	v4 =	vmul.u32 $0x28, v57  }
0xf8: {  	v3 =	vand.u32 $0x7, v3  }
0xf9: {  	v3 =	vor.u32 v3, v4  }
0xfa: {  	v4 =	vperm.xlane v3, v0;
	_ =	sdelay $0x1  }
0xfb: {  	v4 =	vadd.s32 v1, v4;
	_ =	sdelay $0x3  }
0xfc: {  	s26 =	simm.s32 $0x2880;
	v3 =	vperm.xlane v3, v2  }
0xfd: {  	[tilespmem:s26], [sflag:$0x1] =	stream.indirect_vreg.gather [hbm4b:s3+s2], $0x80, v4, vm0, $0xb8;
	[tilespmem:$0xA080] =	vst v63  }
0xfe: {  	v3 =	vadd.s32 v1, v3;
	s26 =	simm.s32 $0x3080  }
0xff: {  	[tilespmem:s26], [sflag:$0x1] =	stream.indirect_vreg.gather [hbm4b:s5+s2], $0x80, v4, vm0, $0xb8;
	[tilespmem:$0xA080] =	vst v63  }
0x100: {  	_ = 	snop  }
0x101: {  	[tilespmem:s20], [sflag:$0x1] =	stream.indirect_vreg.gather [hbm4b:s6+s2], $0x80, v4, vm1, $0xb8;
	[tilespmem:$0xA080] =	vst v63  }
0x102: {  	_ = 	snop  }
0x103: {  	[tilespmem:s17], [sflag:$0x1] =	stream.indirect_vreg.gather [hbm4b:s3+s2], $0x80, v3, vm0, $0xb8;
	[tilespmem:$0xA080] =	vst v63  }
0x104: {  	_ = 	snop  }
0x105: {  	[tilespmem:s19], [sflag:$0x1] =	stream.indirect_vreg.gather [hbm4b:s5+s2], $0x80, v3, vm0, $0xb8;
	[tilespmem:$0xA080] =	vst v63  }
0x106: {  	_ = 	snop  }
0x107: {  	[tilespmem:s21], [sflag:$0x1] =	stream.indirect_vreg.gather [hbm4b:s6+s2], $0x80, v3, vm1, $0xb8;
	[tilespmem:$0xA080] =	vst v63  }
0x108: {  	_ =	swait.ge [sflag:s23], $0x5000  }
0x109: {  	[sflag:s23] =	ssyncset.done $0x0  }
0x10a: {  	s26 =	rddreg [dreg:$0xc];
	[sflag:s23] =	ssyncadd.s32 $0xFFFFB000  }
0x10b: {  	[hbm4b:s26+s2] =	stream.linear.scatter [tilespmem:s28], [sflag:$0x3], $0x5000, $0x38;
	[tilespmem:$0xA080] =	vst v63  }
0x10c: {  	_ =	swait.ge [sflag:s10], $0x5000  }
0x10d: {  	[sflag:s10] =	ssyncset.done $0x0  }
0x10e: {  	s26 =	rddreg [dreg:$0xd];
	[sflag:s10] =	ssyncadd.s32 $0xFFFFB000  }
0x10f: {  	[tilespmem:s2], [sflag:$0x3] =	stream.linear.gather [hbm4b:s26+s2], $0x20, $0x38;
	[tilespmem:$0xA080] =	vst v63  }
0x110: {  	_ =	swait.ge [sflag:s10], $0x20  }
0x111: {  	[sflag:s10] =	ssyncset.done $0x0  }
0x112: {  	[sflag:s10] =	ssyncadd.s32 $0xFFFFFFE0  }
0x113: {  	v3 =	vld [tilespmem:$0x0];
	_ =	sdelay $0x4  }
0x114: {  	v58 =	vshrl.u32 v3, $0x3  }
0x115: {  	v4 =	vmul.u32 $0x28, v58  }
0x116: {  	v3 =	vand.u32 $0x7, v3  }
0x117: {  	v3 =	vor.u32 v3, v4  }
0x118: {  	v4 =	vperm.xlane v3, v0;
	_ =	sdelay $0x1  }
0x119: {  	v4 =	vadd.s32 v1, v4;
	_ =	sdelay $0x3  }
0x11a: {  	v3 =	vperm.xlane v3, v2  }
0x11b: {  	[tilespmem:s24], [sflag:$0x2] =	stream.indirect_vreg.gather [hbm4b:s4+s2], $0x80, v4, vm0, $0xb8;
	[tilespmem:$0xA080] =	vst v63  }
0x11c: {  	v3 =	vadd.s32 v1, v3  }
0x11d: {  	[tilespmem:s22], [sflag:$0x2] =	stream.indirect_vreg.gather [hbm4b:s7+s2], $0x80, v4, vm0, $0xb8;
	[tilespmem:$0xA080] =	vst v63  }
0x11e: {  	_ = 	snop  }
0x11f: {  	[tilespmem:s0], [sflag:$0x2] =	stream.indirect_vreg.gather [hbm4b:s8+s2], $0x80, v4, vm1, $0xb8;
	[tilespmem:$0xA080] =	vst v63  }
0x120: {  	_ = 	snop  }
0x121: {  	[tilespmem:s1], [sflag:$0x2] =	stream.indirect_vreg.gather [hbm4b:s4+s2], $0x80, v3, vm0, $0xb8;
	[tilespmem:$0xA080] =	vst v63  }
0x122: {  	_ = 	snop  }
0x123: {  	[tilespmem:s11], [sflag:$0x2] =	stream.indirect_vreg.gather [hbm4b:s7+s2], $0x80, v3, vm0, $0xb8;
	[tilespmem:$0xA080] =	vst v63  }
0x124: {  	_ = 	snop  }
0x125: {  	[tilespmem:s13], [sflag:$0x2] =	stream.indirect_vreg.gather [hbm4b:s8+s2], $0x80, v3, vm1, $0xb8;
	[tilespmem:$0xA080] =	vst v63  }
0x126: {  	v3 =	vld [tilespmem:$0x10];
	_ =	sdelay $0x4  }
0x127: {  	v59 =	vshrl.u32 v3, $0x3  }
0x128: {  	v4 =	vmul.u32 $0x28, v59  }
0x129: {  	v3 =	vand.u32 $0x7, v3  }
0x12a: {  	v3 =	vor.u32 v3, v4  }
0x12b: {  	v4 =	vperm.xlane v3, v0;
	_ =	sdelay $0x1  }
0x12c: {  	v4 =	vadd.s32 v1, v4;
	_ =	sdelay $0x3  }
0x12d: {  	s26 =	simm.s32 $0x7880;
	v3 =	vperm.xlane v3, v2  }
0x12e: {  	[tilespmem:s26], [sflag:$0x2] =	stream.indirect_vreg.gather [hbm4b:s4+s2], $0x80, v4, vm0, $0xb8;
	[tilespmem:$0xA080] =	vst v63  }
0x12f: {  	s29 =	simm.s32 $0x8080;
	v3 =	vadd.s32 v1, v3  }
0x130: {  	[tilespmem:s29], [sflag:$0x2] =	stream.indirect_vreg.gather [hbm4b:s7+s2], $0x80, v4, vm0, $0xb8;
	[tilespmem:$0xA080] =	vst v63  }
0x131: {  	s29 =	simm.s32 $0x8880  }
0x132: {  	[tilespmem:s29], [sflag:$0x2] =	stream.indirect_vreg.gather [hbm4b:s8+s2], $0x80, v4, vm1, $0xb8;
	[tilespmem:$0xA080] =	vst v63  }
0x133: {  	s25 =	simm.s32 $0x8C80  }
0x134: {  	[tilespmem:s25], [sflag:$0x2] =	stream.indirect_vreg.gather [hbm4b:s4+s2], $0x80, v3, vm0, $0xb8;
	[tilespmem:$0xA080] =	vst v63  }
0x135: {  	s30 =	simm.s32 $0x9480  }
0x136: {  	[tilespmem:s30], [sflag:$0x2] =	stream.indirect_vreg.gather [hbm4b:s7+s2], $0x80, v3, vm0, $0xb8;
	[tilespmem:$0xA080] =	vst v63  }
0x137: {  	s30 =	simm.s32 $0x9C80  }
0x138: {  	[tilespmem:s30], [sflag:$0x2] =	stream.indirect_vreg.gather [hbm4b:s8+s2], $0x80, v3, vm1, $0xb8;
	[tilespmem:$0xA080] =	vst v63  }
0x139: {  	_ =	swait.ge [sflag:s15], $0x5000  }
0x13a: {  	[sflag:s15] =	ssyncset.done $0x0  }
0x13b: {  	s16 =	rddreg [dreg:$0xe];
	[sflag:s15] =	ssyncadd.s32 $0xFFFFB000  }
0x13c: {  	[hbm4b:s16+s2] =	stream.linear.scatter [tilespmem:s24], [sflag:$0x3], $0x5000, $0x38;
	[tilespmem:$0xA080] =	vst v63  }
0x13d: {  	_ =	swait.ge [sflag:s10], $0x5000  }
0x13e: {  	[sflag:s10] =	ssyncset.done $0x0  }
0x13f: {  	s16 =	rddreg [dreg:$0xf];
	[sflag:s10] =	ssyncadd.s32 $0xFFFFB000  }
0x140: {  	[tilespmem:s2], [sflag:$0x3] =	stream.linear.gather [hbm4b:s16+s2], $0x20, $0x38;
	[tilespmem:$0xA080] =	vst v63  }
0x141: {  	_ =	swait.ge [sflag:s10], $0x20  }
0x142: {  	[sflag:s10] =	ssyncset.done $0x0  }
0x143: {  	[sflag:s10] =	ssyncadd.s32 $0xFFFFFFE0  }
0x144: {  	v3 =	vld [tilespmem:$0x0];
	_ =	sdelay $0x4  }
0x145: {  	v60 =	vshrl.u32 v3, $0x3  }
0x146: {  	v4 =	vmul.u32 $0x28, v60  }
0x147: {  	v3 =	vand.u32 $0x7, v3  }
0x148: {  	v3 =	vor.u32 v3, v4  }
0x149: {  	v4 =	vperm.xlane v3, v0;
	_ =	sdelay $0x1  }
0x14a: {  	v4 =	vadd.s32 v1, v4;
	_ =	sdelay $0x3  }
0x14b: {  	v3 =	vperm.xlane v3, v2  }
0x14c: {  	[tilespmem:s28], [sflag:$0x1] =	stream.indirect_vreg.gather [hbm4b:s3+s2], $0x80, v4, vm0, $0xb8;
	[tilespmem:$0xA080] =	vst v63  }
0x14d: {  	s31 =	simm.s32 $0x880;
	v3 =	vadd.s32 v1, v3  }
0x14e: {  	[tilespmem:s31], [sflag:$0x1] =	stream.indirect_vreg.gather [hbm4b:s5+s2], $0x80, v4, vm0, $0xb8;
	[tilespmem:$0xA080] =	vst v63  }
0x14f: {  	s31 =	simm.s32 $0x1080  }
0x150: {  	[tilespmem:s31], [sflag:$0x1] =	stream.indirect_vreg.gather [hbm4b:s6+s2], $0x80, v4, vm1, $0xb8;
	[tilespmem:$0xA080] =	vst v63  }
0x151: {  	s18 =	simm.s32 $0x1480  }
0x152: {  	[tilespmem:s18], [sflag:$0x1] =	stream.indirect_vreg.gather [hbm4b:s3+s2], $0x80, v3, vm0, $0xb8;
	[tilespmem:$0xA080] =	vst v63  }
0x153: {  	s12 =	simm.s32 $0x1C80  }
0x154: {  	[tilespmem:s12], [sflag:$0x1] =	stream.indirect_vreg.gather [hbm4b:s5+s2], $0x80, v3, vm0, $0xb8;
	[tilespmem:$0xA080] =	vst v63  }
0x155: {  	s14 =	simm.s32 $0x2480  }
0x156: {  	[tilespmem:s14], [sflag:$0x1] =	stream.indirect_vreg.gather [hbm4b:s6+s2], $0x80, v3, vm1, $0xb8;
	[tilespmem:$0xA080] =	vst v63  }
0x157: {  	v3 =	vld [tilespmem:$0x10];
	_ =	sdelay $0x4  }
0x158: {  	v61 =	vshrl.u32 v3, $0x3  }
0x159: {  	v4 =	vmul.u32 $0x28, v61  }
0x15a: {  	v3 =	vand.u32 $0x7, v3  }
0x15b: {  	v3 =	vor.u32 v3, v4  }
0x15c: {  	v4 =	vperm.xlane v3, v0;
	_ =	sdelay $0x1  }
0x15d: {  	v4 =	vadd.s32 v1, v4;
	_ =	sdelay $0x3  }
0x15e: {  	s16 =	simm.s32 $0x2880;
	v3 =	vperm.xlane v3, v2  }
0x15f: {  	[tilespmem:s16], [sflag:$0x1] =	stream.indirect_vreg.gather [hbm4b:s3+s2], $0x80, v4, vm0, $0xb8;
	[tilespmem:$0xA080] =	vst v63  }
0x160: {  	s18 =	simm.s32 $0x3080;
	v3 =	vadd.s32 v1, v3  }
0x161: {  	[tilespmem:s18], [sflag:$0x1] =	stream.indirect_vreg.gather [hbm4b:s5+s2], $0x80, v4, vm0, $0xb8;
	[tilespmem:$0xA080] =	vst v63  }
0x162: {  	s20 =	simm.s32 $0x3880  }
0x163: {  	[tilespmem:s20], [sflag:$0x1] =	stream.indirect_vreg.gather [hbm4b:s6+s2], $0x80, v4, vm1, $0xb8;
	[tilespmem:$0xA080] =	vst v63  }
0x164: {  	s17 =	simm.s32 $0x3C80  }
0x165: {  	[tilespmem:s17], [sflag:$0x1] =	stream.indirect_vreg.gather [hbm4b:s3+s2], $0x80, v3, vm0, $0xb8;
	[tilespmem:$0xA080] =	vst v63  }
0x166: {  	s19 =	simm.s32 $0x4480  }
0x167: {  	[tilespmem:s19], [sflag:$0x1] =	stream.indirect_vreg.gather [hbm4b:s5+s2], $0x80, v3, vm0, $0xb8;
	[tilespmem:$0xA080] =	vst v63  }
0x168: {  	s21 =	simm.s32 $0x4C80  }
0x169: {  	[tilespmem:s21], [sflag:$0x1] =	stream.indirect_vreg.gather [hbm4b:s6+s2], $0x80, v3, vm1, $0xb8;
	[tilespmem:$0xA080] =	vst v63  }
0x16a: {  	_ =	swait.ge [sflag:s23], $0x5000  }
0x16b: {  	[sflag:s23] =	ssyncset.done $0x0  }
0x16c: {  	s20 =	rddreg [dreg:$0x10];
	[sflag:s23] =	ssyncadd.s32 $0xFFFFB000  }
0x16d: {  	[hbm4b:s20+s2] =	stream.linear.scatter [tilespmem:s28], [sflag:$0x3], $0x5000, $0x38;
	[tilespmem:$0xA080] =	vst v63  }
0x16e: {  	_ =	swait.ge [sflag:s10], $0x5000  }
0x16f: {  	[sflag:s10] =	ssyncset.done $0x0  }
0x170: {  	s21 =	rddreg [dreg:$0x11];
	[sflag:s10] =	ssyncadd.s32 $0xFFFFB000  }
0x171: {  	[tilespmem:s2], [sflag:$0x3] =	stream.linear.gather [hbm4b:s21+s2], $0x20, $0x38;
	[tilespmem:$0xA080] =	vst v63  }
0x172: {  	_ =	swait.ge [sflag:s10], $0x20  }
0x173: {  	[sflag:s10] =	ssyncset.done $0x0  }
0x174: {  	[sflag:s10] =	ssyncadd.s32 $0xFFFFFFE0  }
0x175: {  	v3 =	vld [tilespmem:$0x0];
	_ =	sdelay $0x4  }
0x176: {  	v62 =	vshrl.u32 v3, $0x3  }
0x177: {  	v4 =	vmul.u32 $0x28, v62  }
0x178: {  	v3 =	vand.u32 $0x7, v3  }
0x179: {  	v3 =	vor.u32 v3, v4  }
0x17a: {  	v4 =	vperm.xlane v3, v0;
	_ =	sdelay $0x1  }
0x17b: {  	v4 =	vadd.s32 v1, v4;
	_ =	sdelay $0x3  }
0x17c: {  	v3 =	vperm.xlane v3, v2  }
0x17d: {  	[tilespmem:s24], [sflag:$0x2] =	stream.indirect_vreg.gather [hbm4b:s4+s2], $0x80, v4, vm0, $0xb8;
	[tilespmem:$0xA080] =	vst v63  }
0x17e: {  	s22 =	simm.s32 $0x5880;
	v3 =	vadd.s32 v1, v3  }
0x17f: {  	[tilespmem:s22], [sflag:$0x2] =	stream.indirect_vreg.gather [hbm4b:s7+s2], $0x80, v4, vm0, $0xb8;
	[tilespmem:$0xA080] =	vst v63  }
0x180: {  	s0 =	simm.s32 $0x6080  }
0x181: {  	[tilespmem:s0], [sflag:$0x2] =	stream.indirect_vreg.gather [hbm4b:s8+s2], $0x80, v4, vm1, $0xb8;
	[tilespmem:$0xA080] =	vst v63  }
0x182: {  	s1 =	simm.s32 $0x6480  }
0x183: {  	[tilespmem:s1], [sflag:$0x2] =	stream.indirect_vreg.gather [hbm4b:s4+s2], $0x80, v3, vm0, $0xb8;
	[tilespmem:$0xA080] =	vst v63  }
0x184: {  	s11 =	simm.s32 $0x6C80  }
0x185: {  	[tilespmem:s11], [sflag:$0x2] =	stream.indirect_vreg.gather [hbm4b:s7+s2], $0x80, v3, vm0, $0xb8;
	[tilespmem:$0xA080] =	vst v63  }
0x186: {  	s13 =	simm.s32 $0x7480  }
0x187: {  	[tilespmem:s13], [sflag:$0x2] =	stream.indirect_vreg.gather [hbm4b:s8+s2], $0x80, v3, vm1, $0xb8;
	[tilespmem:$0xA080] =	vst v63  }
0x188: {  	v3 =	vld [tilespmem:$0x10];
	_ =	sdelay $0x4  }
0x189: {  	v63 =	vshrl.u32 v3, $0x3  }
0x18a: {  	v4 =	vmul.u32 $0x28, v63  }
0x18b: {  	v3 =	vand.u32 $0x7, v3  }
0x18c: {  	v3 =	vor.u32 v3, v4  }
0x18d: {  	v4 =	vperm.xlane v3, v0;
	_ =	sdelay $0x1  }
0x18e: {  	v4 =	vadd.s32 v1, v4;
	_ =	sdelay $0x3  }
0x18f: {  	s22 =	simm.s32 $0x7880;
	v3 =	vperm.xlane v3, v2  }
0x190: {  	[tilespmem:s22], [sflag:$0x2] =	stream.indirect_vreg.gather [hbm4b:s4+s2], $0x80, v4, vm0, $0xb8;
	[tilespmem:$0xA080] =	vst v63  }
0x191: {  	s26 =	simm.s32 $0x8080;
	v3 =	vadd.s32 v1, v3  }
0x192: {  	[tilespmem:s26], [sflag:$0x2] =	stream.indirect_vreg.gather [hbm4b:s7+s2], $0x80, v4, vm0, $0xb8;
	[tilespmem:$0xA080] =	vst v63  }
0x193: {  	s26 =	simm.s32 $0x8880  }
0x194: {  	[tilespmem:s26], [sflag:$0x2] =	stream.indirect_vreg.gather [hbm4b:s8+s2], $0x80, v4, vm1, $0xb8;
	[tilespmem:$0xA080] =	vst v63  }
0x195: {  	s29 =	simm.s32 $0x8C80  }
0x196: {  	[tilespmem:s29], [sflag:$0x2] =	stream.indirect_vreg.gather [hbm4b:s4+s2], $0x80, v3, vm0, $0xb8;
	[tilespmem:$0xA080] =	vst v63  }
0x197: {  	s25 =	simm.s32 $0x9480  }
0x198: {  	[tilespmem:s25], [sflag:$0x2] =	stream.indirect_vreg.gather [hbm4b:s7+s2], $0x80, v3, vm0, $0xb8;
	[tilespmem:$0xA080] =	vst v63  }
0x199: {  	s30 =	simm.s32 $0x9C80  }
0x19a: {  	[tilespmem:s30], [sflag:$0x2] =	stream.indirect_vreg.gather [hbm4b:s8+s2], $0x80, v3, vm1, $0xb8;
	[tilespmem:$0xA080] =	vst v63  }
0x19b: {  	_ =	swait.ge [sflag:s15], $0x5000  }
0x19c: {  	p0 =	sne.s32 s9, $0x1;
	[sflag:s15] =	ssyncset.done $0x0  }
.Ltmp0:
0x19d: {  	s31 =	rddreg [dreg:$0x12];
	[sflag:s15] =	ssyncadd.s32 $0xFFFFB000;
	(pc) =	sbr.rel @p0 .LBB2_1-.Ltmp0, $4  }
0x19e: {  	[hbm4b:s31+s2] =	stream.linear.scatter [tilespmem:s24], [sflag:$0x3], $0x5000, $0x38;
	[tilespmem:$0xA080] =	vst v63  }
0x19f: {  	_ =	swait.ge [sflag:s10], $0x5000  }
0x1a0: {  	[sflag:s10] =	ssyncset.done $0x0  }
0x1a1: {  	s9 =	sadd.s32 $0xFFFFFFFF, s9;
	[sflag:s10] =	ssyncadd.s32 $0xFFFFB000  }
0x1a2: {  	_ =	sfence.sel $0x180000  }
0x1a3: {  	[bflag:$0x0] =	sbarrier.arrive $0xFFFF  }
0x1a4: {  	_ =	strace $0x9000004A  }
0x1a5: {  	s0 =	stileid.u32;
	[bflag:$0x2] =	sbarrier.arrive $0xFFFF  }
0x1a6: {  	p0 =	sne.s32 s0, $0x0;
	s0 =	rddreg [dreg:$0x2]  }
0x1a7: {  	s0 =	sadd.s32 @!p0 $0x100000, s0  }
0x1a8: {  	[sflag:s0] =	ssyncadd.tile.s32 @!p0 $0x1;
	_ =	shalt  }
.Lfunc_end2:
_tile_overlayer_lowered:
.L_overlay_start_2:
0x1a9: {  	(tag) =	ssettag $0x2  }
0x1aa: {  	s0 =	rddreg [dreg:$0x0];
	s2 =	stileid.u32  }
0x1ab: {  	s1 =	rddreg [dreg:$0x1];
	p0 =	sne.s32 s2, $0x0  }
0x1ac: {  	s3 =	rddreg [dreg:$0x2];
	[bflag:$0x3] =	sbarrier.arrive $0xFFFF;
	s2 =	simm.s32 @!p0 $0x1C03  }
0x1ad: {  	[timem:s3], [sflag:s2] =	dma.local @!p0 [hbm:s0], s1  }
0x1ae: {  	s0 =	simm.s32 @!p0 $0x3  }
0x1af: {  	_ =	swait.ge @!p0 [sflag:s0], s1  }
0x1b0: {  	s1 =	ssub.s32 @!p0 $0x0, s1;
	[sflag:s0] =	ssyncset.done @!p0 $0x0  }
0x1b1: {  	[sflag:s0] =	ssyncadd.s32 @!p0 s1  }
0x1b2: {  	[bflag:$0x3] =	sbarrier.arrive $0xFFFF  }
0x1b3: {  	_ =	shalt  }

</sc_bundles>
